<compile_context>
chip_gen: v7x
topology: tpu7x:2x2x1
jax: 0.10.2.dev20260603
libtpu: 0.0.44.dev20260713+nightly
codegen_flags: <defaults>
</compile_context>

<pallas_src>
import functools

import jax
import jax.numpy as jnp
from jax import lax
from jax.experimental import pallas as pl
from jax.experimental.pallas import tpu as pltpu
from jax.experimental.pallas import tpu_sc as plsc

N = 10000
D = 128
E = 320000
NC, NS = 2, 16
NW = NC * NS
EPW0 = E // NW
PADE = 8
EPW = EPW0 + PADE
CHUNK = 72
NCHUNK = EPW // CHUNK
NBUF = 3
NPAD = 10240
RPT = NPAD // NS
DEG_PAD = 10240
DPT = DEG_PAD // NS

_mesh = plsc.VectorSubcoreMesh(core_axis_name="c", subcore_axis_name="s")


@functools.partial(
    pl.kernel,
    out_type=jax.ShapeDtypeStruct((NC, DEG_PAD), jnp.float32),
    mesh=_mesh,
    scratch_types=[
        pltpu.VMEM_SHARED((DEG_PAD,), jnp.float32),
        pltpu.VMEM((EPW,), jnp.int32),
        pltpu.VMEM((80,), jnp.float32),
        pltpu.VMEM((128,), jnp.float32),
        pltpu.SemaphoreType.DMA,
    ],
)
def _deg_kernel(dst_hbm, out_hbm, acc, didx, ones, stage, sem):
    cid = lax.axis_index("c")
    sid = lax.axis_index("s")
    wid = sid * NC + cid

    pltpu.sync_copy(dst_hbm.at[pl.ds(wid * EPW, EPW)], didx)
    for i in range(8):
        stage[pl.ds(i * 16, 16)] = jnp.zeros((16,), jnp.float32)
    for i in range(5):
        ones[pl.ds(i * 16, 16)] = jnp.ones((16,), jnp.float32)
    for j in range(DPT // 128):
        pltpu.sync_copy(stage, acc.at[pl.ds(sid * DPT + j * 128, 128)])
    plsc.subcore_barrier()

    @pl.loop(0, NCHUNK)
    def _fire(c):
        pltpu.async_copy(ones.at[pl.ds(0, CHUNK)],
                         acc.at[didx.at[pl.ds(c * CHUNK, CHUNK)]],
                         sem, add=True)

        @pl.when(c >= 4)
        def _():
            pltpu.make_async_copy(
                ones.at[pl.ds(0, CHUNK)],
                acc.at[didx.at[pl.ds(0, CHUNK)]], sem).wait()

    @pl.loop(0, 4)
    def _drain(c):
        pltpu.make_async_copy(
            ones.at[pl.ds(0, CHUNK)],
            acc.at[didx.at[pl.ds(0, CHUNK)]], sem).wait()

    plsc.subcore_barrier()

    pltpu.sync_copy(acc.at[pl.ds(sid * DPT, DPT)],
                    out_hbm.at[cid, pl.ds(sid * DPT, DPT)])


@functools.partial(
    pl.kernel,
    out_type=jax.ShapeDtypeStruct((NC, NPAD, D), jnp.float32),
    mesh=_mesh,
    scratch_types=[
        pltpu.VMEM_SHARED((NPAD, D), jnp.float32),
        pltpu.VMEM((EPW,), jnp.int32),
        pltpu.VMEM((EPW,), jnp.int32),
        pltpu.VMEM((CHUNK, D), jnp.float32),
        pltpu.VMEM((CHUNK, D), jnp.float32),
        pltpu.VMEM((CHUNK, D), jnp.float32),
        pltpu.SemaphoreType.DMA,
        pltpu.SemaphoreType.DMA,
        pltpu.SemaphoreType.DMA,
        pltpu.SemaphoreType.DMA,
        pltpu.SemaphoreType.DMA,
        pltpu.SemaphoreType.DMA,
    ],
)
def _prop_kernel(z_hbm, src_hbm, dst_hbm, out_hbm, acc, sidx, didx,
                 rows0, rows1, rows2, gs0, gs1, gs2, ss0, ss1, ss2):
    cid = lax.axis_index("c")
    sid = lax.axis_index("s")
    wid = sid * NC + cid

    rows = (rows0, rows1, rows2)
    gsem = (gs0, gs1, gs2)
    ssem = (ss0, ss1, ss2)

    def zrow(i, carry):
        rows2[i // 8, pl.ds((i % 8) * 16, 16)] = jnp.zeros((16,), jnp.float32)
        return carry

    lax.fori_loop(0, CHUNK * 8, zrow, 0)
    nfull = RPT // CHUNK
    tail = RPT - nfull * CHUNK
    for j in range(nfull):
        pltpu.async_copy(rows2, acc.at[pl.ds(sid * RPT + j * CHUNK, CHUNK)],
                         ss0)
    pltpu.async_copy(rows2.at[pl.ds(0, tail)],
                     acc.at[pl.ds(sid * RPT + nfull * CHUNK, tail)], ss0)

    pltpu.sync_copy(src_hbm.at[pl.ds(wid * EPW, EPW)], sidx)
    pltpu.sync_copy(dst_hbm.at[pl.ds(wid * EPW, EPW)], didx)

    for j in range(nfull):
        pltpu.make_async_copy(
            rows2, acc.at[pl.ds(sid * RPT + j * CHUNK, CHUNK)], ss0).wait()
    pltpu.make_async_copy(
        rows2.at[pl.ds(0, tail)],
        acc.at[pl.ds(sid * RPT + nfull * CHUNK, tail)], ss0).wait()
    plsc.subcore_barrier()

    def gather(c, b):
        pltpu.async_copy(
            z_hbm.at[sidx.at[pl.ds(c * CHUNK, CHUNK)]], rows[b], gsem[b])

    def scatter(c, b):
        pltpu.async_copy(
            rows[b], acc.at[didx.at[pl.ds(c * CHUNK, CHUNK)]], ssem[b],
            add=True)

    def wait_gather(c, b):
        pltpu.make_async_copy(
            z_hbm.at[sidx.at[pl.ds(c * CHUNK, CHUNK)]], rows[b],
            gsem[b]).wait()

    def wait_scatter(b):
        pltpu.make_async_copy(
            rows[b], acc.at[didx.at[pl.ds(0, CHUNK)]], ssem[b]).wait()

    gather(0, 0)
    gather(1, 1)

    @pl.loop(0, NCHUNK - 1, step=NBUF)
    def _pipeline(c0):
        for b in range(NBUF):
            c = c0 + b
            wait_gather(c, b)
            scatter(c, b)

            @pl.when(c + 2 < NCHUNK)
            def _():
                nb = (b + 2) % NBUF

                @pl.when(c > 0)
                def _():
                    wait_scatter(nb)

                gather(c + 2, nb)

    last = NCHUNK - 1
    wait_gather(last, last % NBUF)
    scatter(last, last % NBUF)
    for b in range(NBUF):
        wait_scatter(b)

    plsc.subcore_barrier()

    pltpu.sync_copy(acc.at[pl.ds(sid * RPT, RPT)],
                    out_hbm.at[cid, pl.ds(sid * RPT, RPT)])


def kernel(h, edge_index, alphas):
    src = edge_index[0]
    dst = edge_index[1]

    srcp = jnp.concatenate(
        [src.reshape(NW, EPW0), jnp.zeros((NW, PADE), jnp.int32)],
        axis=1).reshape(-1)
    dstp = jnp.concatenate(
        [dst.reshape(NW, EPW0), jnp.full((NW, PADE), N, jnp.int32)],
        axis=1).reshape(-1)

    deg_p = _deg_kernel(dstp)
    deg = deg_p[0, :N] + deg_p[1, :N]
    dvec = jnp.where(deg > 0, lax.rsqrt(jnp.maximum(deg, 1.0)), 0.0)
    d1 = dvec[:, None]
    d2 = d1 * d1

    w1 = _prop_kernel(d1 * h, srcp, dstp)
    w1 = w1[0, :N] + w1[1, :N]
    w2 = _prop_kernel(d2 * w1, srcp, dstp)
    w2 = w2[0, :N] + w2[1, :N]
    w3 = _prop_kernel(d2 * w2, srcp, dstp)
    w3 = w3[0, :N] + w3[1, :N]

    powers = [h, d1 * w1, d1 * w2, d1 * w3]

    outs = [h]
    idx = 0
    for i in range(3):
        coef = [jnp.float32(1.0)]
        for _ in range(i + 1):
            a = alphas[idx]
            idx += 1
            new = [(1 - a) * coef[0]]
            for k in range(1, len(coef)):
                new.append((1 - a) * coef[k] + a * coef[k - 1])
            new.append(a * coef[-1])
            coef = new
        outs.append(sum(c * p for c, p in zip(coef, powers)))
    return jnp.concatenate(outs, axis=1)

# --- scband reference (transcript-rebuilt; emitter-appended) ---
"""Pipeline reference for scband-incep-layer-20667382628951 (READ-ONLY COPY).

The authoritative reference and input builder live on the scoring server;
editing this copy changes nothing except your own understanding.
"""

import jax, jax.numpy as jnp
import numpy as np

N = 10000
E = 320000
D = 128
HOP = 3

def setup_inputs(seed: int = 0):
    key = jax.random.key(seed)
    k1, k2, k3 = jax.random.split(key, 3)
    h = jax.random.normal(k1, (N, D), dtype=jnp.float32)
    edge_index = jax.random.randint(k2, (2, E), 0, N, dtype=jnp.int32)
    n_alpha = HOP * (HOP + 1) // 2
    alphas = jax.random.uniform(k3, (n_alpha,), dtype=jnp.float32)
    return {"h": h, "edge_index": edge_index, "alphas": alphas}

def _forward(h, alphas, src, dst):
    n = h.shape[0]
    deg = jnp.bincount(dst, length=n).astype(jnp.float32)
    d = jnp.where(deg > 0, 1.0 / jnp.sqrt(jnp.maximum(deg, 1.0)), 0.0)
    # edge weight e = d_dst * d_src (symmetric degree normalization, as in edge_applying)
    e = d[dst] * d[src]
    feat_r = h
    idx = 0
    for i in range(HOP):
        feat = h
        for j in range(i + 1):
            # u_mul_e + sum aggregation: gather source feats, scale by edge weight, scatter-add to dst
            msg = feat[src] * e[:, None]
            agg = jax.ops.segment_sum(msg, dst, num_segments=n)
            a = alphas[idx]
            idx += 1
            feat = agg * a + (1.0 - a) * feat
            # feature_drop with p=0.0 -> identity
        feat_r = jnp.concatenate([feat_r, feat], axis=1)
    return feat_r

def reference(h, edge_index, alphas):
    src = edge_index[0]
    dst = edge_index[1]
    return _forward(h, alphas, src, dst)

if __name__ == "__main__":
    import jax
    _d = setup_inputs()
    print(jax.jit(kernel)(*tuple(_d.values())))

</pallas_src>

<mosaic_0001>
#map = affine_map<(d0, d1) -> (0, 0)>
#map1 = affine_map<(d0, d1) -> (0)>
#map2 = affine_map<(d0, d1) -> (0, 0, 0)>
module attributes {stable_mosaic.version = 14 : i64} {
  func.func @_prop_kernel(%arg0: i32, %arg1: i32, %arg2: memref<10000x128xf32, #tpu.memory_space<hbm>>, %arg3: memref<320256xi32, #tpu.memory_space<hbm>>, %arg4: memref<320256xi32, #tpu.memory_space<hbm>>, %arg5: memref<2x10240x128xf32, #tpu.memory_space<hbm>>, %arg6: memref<10240x128xf32, #tpu.memory_space<vmem_shared>>, %arg7: memref<10008xi32, #tpu.memory_space<vmem>>, %arg8: memref<10008xi32, #tpu.memory_space<vmem>>, %arg9: memref<72x128xf32, #tpu.memory_space<vmem>>, %arg10: memref<72x128xf32, #tpu.memory_space<vmem>>, %arg11: memref<72x128xf32, #tpu.memory_space<vmem>>, %arg12: memref<!tpu.dma_semaphore, #tpu.memory_space<semaphore_mem>>, %arg13: memref<!tpu.dma_semaphore, #tpu.memory_space<semaphore_mem>>, %arg14: memref<!tpu.dma_semaphore, #tpu.memory_space<semaphore_mem>>, %arg15: memref<!tpu.dma_semaphore, #tpu.memory_space<semaphore_mem>>, %arg16: memref<!tpu.dma_semaphore, #tpu.memory_space<semaphore_mem>>, %arg17: memref<!tpu.dma_semaphore, #tpu.memory_space<semaphore_mem>>) attributes {dimension_semantics = [#tpu.dimension_semantics<core_parallel>, #tpu.dimension_semantics<subcore_parallel>], iteration_bounds = array<i64: 2, 16>, scalar_prefetch = 0 : i64, scratch_operands = 12 : i64, tpu.core_type = #tpu.core_type<sc_vector_subcore>, window_params = [{transform_indices = #map}, {transform_indices = #map1}, {transform_indices = #map1}, {transform_indices = #map2}]} {
    %mul3A = arith.constant 2 : i32
    %mul3A_0 = arith.muli %arg1, %mul3A : i32
    %add3A = arith.addi %mul3A_0, %arg0 : i32
    %scan3A = arith.constant 0 : i32
    %scan3A_1 = arith.constant 0 : i32
    %scan3A_2 = arith.constant 576 : i32
    %scan3A_3 = arith.addi %scan3A_1, %scan3A_2 : i32
    %scan3A_4 = arith.constant 1 : i32
    scf.for %scan3A_209 = %scan3A_1 to %scan3A_3 step %scan3A_4  : i32 {
      %broadcast_in_dim3A = arith.constant 0.000000e+00 : f32
      %broadcast_in_dim3A_210 = vector.broadcast %broadcast_in_dim3A : f32 to vector<16xf32>
      %jit3A = arith.constant 8 : i32
      %div3A = arith.divsi %scan3A_209, %jit3A : i32
      %sign3A = arith.constant 0 : i32
      %sign3A_211 = arith.cmpi sgt, %scan3A_209, %sign3A : i32
      %sign3A_212 = arith.extui %sign3A_211 : i1 to i32
      %sign3A_213 = arith.constant 0 : i32
      %sign3A_214 = arith.cmpi slt, %scan3A_209, %sign3A_213 : i32
      %sign3A_215 = arith.extui %sign3A_214 : i1 to i32
      %sign3A_216 = arith.subi %sign3A_212, %sign3A_215 : i32
      %sign3A_217 = arith.constant 0 : i32
      %sign3A_218 = arith.cmpi sgt, %jit3A, %sign3A_217 : i32
      %sign3A_219 = arith.extui %sign3A_218 : i1 to i32
      %sign3A_220 = arith.constant 0 : i32
      %sign3A_221 = arith.cmpi slt, %jit3A, %sign3A_220 : i32
      %sign3A_222 = arith.extui %sign3A_221 : i1 to i32
      %sign3A_223 = arith.subi %sign3A_219, %sign3A_222 : i32
      %ne3A = arith.cmpi ne, %sign3A_216, %sign3A_223 : i32
      %rem3A = arith.remsi %scan3A_209, %jit3A : i32
      %ne3A_224 = arith.constant 0 : i32
      %ne3A_225 = arith.cmpi ne, %rem3A, %ne3A_224 : i32
      %and3A = arith.andi %ne3A, %ne3A_225 : i1
      %sub3A = arith.constant 1 : i32
      %sub3A_226 = arith.subi %div3A, %sub3A : i32
      %select_n3A = arith.select %and3A, %sub3A_226, %div3A : i32
      %jit3A_227 = arith.constant 8 : i32
      %eq3A = arith.constant 0 : i32
      %eq3A_228 = arith.cmpi eq, %jit3A_227, %eq3A : i32
      %jit3A_229 = arith.constant 1 : i32
      %select_n3A_230 = arith.select %eq3A_228, %jit3A_229, %jit3A_227 : i32
      %rem3A_231 = arith.remsi %scan3A_209, %select_n3A_230 : i32
      %ne3A_232 = arith.constant 0 : i32
      %ne3A_233 = arith.cmpi ne, %rem3A_231, %ne3A_232 : i32
      %lt3A = arith.constant 0 : i32
      %lt3A_234 = arith.cmpi slt, %rem3A_231, %lt3A : i32
      %lt3A_235 = arith.constant 0 : i32
      %lt3A_236 = arith.cmpi slt, %select_n3A_230, %lt3A_235 : i32
      %ne3A_237 = arith.xori %lt3A_234, %lt3A_236 : i1
      %and3A_238 = arith.andi %ne3A_237, %ne3A_233 : i1
      %add3A_239 = arith.addi %rem3A_231, %select_n3A_230 : i32
      %select_n3A_240 = arith.select %and3A_238, %add3A_239, %rem3A_231 : i32
      %mul3A_241 = arith.constant 16 : i32
      %mul3A_242 = arith.muli %select_n3A_240, %mul3A_241 : i32
      %swap3A = arith.index_cast %select_n3A : i32 to index
      %swap3A_243 = arith.index_cast %mul3A_242 : i32 to index
      %swap3A_244 = tpu.vector_load %arg11[%swap3A, %swap3A_243] {strides = array<i32>} : memref<72x128xf32, #tpu.memory_space<vmem>>, vector<1x16xf32>,
      %swap3A_245 = vector.shape_cast %swap3A_244 : vector<1x16xf32> to vector<16xf32>
      %swap3A_246 = vector.shape_cast %broadcast_in_dim3A_210 : vector<16xf32> to vector<1x16xf32>
      tpu.vector_store %arg11[%swap3A, %swap3A_243], %swap3A_246 {strides = array<i32>} : memref<72x128xf32, #tpu.memory_space<vmem>>, vector<1x16xf32>,
    }
    %scan3A_5 = arith.constant 576 : i32
    %mul3A_6 = arith.constant 640 : i32
    %mul3A_7 = arith.muli %arg1, %mul3A_6 : i32
    %add3A_8 = arith.constant 0 : i32
    %add3A_9 = arith.addi %mul3A_7, %add3A_8 : i32
    %dma_start3A = arith.constant 0 : i32
    %dma_start3A_10 = tpu.memref_slice %arg6[%add3A_9, %dma_start3A] : memref<10240x128xf32, #tpu.memory_space<vmem_shared>> -> memref<72x128xf32, #tpu.memory_space<vmem_shared>>
    %dma_start3A_11 = arith.constant 0 : i32
    %dma_start3A_12 = tpu.memref_slice %arg6[%add3A_9, %dma_start3A_11] : memref<10240x128xf32, #tpu.memory_space<vmem_shared>> -> memref<72x128xf32, #tpu.memory_space<vmem_shared>>
    tpu.enqueue_dma source(%arg11 : memref<72x128xf32, #tpu.memory_space<vmem>>) target(%dma_start3A_12 : memref<72x128xf32, #tpu.memory_space<vmem_shared>>) target_semaphore(%arg15 : memref<!tpu.dma_semaphore, #tpu.memory_space<semaphore_mem>>)
    %mul3A_13 = arith.constant 640 : i32
    %mul3A_14 = arith.muli %arg1, %mul3A_13 : i32
    %add3A_15 = arith.constant 72 : i32
    %add3A_16 = arith.addi %mul3A_14, %add3A_15 : i32
    %dma_start3A_17 = arith.constant 0 : i32
    %dma_start3A_18 = tpu.memref_slice %arg6[%add3A_16, %dma_start3A_17] : memref<10240x128xf32, #tpu.memory_space<vmem_shared>> -> memref<72x128xf32, #tpu.memory_space<vmem_shared>>
    %dma_start3A_19 = arith.constant 0 : i32
    %dma_start3A_20 = tpu.memref_slice %arg6[%add3A_16, %dma_start3A_19] : memref<10240x128xf32, #tpu.memory_space<vmem_shared>> -> memref<72x128xf32, #tpu.memory_space<vmem_shared>>
    tpu.enqueue_dma source(%arg11 : memref<72x128xf32, #tpu.memory_space<vmem>>) target(%dma_start3A_20 : memref<72x128xf32, #tpu.memory_space<vmem_shared>>) target_semaphore(%arg15 : memref<!tpu.dma_semaphore, #tpu.memory_space<semaphore_mem>>)
    %mul3A_21 = arith.constant 640 : i32
    %mul3A_22 = arith.muli %arg1, %mul3A_21 : i32
    %add3A_23 = arith.constant 144 : i32
    %add3A_24 = arith.addi %mul3A_22, %add3A_23 : i32
    %dma_start3A_25 = arith.constant 0 : i32
    %dma_start3A_26 = tpu.memref_slice %arg6[%add3A_24, %dma_start3A_25] : memref<10240x128xf32, #tpu.memory_space<vmem_shared>> -> memref<72x128xf32, #tpu.memory_space<vmem_shared>>
    %dma_start3A_27 = arith.constant 0 : i32
    %dma_start3A_28 = tpu.memref_slice %arg6[%add3A_24, %dma_start3A_27] : memref<10240x128xf32, #tpu.memory_space<vmem_shared>> -> memref<72x128xf32, #tpu.memory_space<vmem_shared>>
    tpu.enqueue_dma source(%arg11 : memref<72x128xf32, #tpu.memory_space<vmem>>) target(%dma_start3A_28 : memref<72x128xf32, #tpu.memory_space<vmem_shared>>) target_semaphore(%arg15 : memref<!tpu.dma_semaphore, #tpu.memory_space<semaphore_mem>>)
    %mul3A_29 = arith.constant 640 : i32
    %mul3A_30 = arith.muli %arg1, %mul3A_29 : i32
    %add3A_31 = arith.constant 216 : i32
    %add3A_32 = arith.addi %mul3A_30, %add3A_31 : i32
    %dma_start3A_33 = arith.constant 0 : i32
    %dma_start3A_34 = tpu.memref_slice %arg6[%add3A_32, %dma_start3A_33] : memref<10240x128xf32, #tpu.memory_space<vmem_shared>> -> memref<72x128xf32, #tpu.memory_space<vmem_shared>>
    %dma_start3A_35 = arith.constant 0 : i32
    %dma_start3A_36 = tpu.memref_slice %arg6[%add3A_32, %dma_start3A_35] : memref<10240x128xf32, #tpu.memory_space<vmem_shared>> -> memref<72x128xf32, #tpu.memory_space<vmem_shared>>
    tpu.enqueue_dma source(%arg11 : memref<72x128xf32, #tpu.memory_space<vmem>>) target(%dma_start3A_36 : memref<72x128xf32, #tpu.memory_space<vmem_shared>>) target_semaphore(%arg15 : memref<!tpu.dma_semaphore, #tpu.memory_space<semaphore_mem>>)
    %mul3A_37 = arith.constant 640 : i32
    %mul3A_38 = arith.muli %arg1, %mul3A_37 : i32
    %add3A_39 = arith.constant 288 : i32
    %add3A_40 = arith.addi %mul3A_38, %add3A_39 : i32
    %dma_start3A_41 = arith.constant 0 : i32
    %dma_start3A_42 = tpu.memref_slice %arg6[%add3A_40, %dma_start3A_41] : memref<10240x128xf32, #tpu.memory_space<vmem_shared>> -> memref<72x128xf32, #tpu.memory_space<vmem_shared>>
    %dma_start3A_43 = arith.constant 0 : i32
    %dma_start3A_44 = tpu.memref_slice %arg6[%add3A_40, %dma_start3A_43] : memref<10240x128xf32, #tpu.memory_space<vmem_shared>> -> memref<72x128xf32, #tpu.memory_space<vmem_shared>>
    tpu.enqueue_dma source(%arg11 : memref<72x128xf32, #tpu.memory_space<vmem>>) target(%dma_start3A_44 : memref<72x128xf32, #tpu.memory_space<vmem_shared>>) target_semaphore(%arg15 : memref<!tpu.dma_semaphore, #tpu.memory_space<semaphore_mem>>)
    %mul3A_45 = arith.constant 640 : i32
    %mul3A_46 = arith.muli %arg1, %mul3A_45 : i32
    %add3A_47 = arith.constant 360 : i32
    %add3A_48 = arith.addi %mul3A_46, %add3A_47 : i32
    %dma_start3A_49 = arith.constant 0 : i32
    %dma_start3A_50 = tpu.memref_slice %arg6[%add3A_48, %dma_start3A_49] : memref<10240x128xf32, #tpu.memory_space<vmem_shared>> -> memref<72x128xf32, #tpu.memory_space<vmem_shared>>
    %dma_start3A_51 = arith.constant 0 : i32
    %dma_start3A_52 = tpu.memref_slice %arg6[%add3A_48, %dma_start3A_51] : memref<10240x128xf32, #tpu.memory_space<vmem_shared>> -> memref<72x128xf32, #tpu.memory_space<vmem_shared>>
    tpu.enqueue_dma source(%arg11 : memref<72x128xf32, #tpu.memory_space<vmem>>) target(%dma_start3A_52 : memref<72x128xf32, #tpu.memory_space<vmem_shared>>) target_semaphore(%arg15 : memref<!tpu.dma_semaphore, #tpu.memory_space<semaphore_mem>>)
    %mul3A_53 = arith.constant 640 : i32
    %mul3A_54 = arith.muli %arg1, %mul3A_53 : i32
    %add3A_55 = arith.constant 432 : i32
    %add3A_56 = arith.addi %mul3A_54, %add3A_55 : i32
    %dma_start3A_57 = arith.constant 0 : i32
    %dma_start3A_58 = tpu.memref_slice %arg6[%add3A_56, %dma_start3A_57] : memref<10240x128xf32, #tpu.memory_space<vmem_shared>> -> memref<72x128xf32, #tpu.memory_space<vmem_shared>>
    %dma_start3A_59 = arith.constant 0 : i32
    %dma_start3A_60 = tpu.memref_slice %arg6[%add3A_56, %dma_start3A_59] : memref<10240x128xf32, #tpu.memory_space<vmem_shared>> -> memref<72x128xf32, #tpu.memory_space<vmem_shared>>
    tpu.enqueue_dma source(%arg11 : memref<72x128xf32, #tpu.memory_space<vmem>>) target(%dma_start3A_60 : memref<72x128xf32, #tpu.memory_space<vmem_shared>>) target_semaphore(%arg15 : memref<!tpu.dma_semaphore, #tpu.memory_space<semaphore_mem>>)
    %mul3A_61 = arith.constant 640 : i32
    %mul3A_62 = arith.muli %arg1, %mul3A_61 : i32
    %add3A_63 = arith.constant 504 : i32
    %add3A_64 = arith.addi %mul3A_62, %add3A_63 : i32
    %dma_start3A_65 = arith.constant 0 : i32
    %dma_start3A_66 = tpu.memref_slice %arg6[%add3A_64, %dma_start3A_65] : memref<10240x128xf32, #tpu.memory_space<vmem_shared>> -> memref<72x128xf32, #tpu.memory_space<vmem_shared>>
    %dma_start3A_67 = arith.constant 0 : i32
    %dma_start3A_68 = tpu.memref_slice %arg6[%add3A_64, %dma_start3A_67] : memref<10240x128xf32, #tpu.memory_space<vmem_shared>> -> memref<72x128xf32, #tpu.memory_space<vmem_shared>>
    tpu.enqueue_dma source(%arg11 : memref<72x128xf32, #tpu.memory_space<vmem>>) target(%dma_start3A_68 : memref<72x128xf32, #tpu.memory_space<vmem_shared>>) target_semaphore(%arg15 : memref<!tpu.dma_semaphore, #tpu.memory_space<semaphore_mem>>)
    %mul3A_69 = arith.constant 640 : i32
    %mul3A_70 = arith.muli %arg1, %mul3A_69 : i32
    %add3A_71 = arith.constant 576 : i32
    %add3A_72 = arith.addi %mul3A_70, %add3A_71 : i32
    %dma_start3A_73 = arith.constant 0 : i32
    %dma_start3A_74 = arith.constant 0 : i32
    %dma_start3A_75 = tpu.memref_slice %arg11[%dma_start3A_73, %dma_start3A_74] : memref<72x128xf32, #tpu.memory_space<vmem>> -> memref<64x128xf32, #tpu.memory_space<vmem>>
    %dma_start3A_76 = arith.constant 0 : i32
    %dma_start3A_77 = tpu.memref_slice %arg6[%add3A_72, %dma_start3A_76] : memref<10240x128xf32, #tpu.memory_space<vmem_shared>> -> memref<64x128xf32, #tpu.memory_space<vmem_shared>>
    %dma_start3A_78 = arith.constant 0 : i32
    %dma_start3A_79 = tpu.memref_slice %arg6[%add3A_72, %dma_start3A_78] : memref<10240x128xf32, #tpu.memory_space<vmem_shared>> -> memref<64x128xf32, #tpu.memory_space<vmem_shared>>
    %dma_start3A_80 = arith.constant 0 : i32
    %dma_start3A_81 = arith.constant 0 : i32
    %dma_start3A_82 = tpu.memref_slice %arg11[%dma_start3A_80, %dma_start3A_81] : memref<72x128xf32, #tpu.memory_space<vmem>> -> memref<64x128xf32, #tpu.memory_space<vmem>>
    tpu.enqueue_dma source(%dma_start3A_82 : memref<64x128xf32, #tpu.memory_space<vmem>>) target(%dma_start3A_79 : memref<64x128xf32, #tpu.memory_space<vmem_shared>>) target_semaphore(%arg15 : memref<!tpu.dma_semaphore, #tpu.memory_space<semaphore_mem>>)
    %mul3A_83 = arith.constant 10008 : i32
    %mul3A_84 = arith.muli %add3A, %mul3A_83 : i32
    "tpu.region"() ({
      %run_scoped3A = tpu.sem_alloc : memref<!tpu.dma_semaphore, #tpu.memory_space<semaphore_mem>>
      %dma_start3A_209 = tpu.memref_slice %arg3[%mul3A_84] : memref<320256xi32, #tpu.memory_space<hbm>> -> memref<10008xi32, #tpu.memory_space<hbm>>
      %dma_start3A_210 = tpu.memref_slice %arg3[%mul3A_84] : memref<320256xi32, #tpu.memory_space<hbm>> -> memref<10008xi32, #tpu.memory_space<hbm>>
      tpu.enqueue_dma source(%dma_start3A_210 : memref<10008xi32, #tpu.memory_space<hbm>>) target(%arg7 : memref<10008xi32, #tpu.memory_space<vmem>>) target_semaphore(%run_scoped3A : memref<!tpu.dma_semaphore, #tpu.memory_space<semaphore_mem>>)
      %dma_wait3A_211 = tpu.memref_slice %arg3[%mul3A_84] : memref<320256xi32, #tpu.memory_space<hbm>> -> memref<10008xi32, #tpu.memory_space<hbm>>
      %dma_wait3A_212 = tpu.memref_slice %arg3[%mul3A_84] : memref<320256xi32, #tpu.memory_space<hbm>> -> memref<10008xi32, #tpu.memory_space<hbm>>
      tpu.wait_dma2 semaphore(%run_scoped3A : memref<!tpu.dma_semaphore, #tpu.memory_space<semaphore_mem>>) src(%dma_wait3A_212 : memref<10008xi32, #tpu.memory_space<hbm>>) dst(%arg7 : memref<10008xi32, #tpu.memory_space<vmem>>)
      tpu.yield
    }) : () -> ()
    %mul3A_85 = arith.constant 10008 : i32
    %mul3A_86 = arith.muli %add3A, %mul3A_85 : i32
    "tpu.region"() ({
      %run_scoped3A = tpu.sem_alloc : memref<!tpu.dma_semaphore, #tpu.memory_space<semaphore_mem>>
      %dma_start3A_209 = tpu.memref_slice %arg4[%mul3A_86] : memref<320256xi32, #tpu.memory_space<hbm>> -> memref<10008xi32, #tpu.memory_space<hbm>>
      %dma_start3A_210 = tpu.memref_slice %arg4[%mul3A_86] : memref<320256xi32, #tpu.memory_space<hbm>> -> memref<10008xi32, #tpu.memory_space<hbm>>
      tpu.enqueue_dma source(%dma_start3A_210 : memref<10008xi32, #tpu.memory_space<hbm>>) target(%arg8 : memref<10008xi32, #tpu.memory_space<vmem>>) target_semaphore(%run_scoped3A : memref<!tpu.dma_semaphore, #tpu.memory_space<semaphore_mem>>)
      %dma_wait3A_211 = tpu.memref_slice %arg4[%mul3A_86] : memref<320256xi32, #tpu.memory_space<hbm>> -> memref<10008xi32, #tpu.memory_space<hbm>>
      %dma_wait3A_212 = tpu.memref_slice %arg4[%mul3A_86] : memref<320256xi32, #tpu.memory_space<hbm>> -> memref<10008xi32, #tpu.memory_space<hbm>>
      tpu.wait_dma2 semaphore(%run_scoped3A : memref<!tpu.dma_semaphore, #tpu.memory_space<semaphore_mem>>) src(%dma_wait3A_212 : memref<10008xi32, #tpu.memory_space<hbm>>) dst(%arg8 : memref<10008xi32, #tpu.memory_space<vmem>>)
      tpu.yield
    }) : () -> ()
    %mul3A_87 = arith.constant 640 : i32
    %mul3A_88 = arith.muli %arg1, %mul3A_87 : i32
    %add3A_89 = arith.constant 0 : i32
    %add3A_90 = arith.addi %mul3A_88, %add3A_89 : i32
    %dma_wait3A = arith.constant 0 : i32
    %dma_wait3A_91 = tpu.memref_slice %arg6[%add3A_90, %dma_wait3A] : memref<10240x128xf32, #tpu.memory_space<vmem_shared>> -> memref<72x128xf32, #tpu.memory_space<vmem_shared>>
    %dma_wait3A_92 = arith.constant 0 : i32
    %dma_wait3A_93 = tpu.memref_slice %arg6[%add3A_90, %dma_wait3A_92] : memref<10240x128xf32, #tpu.memory_space<vmem_shared>> -> memref<72x128xf32, #tpu.memory_space<vmem_shared>>
    tpu.wait_dma2 semaphore(%arg15 : memref<!tpu.dma_semaphore, #tpu.memory_space<semaphore_mem>>) src(%arg11 : memref<72x128xf32, #tpu.memory_space<vmem>>) dst(%dma_wait3A_93 : memref<72x128xf32, #tpu.memory_space<vmem_shared>>)
    %mul3A_94 = arith.constant 640 : i32
    %mul3A_95 = arith.muli %arg1, %mul3A_94 : i32
    %add3A_96 = arith.constant 72 : i32
    %add3A_97 = arith.addi %mul3A_95, %add3A_96 : i32
    %dma_wait3A_98 = arith.constant 0 : i32
    %dma_wait3A_99 = tpu.memref_slice %arg6[%add3A_97, %dma_wait3A_98] : memref<10240x128xf32, #tpu.memory_space<vmem_shared>> -> memref<72x128xf32, #tpu.memory_space<vmem_shared>>
    %dma_wait3A_100 = arith.constant 0 : i32
    %dma_wait3A_101 = tpu.memref_slice %arg6[%add3A_97, %dma_wait3A_100] : memref<10240x128xf32, #tpu.memory_space<vmem_shared>> -> memref<72x128xf32, #tpu.memory_space<vmem_shared>>
    tpu.wait_dma2 semaphore(%arg15 : memref<!tpu.dma_semaphore, #tpu.memory_space<semaphore_mem>>) src(%arg11 : memref<72x128xf32, #tpu.memory_space<vmem>>) dst(%dma_wait3A_101 : memref<72x128xf32, #tpu.memory_space<vmem_shared>>)
    %mul3A_102 = arith.constant 640 : i32
    %mul3A_103 = arith.muli %arg1, %mul3A_102 : i32
    %add3A_104 = arith.constant 144 : i32
    %add3A_105 = arith.addi %mul3A_103, %add3A_104 : i32
    %dma_wait3A_106 = arith.constant 0 : i32
    %dma_wait3A_107 = tpu.memref_slice %arg6[%add3A_105, %dma_wait3A_106] : memref<10240x128xf32, #tpu.memory_space<vmem_shared>> -> memref<72x128xf32, #tpu.memory_space<vmem_shared>>
    %dma_wait3A_108 = arith.constant 0 : i32
    %dma_wait3A_109 = tpu.memref_slice %arg6[%add3A_105, %dma_wait3A_108] : memref<10240x128xf32, #tpu.memory_space<vmem_shared>> -> memref<72x128xf32, #tpu.memory_space<vmem_shared>>
    tpu.wait_dma2 semaphore(%arg15 : memref<!tpu.dma_semaphore, #tpu.memory_space<semaphore_mem>>) src(%arg11 : memref<72x128xf32, #tpu.memory_space<vmem>>) dst(%dma_wait3A_109 : memref<72x128xf32, #tpu.memory_space<vmem_shared>>)
    %mul3A_110 = arith.constant 640 : i32
    %mul3A_111 = arith.muli %arg1, %mul3A_110 : i32
    %add3A_112 = arith.constant 216 : i32
    %add3A_113 = arith.addi %mul3A_111, %add3A_112 : i32
    %dma_wait3A_114 = arith.constant 0 : i32
    %dma_wait3A_115 = tpu.memref_slice %arg6[%add3A_113, %dma_wait3A_114] : memref<10240x128xf32, #tpu.memory_space<vmem_shared>> -> memref<72x128xf32, #tpu.memory_space<vmem_shared>>
    %dma_wait3A_116 = arith.constant 0 : i32
    %dma_wait3A_117 = tpu.memref_slice %arg6[%add3A_113, %dma_wait3A_116] : memref<10240x128xf32, #tpu.memory_space<vmem_shared>> -> memref<72x128xf32, #tpu.memory_space<vmem_shared>>
    tpu.wait_dma2 semaphore(%arg15 : memref<!tpu.dma_semaphore, #tpu.memory_space<semaphore_mem>>) src(%arg11 : memref<72x128xf32, #tpu.memory_space<vmem>>) dst(%dma_wait3A_117 : memref<72x128xf32, #tpu.memory_space<vmem_shared>>)
    %mul3A_118 = arith.constant 640 : i32
    %mul3A_119 = arith.muli %arg1, %mul3A_118 : i32
    %add3A_120 = arith.constant 288 : i32
    %add3A_121 = arith.addi %mul3A_119, %add3A_120 : i32
    %dma_wait3A_122 = arith.constant 0 : i32
    %dma_wait3A_123 = tpu.memref_slice %arg6[%add3A_121, %dma_wait3A_122] : memref<10240x128xf32, #tpu.memory_space<vmem_shared>> -> memref<72x128xf32, #tpu.memory_space<vmem_shared>>
    %dma_wait3A_124 = arith.constant 0 : i32
    %dma_wait3A_125 = tpu.memref_slice %arg6[%add3A_121, %dma_wait3A_124] : memref<10240x128xf32, #tpu.memory_space<vmem_shared>> -> memref<72x128xf32, #tpu.memory_space<vmem_shared>>
    tpu.wait_dma2 semaphore(%arg15 : memref<!tpu.dma_semaphore, #tpu.memory_space<semaphore_mem>>) src(%arg11 : memref<72x128xf32, #tpu.memory_space<vmem>>) dst(%dma_wait3A_125 : memref<72x128xf32, #tpu.memory_space<vmem_shared>>)
    %mul3A_126 = arith.constant 640 : i32
    %mul3A_127 = arith.muli %arg1, %mul3A_126 : i32
    %add3A_128 = arith.constant 360 : i32
    %add3A_129 = arith.addi %mul3A_127, %add3A_128 : i32
    %dma_wait3A_130 = arith.constant 0 : i32
    %dma_wait3A_131 = tpu.memref_slice %arg6[%add3A_129, %dma_wait3A_130] : memref<10240x128xf32, #tpu.memory_space<vmem_shared>> -> memref<72x128xf32, #tpu.memory_space<vmem_shared>>
    %dma_wait3A_132 = arith.constant 0 : i32
    %dma_wait3A_133 = tpu.memref_slice %arg6[%add3A_129, %dma_wait3A_132] : memref<10240x128xf32, #tpu.memory_space<vmem_shared>> -> memref<72x128xf32, #tpu.memory_space<vmem_shared>>
    tpu.wait_dma2 semaphore(%arg15 : memref<!tpu.dma_semaphore, #tpu.memory_space<semaphore_mem>>) src(%arg11 : memref<72x128xf32, #tpu.memory_space<vmem>>) dst(%dma_wait3A_133 : memref<72x128xf32, #tpu.memory_space<vmem_shared>>)
    %mul3A_134 = arith.constant 640 : i32
    %mul3A_135 = arith.muli %arg1, %mul3A_134 : i32
    %add3A_136 = arith.constant 432 : i32
    %add3A_137 = arith.addi %mul3A_135, %add3A_136 : i32
    %dma_wait3A_138 = arith.constant 0 : i32
    %dma_wait3A_139 = tpu.memref_slice %arg6[%add3A_137, %dma_wait3A_138] : memref<10240x128xf32, #tpu.memory_space<vmem_shared>> -> memref<72x128xf32, #tpu.memory_space<vmem_shared>>
    %dma_wait3A_140 = arith.constant 0 : i32
    %dma_wait3A_141 = tpu.memref_slice %arg6[%add3A_137, %dma_wait3A_140] : memref<10240x128xf32, #tpu.memory_space<vmem_shared>> -> memref<72x128xf32, #tpu.memory_space<vmem_shared>>
    tpu.wait_dma2 semaphore(%arg15 : memref<!tpu.dma_semaphore, #tpu.memory_space<semaphore_mem>>) src(%arg11 : memref<72x128xf32, #tpu.memory_space<vmem>>) dst(%dma_wait3A_141 : memref<72x128xf32, #tpu.memory_space<vmem_shared>>)
    %mul3A_142 = arith.constant 640 : i32
    %mul3A_143 = arith.muli %arg1, %mul3A_142 : i32
    %add3A_144 = arith.constant 504 : i32
    %add3A_145 = arith.addi %mul3A_143, %add3A_144 : i32
    %dma_wait3A_146 = arith.constant 0 : i32
    %dma_wait3A_147 = tpu.memref_slice %arg6[%add3A_145, %dma_wait3A_146] : memref<10240x128xf32, #tpu.memory_space<vmem_shared>> -> memref<72x128xf32, #tpu.memory_space<vmem_shared>>
    %dma_wait3A_148 = arith.constant 0 : i32
    %dma_wait3A_149 = tpu.memref_slice %arg6[%add3A_145, %dma_wait3A_148] : memref<10240x128xf32, #tpu.memory_space<vmem_shared>> -> memref<72x128xf32, #tpu.memory_space<vmem_shared>>
    tpu.wait_dma2 semaphore(%arg15 : memref<!tpu.dma_semaphore, #tpu.memory_space<semaphore_mem>>) src(%arg11 : memref<72x128xf32, #tpu.memory_space<vmem>>) dst(%dma_wait3A_149 : memref<72x128xf32, #tpu.memory_space<vmem_shared>>)
    %mul3A_150 = arith.constant 640 : i32
    %mul3A_151 = arith.muli %arg1, %mul3A_150 : i32
    %add3A_152 = arith.constant 576 : i32
    %add3A_153 = arith.addi %mul3A_151, %add3A_152 : i32
    %dma_wait3A_154 = arith.constant 0 : i32
    %dma_wait3A_155 = arith.constant 0 : i32
    %dma_wait3A_156 = tpu.memref_slice %arg11[%dma_wait3A_154, %dma_wait3A_155] : memref<72x128xf32, #tpu.memory_space<vmem>> -> memref<64x128xf32, #tpu.memory_space<vmem>>
    %dma_wait3A_157 = arith.constant 0 : i32
    %dma_wait3A_158 = tpu.memref_slice %arg6[%add3A_153, %dma_wait3A_157] : memref<10240x128xf32, #tpu.memory_space<vmem_shared>> -> memref<64x128xf32, #tpu.memory_space<vmem_shared>>
    %dma_wait3A_159 = arith.constant 0 : i32
    %dma_wait3A_160 = tpu.memref_slice %arg6[%add3A_153, %dma_wait3A_159] : memref<10240x128xf32, #tpu.memory_space<vmem_shared>> -> memref<64x128xf32, #tpu.memory_space<vmem_shared>>
    %dma_wait3A_161 = arith.constant 0 : i32
    %dma_wait3A_162 = arith.constant 0 : i32
    %dma_wait3A_163 = tpu.memref_slice %arg11[%dma_wait3A_161, %dma_wait3A_162] : memref<72x128xf32, #tpu.memory_space<vmem>> -> memref<64x128xf32, #tpu.memory_space<vmem>>
    tpu.wait_dma2 semaphore(%arg15 : memref<!tpu.dma_semaphore, #tpu.memory_space<semaphore_mem>>) src(%dma_wait3A_163 : memref<64x128xf32, #tpu.memory_space<vmem>>) dst(%dma_wait3A_160 : memref<64x128xf32, #tpu.memory_space<vmem_shared>>)
    %barrier3A = arith.constant 0 : index
    tpu.barrier barrier_id(%barrier3A)
    %dma_start3A_164 = arith.constant 0 : i32
    %dma_start3A_165 = tpu.memref_slice %arg7[%dma_start3A_164] : memref<10008xi32, #tpu.memory_space<vmem>> -> memref<72xi32, #tpu.memory_space<vmem>>
    %dma_start3A_166 = arith.constant 0 : i32
    %dma_start3A_167 = arith.constant 0 : i32
    %dma_start3A_168 = tpu.memref_slice %arg2[%dma_start3A_166, %dma_start3A_167] : memref<10000x128xf32, #tpu.memory_space<hbm>> -> memref<10000x128xf32, #tpu.memory_space<hbm>>
    tpu.enqueue_indirect_dma source(%dma_start3A_168 : memref<10000x128xf32, #tpu.memory_space<hbm>>) target(%arg9 : memref<72x128xf32, #tpu.memory_space<vmem>>) offsets(%dma_start3A_165 : memref<72xi32, #tpu.memory_space<vmem>>) semaphore(%arg12 : memref<!tpu.dma_semaphore, #tpu.memory_space<semaphore_mem>>)
    %dma_start3A_169 = arith.constant 72 : i32
    %dma_start3A_170 = tpu.memref_slice %arg7[%dma_start3A_169] : memref<10008xi32, #tpu.memory_space<vmem>> -> memref<72xi32, #tpu.memory_space<vmem>>
    %dma_start3A_171 = arith.constant 0 : i32
    %dma_start3A_172 = arith.constant 0 : i32
    %dma_start3A_173 = tpu.memref_slice %arg2[%dma_start3A_171, %dma_start3A_172] : memref<10000x128xf32, #tpu.memory_space<hbm>> -> memref<10000x128xf32, #tpu.memory_space<hbm>>
    tpu.enqueue_indirect_dma source(%dma_start3A_173 : memref<10000x128xf32, #tpu.memory_space<hbm>>) target(%arg10 : memref<72x128xf32, #tpu.memory_space<vmem>>) offsets(%dma_start3A_170 : memref<72xi32, #tpu.memory_space<vmem>>) semaphore(%arg13 : memref<!tpu.dma_semaphore, #tpu.memory_space<semaphore_mem>>)
    %scan3A_174 = arith.constant 0 : i32
    %scan3A_175 = arith.constant 46 : i32
    %scan3A_176 = arith.addi %scan3A_174, %scan3A_175 : i32
    %scan3A_177 = arith.constant 1 : i32
    scf.for %scan3A_209 = %scan3A_174 to %scan3A_176 step %scan3A_177  : i32 {
      %mul3A_210 = arith.constant 3 : i32
      %mul3A_211 = arith.muli %scan3A_209, %mul3A_210 : i32
      %add3A_212 = arith.constant 0 : i32
      %add3A_213 = arith.addi %add3A_212, %mul3A_211 : i32
      %add3A_214 = arith.constant 0 : i32
      %add3A_215 = arith.addi %add3A_213, %add3A_214 : i32
      %mul3A_216 = arith.constant 72 : i32
      %mul3A_217 = arith.muli %add3A_215, %mul3A_216 : i32
      %dma_wait3A_218 = tpu.memref_slice %arg7[%mul3A_217] : memref<10008xi32, #tpu.memory_space<vmem>> -> memref<72xi32, #tpu.memory_space<vmem>>
      %dma_wait3A_219 = arith.constant 0 : i32
      %dma_wait3A_220 = arith.constant 0 : i32
      %dma_wait3A_221 = tpu.memref_slice %arg2[%dma_wait3A_219, %dma_wait3A_220] : memref<10000x128xf32, #tpu.memory_space<hbm>> -> memref<10000x128xf32, #tpu.memory_space<hbm>>
      tpu.wait_indirect_dma semaphore(%arg12 : memref<!tpu.dma_semaphore, #tpu.memory_space<semaphore_mem>>) src(%dma_wait3A_221 : memref<10000x128xf32, #tpu.memory_space<hbm>>) dst(%arg9 : memref<72x128xf32, #tpu.memory_space<vmem>>)
      %mul3A_222 = arith.constant 72 : i32
      %mul3A_223 = arith.muli %add3A_215, %mul3A_222 : i32
      %dma_start3A_224 = tpu.memref_slice %arg8[%mul3A_223] : memref<10008xi32, #tpu.memory_space<vmem>> -> memref<72xi32, #tpu.memory_space<vmem>>
      %dma_start3A_225 = arith.constant 0 : i32
      %dma_start3A_226 = arith.constant 0 : i32
      %dma_start3A_227 = tpu.memref_slice %arg6[%dma_start3A_225, %dma_start3A_226] : memref<10240x128xf32, #tpu.memory_space<vmem_shared>> -> memref<10240x128xf32, #tpu.memory_space<vmem_shared>>
      tpu.enqueue_indirect_dma source(%arg9 : memref<72x128xf32, #tpu.memory_space<vmem>>) target(%dma_start3A_227 : memref<10240x128xf32, #tpu.memory_space<vmem_shared>>) offsets(%dma_start3A_224 : memref<72xi32, #tpu.memory_space<vmem>>) semaphore(%arg15 : memref<!tpu.dma_semaphore, #tpu.memory_space<semaphore_mem>>) {add = true}
      %add3A_228 = arith.constant 2 : i32
      %add3A_229 = arith.addi %add3A_215, %add3A_228 : i32
      %lt3A = arith.constant 139 : i32
      %lt3A_230 = arith.cmpi slt, %add3A_229, %lt3A : i32
      %convert_element_type3A = arith.extui %lt3A_230 : i1 to i32
      %cond3A = arith.constant 0 : i32
      %cond3A_231 = arith.cmpi ne, %convert_element_type3A, %cond3A : i32
      scf.if %cond3A_231 {
        %gt3A = arith.constant 0 : i32
        %gt3A_274 = arith.cmpi sgt, %add3A_215, %gt3A : i32
        %convert_element_type3A_275 = arith.extui %gt3A_274 : i1 to i32
        %cond3A_276 = arith.constant 0 : i32
        %cond3A_277 = arith.cmpi ne, %convert_element_type3A_275, %cond3A_276 : i32
        scf.if %cond3A_277 {
          %dma_wait3A_286 = arith.constant 0 : i32
          %dma_wait3A_287 = tpu.memref_slice %arg8[%dma_wait3A_286] : memref<10008xi32, #tpu.memory_space<vmem>> -> memref<72xi32, #tpu.memory_space<vmem>>
          %dma_wait3A_288 = arith.constant 0 : i32
          %dma_wait3A_289 = arith.constant 0 : i32
          %dma_wait3A_290 = tpu.memref_slice %arg6[%dma_wait3A_288, %dma_wait3A_289] : memref<10240x128xf32, #tpu.memory_space<vmem_shared>> -> memref<10240x128xf32, #tpu.memory_space<vmem_shared>>
          tpu.wait_indirect_dma semaphore(%arg17 : memref<!tpu.dma_semaphore, #tpu.memory_space<semaphore_mem>>) src(%arg11 : memref<72x128xf32, #tpu.memory_space<vmem>>) dst(%dma_wait3A_290 : memref<10240x128xf32, #tpu.memory_space<vmem_shared>>)
        } else {
        }
        %add3A_278 = arith.constant 2 : i32
        %add3A_279 = arith.addi %add3A_215, %add3A_278 : i32
        %mul3A_280 = arith.constant 72 : i32
        %mul3A_281 = arith.muli %add3A_279, %mul3A_280 : i32
        %dma_start3A_282 = tpu.memref_slice %arg7[%mul3A_281] : memref<10008xi32, #tpu.memory_space<vmem>> -> memref<72xi32, #tpu.memory_space<vmem>>
        %dma_start3A_283 = arith.constant 0 : i32
        %dma_start3A_284 = arith.constant 0 : i32
        %dma_start3A_285 = tpu.memref_slice %arg2[%dma_start3A_283, %dma_start3A_284] : memref<10000x128xf32, #tpu.memory_space<hbm>> -> memref<10000x128xf32, #tpu.memory_space<hbm>>
        tpu.enqueue_indirect_dma source(%dma_start3A_285 : memref<10000x128xf32, #tpu.memory_space<hbm>>) target(%arg11 : memref<72x128xf32, #tpu.memory_space<vmem>>) offsets(%dma_start3A_282 : memref<72xi32, #tpu.memory_space<vmem>>) semaphore(%arg14 : memref<!tpu.dma_semaphore, #tpu.memory_space<semaphore_mem>>)
      } else {
      }
      %add3A_232 = arith.constant 1 : i32
      %add3A_233 = arith.addi %add3A_213, %add3A_232 : i32
      %mul3A_234 = arith.constant 72 : i32
      %mul3A_235 = arith.muli %add3A_233, %mul3A_234 : i32
      %dma_wait3A_236 = tpu.memref_slice %arg7[%mul3A_235] : memref<10008xi32, #tpu.memory_space<vmem>> -> memref<72xi32, #tpu.memory_space<vmem>>
      %dma_wait3A_237 = arith.constant 0 : i32
      %dma_wait3A_238 = arith.constant 0 : i32
      %dma_wait3A_239 = tpu.memref_slice %arg2[%dma_wait3A_237, %dma_wait3A_238] : memref<10000x128xf32, #tpu.memory_space<hbm>> -> memref<10000x128xf32, #tpu.memory_space<hbm>>
      tpu.wait_indirect_dma semaphore(%arg13 : memref<!tpu.dma_semaphore, #tpu.memory_space<semaphore_mem>>) src(%dma_wait3A_239 : memref<10000x128xf32, #tpu.memory_space<hbm>>) dst(%arg10 : memref<72x128xf32, #tpu.memory_space<vmem>>)
      %mul3A_240 = arith.constant 72 : i32
      %mul3A_241 = arith.muli %add3A_233, %mul3A_240 : i32
      %dma_start3A_242 = tpu.memref_slice %arg8[%mul3A_241] : memref<10008xi32, #tpu.memory_space<vmem>> -> memref<72xi32, #tpu.memory_space<vmem>>
      %dma_start3A_243 = arith.constant 0 : i32
      %dma_start3A_244 = arith.constant 0 : i32
      %dma_start3A_245 = tpu.memref_slice %arg6[%dma_start3A_243, %dma_start3A_244] : memref<10240x128xf32, #tpu.memory_space<vmem_shared>> -> memref<10240x128xf32, #tpu.memory_space<vmem_shared>>
      tpu.enqueue_indirect_dma source(%arg10 : memref<72x128xf32, #tpu.memory_space<vmem>>) target(%dma_start3A_245 : memref<10240x128xf32, #tpu.memory_space<vmem_shared>>) offsets(%dma_start3A_242 : memref<72xi32, #tpu.memory_space<vmem>>) semaphore(%arg16 : memref<!tpu.dma_semaphore, #tpu.memory_space<semaphore_mem>>) {add = true}
      %add3A_246 = arith.constant 2 : i32
      %add3A_247 = arith.addi %add3A_233, %add3A_246 : i32
      %lt3A_248 = arith.constant 139 : i32
      %lt3A_249 = arith.cmpi slt, %add3A_247, %lt3A_248 : i32
      %convert_element_type3A_250 = arith.extui %lt3A_249 : i1 to i32
      %cond3A_251 = arith.constant 0 : i32
      %cond3A_252 = arith.cmpi ne, %convert_element_type3A_250, %cond3A_251 : i32
      scf.if %cond3A_252 {
        %gt3A = arith.constant 0 : i32
        %gt3A_274 = arith.cmpi sgt, %add3A_233, %gt3A : i32
        %convert_element_type3A_275 = arith.extui %gt3A_274 : i1 to i32
        %cond3A_276 = arith.constant 0 : i32
        %cond3A_277 = arith.cmpi ne, %convert_element_type3A_275, %cond3A_276 : i32
        scf.if %cond3A_277 {
          %dma_wait3A_286 = arith.constant 0 : i32
          %dma_wait3A_287 = tpu.memref_slice %arg8[%dma_wait3A_286] : memref<10008xi32, #tpu.memory_space<vmem>> -> memref<72xi32, #tpu.memory_space<vmem>>
          %dma_wait3A_288 = arith.constant 0 : i32
          %dma_wait3A_289 = arith.constant 0 : i32
          %dma_wait3A_290 = tpu.memref_slice %arg6[%dma_wait3A_288, %dma_wait3A_289] : memref<10240x128xf32, #tpu.memory_space<vmem_shared>> -> memref<10240x128xf32, #tpu.memory_space<vmem_shared>>
          tpu.wait_indirect_dma semaphore(%arg15 : memref<!tpu.dma_semaphore, #tpu.memory_space<semaphore_mem>>) src(%arg9 : memref<72x128xf32, #tpu.memory_space<vmem>>) dst(%dma_wait3A_290 : memref<10240x128xf32, #tpu.memory_space<vmem_shared>>)
        } else {
        }
        %add3A_278 = arith.constant 2 : i32
        %add3A_279 = arith.addi %add3A_233, %add3A_278 : i32
        %mul3A_280 = arith.constant 72 : i32
        %mul3A_281 = arith.muli %add3A_279, %mul3A_280 : i32
        %dma_start3A_282 = tpu.memref_slice %arg7[%mul3A_281] : memref<10008xi32, #tpu.memory_space<vmem>> -> memref<72xi32, #tpu.memory_space<vmem>>
        %dma_start3A_283 = arith.constant 0 : i32
        %dma_start3A_284 = arith.constant 0 : i32
        %dma_start3A_285 = tpu.memref_slice %arg2[%dma_start3A_283, %dma_start3A_284] : memref<10000x128xf32, #tpu.memory_space<hbm>> -> memref<10000x128xf32, #tpu.memory_space<hbm>>
        tpu.enqueue_indirect_dma source(%dma_start3A_285 : memref<10000x128xf32, #tpu.memory_space<hbm>>) target(%arg9 : memref<72x128xf32, #tpu.memory_space<vmem>>) offsets(%dma_start3A_282 : memref<72xi32, #tpu.memory_space<vmem>>) semaphore(%arg12 : memref<!tpu.dma_semaphore, #tpu.memory_space<semaphore_mem>>)
      } else {
      }
      %add3A_253 = arith.constant 2 : i32
      %add3A_254 = arith.addi %add3A_213, %add3A_253 : i32
      %mul3A_255 = arith.constant 72 : i32
      %mul3A_256 = arith.muli %add3A_254, %mul3A_255 : i32
      %dma_wait3A_257 = tpu.memref_slice %arg7[%mul3A_256] : memref<10008xi32, #tpu.memory_space<vmem>> -> memref<72xi32, #tpu.memory_space<vmem>>
      %dma_wait3A_258 = arith.constant 0 : i32
      %dma_wait3A_259 = arith.constant 0 : i32
      %dma_wait3A_260 = tpu.memref_slice %arg2[%dma_wait3A_258, %dma_wait3A_259] : memref<10000x128xf32, #tpu.memory_space<hbm>> -> memref<10000x128xf32, #tpu.memory_space<hbm>>
      tpu.wait_indirect_dma semaphore(%arg14 : memref<!tpu.dma_semaphore, #tpu.memory_space<semaphore_mem>>) src(%dma_wait3A_260 : memref<10000x128xf32, #tpu.memory_space<hbm>>) dst(%arg11 : memref<72x128xf32, #tpu.memory_space<vmem>>)
      %mul3A_261 = arith.constant 72 : i32
      %mul3A_262 = arith.muli %add3A_254, %mul3A_261 : i32
      %dma_start3A_263 = tpu.memref_slice %arg8[%mul3A_262] : memref<10008xi32, #tpu.memory_space<vmem>> -> memref<72xi32, #tpu.memory_space<vmem>>
      %dma_start3A_264 = arith.constant 0 : i32
      %dma_start3A_265 = arith.constant 0 : i32
      %dma_start3A_266 = tpu.memref_slice %arg6[%dma_start3A_264, %dma_start3A_265] : memref<10240x128xf32, #tpu.memory_space<vmem_shared>> -> memref<10240x128xf32, #tpu.memory_space<vmem_shared>>
      tpu.enqueue_indirect_dma source(%arg11 : memref<72x128xf32, #tpu.memory_space<vmem>>) target(%dma_start3A_266 : memref<10240x128xf32, #tpu.memory_space<vmem_shared>>) offsets(%dma_start3A_263 : memref<72xi32, #tpu.memory_space<vmem>>) semaphore(%arg17 : memref<!tpu.dma_semaphore, #tpu.memory_space<semaphore_mem>>) {add = true}
      %add3A_267 = arith.constant 2 : i32
      %add3A_268 = arith.addi %add3A_254, %add3A_267 : i32
      %lt3A_269 = arith.constant 139 : i32
      %lt3A_270 = arith.cmpi slt, %add3A_268, %lt3A_269 : i32
      %convert_element_type3A_271 = arith.extui %lt3A_270 : i1 to i32
      %cond3A_272 = arith.constant 0 : i32
      %cond3A_273 = arith.cmpi ne, %convert_element_type3A_271, %cond3A_272 : i32
      scf.if %cond3A_273 {
        %gt3A = arith.constant 0 : i32
        %gt3A_274 = arith.cmpi sgt, %add3A_254, %gt3A : i32
        %convert_element_type3A_275 = arith.extui %gt3A_274 : i1 to i32
        %cond3A_276 = arith.constant 0 : i32
        %cond3A_277 = arith.cmpi ne, %convert_element_type3A_275, %cond3A_276 : i32
        scf.if %cond3A_277 {
          %dma_wait3A_286 = arith.constant 0 : i32
          %dma_wait3A_287 = tpu.memref_slice %arg8[%dma_wait3A_286] : memref<10008xi32, #tpu.memory_space<vmem>> -> memref<72xi32, #tpu.memory_space<vmem>>
          %dma_wait3A_288 = arith.constant 0 : i32
          %dma_wait3A_289 = arith.constant 0 : i32
          %dma_wait3A_290 = tpu.memref_slice %arg6[%dma_wait3A_288, %dma_wait3A_289] : memref<10240x128xf32, #tpu.memory_space<vmem_shared>> -> memref<10240x128xf32, #tpu.memory_space<vmem_shared>>
          tpu.wait_indirect_dma semaphore(%arg16 : memref<!tpu.dma_semaphore, #tpu.memory_space<semaphore_mem>>) src(%arg10 : memref<72x128xf32, #tpu.memory_space<vmem>>) dst(%dma_wait3A_290 : memref<10240x128xf32, #tpu.memory_space<vmem_shared>>)
        } else {
        }
        %add3A_278 = arith.constant 2 : i32
        %add3A_279 = arith.addi %add3A_254, %add3A_278 : i32
        %mul3A_280 = arith.constant 72 : i32
        %mul3A_281 = arith.muli %add3A_279, %mul3A_280 : i32
        %dma_start3A_282 = tpu.memref_slice %arg7[%mul3A_281] : memref<10008xi32, #tpu.memory_space<vmem>> -> memref<72xi32, #tpu.memory_space<vmem>>
        %dma_start3A_283 = arith.constant 0 : i32
        %dma_start3A_284 = arith.constant 0 : i32
        %dma_start3A_285 = tpu.memref_slice %arg2[%dma_start3A_283, %dma_start3A_284] : memref<10000x128xf32, #tpu.memory_space<hbm>> -> memref<10000x128xf32, #tpu.memory_space<hbm>>
        tpu.enqueue_indirect_dma source(%dma_start3A_285 : memref<10000x128xf32, #tpu.memory_space<hbm>>) target(%arg10 : memref<72x128xf32, #tpu.memory_space<vmem>>) offsets(%dma_start3A_282 : memref<72xi32, #tpu.memory_space<vmem>>) semaphore(%arg13 : memref<!tpu.dma_semaphore, #tpu.memory_space<semaphore_mem>>)
      } else {
      }
    }
    %scan3A_178 = arith.constant 46 : i32
    %dma_wait3A_179 = arith.constant 9936 : i32
    %dma_wait3A_180 = tpu.memref_slice %arg7[%dma_wait3A_179] : memref<10008xi32, #tpu.memory_space<vmem>> -> memref<72xi32, #tpu.memory_space<vmem>>
    %dma_wait3A_181 = arith.constant 0 : i32
    %dma_wait3A_182 = arith.constant 0 : i32
    %dma_wait3A_183 = tpu.memref_slice %arg2[%dma_wait3A_181, %dma_wait3A_182] : memref<10000x128xf32, #tpu.memory_space<hbm>> -> memref<10000x128xf32, #tpu.memory_space<hbm>>
    tpu.wait_indirect_dma semaphore(%arg12 : memref<!tpu.dma_semaphore, #tpu.memory_space<semaphore_mem>>) src(%dma_wait3A_183 : memref<10000x128xf32, #tpu.memory_space<hbm>>) dst(%arg9 : memref<72x128xf32, #tpu.memory_space<vmem>>)
    %dma_start3A_184 = arith.constant 9936 : i32
    %dma_start3A_185 = tpu.memref_slice %arg8[%dma_start3A_184] : memref<10008xi32, #tpu.memory_space<vmem>> -> memref<72xi32, #tpu.memory_space<vmem>>
    %dma_start3A_186 = arith.constant 0 : i32
    %dma_start3A_187 = arith.constant 0 : i32
    %dma_start3A_188 = tpu.memref_slice %arg6[%dma_start3A_186, %dma_start3A_187] : memref<10240x128xf32, #tpu.memory_space<vmem_shared>> -> memref<10240x128xf32, #tpu.memory_space<vmem_shared>>
    tpu.enqueue_indirect_dma source(%arg9 : memref<72x128xf32, #tpu.memory_space<vmem>>) target(%dma_start3A_188 : memref<10240x128xf32, #tpu.memory_space<vmem_shared>>) offsets(%dma_start3A_185 : memref<72xi32, #tpu.memory_space<vmem>>) semaphore(%arg15 : memref<!tpu.dma_semaphore, #tpu.memory_space<semaphore_mem>>) {add = true}
    %dma_wait3A_189 = arith.constant 0 : i32
    %dma_wait3A_190 = tpu.memref_slice %arg8[%dma_wait3A_189] : memref<10008xi32, #tpu.memory_space<vmem>> -> memref<72xi32, #tpu.memory_space<vmem>>
    %dma_wait3A_191 = arith.constant 0 : i32
    %dma_wait3A_192 = arith.constant 0 : i32
    %dma_wait3A_193 = tpu.memref_slice %arg6[%dma_wait3A_191, %dma_wait3A_192] : memref<10240x128xf32, #tpu.memory_space<vmem_shared>> -> memref<10240x128xf32, #tpu.memory_space<vmem_shared>>
    tpu.wait_indirect_dma semaphore(%arg15 : memref<!tpu.dma_semaphore, #tpu.memory_space<semaphore_mem>>) src(%arg9 : memref<72x128xf32, #tpu.memory_space<vmem>>) dst(%dma_wait3A_193 : memref<10240x128xf32, #tpu.memory_space<vmem_shared>>)
    %dma_wait3A_194 = arith.constant 0 : i32
    %dma_wait3A_195 = tpu.memref_slice %arg8[%dma_wait3A_194] : memref<10008xi32, #tpu.memory_space<vmem>> -> memref<72xi32, #tpu.memory_space<vmem>>
    %dma_wait3A_196 = arith.constant 0 : i32
    %dma_wait3A_197 = arith.constant 0 : i32
    %dma_wait3A_198 = tpu.memref_slice %arg6[%dma_wait3A_196, %dma_wait3A_197] : memref<10240x128xf32, #tpu.memory_space<vmem_shared>> -> memref<10240x128xf32, #tpu.memory_space<vmem_shared>>
    tpu.wait_indirect_dma semaphore(%arg16 : memref<!tpu.dma_semaphore, #tpu.memory_space<semaphore_mem>>) src(%arg10 : memref<72x128xf32, #tpu.memory_space<vmem>>) dst(%dma_wait3A_198 : memref<10240x128xf32, #tpu.memory_space<vmem_shared>>)
    %dma_wait3A_199 = arith.constant 0 : i32
    %dma_wait3A_200 = tpu.memref_slice %arg8[%dma_wait3A_199] : memref<10008xi32, #tpu.memory_space<vmem>> -> memref<72xi32, #tpu.memory_space<vmem>>
    %dma_wait3A_201 = arith.constant 0 : i32
    %dma_wait3A_202 = arith.constant 0 : i32
    %dma_wait3A_203 = tpu.memref_slice %arg6[%dma_wait3A_201, %dma_wait3A_202] : memref<10240x128xf32, #tpu.memory_space<vmem_shared>> -> memref<10240x128xf32, #tpu.memory_space<vmem_shared>>
    tpu.wait_indirect_dma semaphore(%arg17 : memref<!tpu.dma_semaphore, #tpu.memory_space<semaphore_mem>>) src(%arg11 : memref<72x128xf32, #tpu.memory_space<vmem>>) dst(%dma_wait3A_203 : memref<10240x128xf32, #tpu.memory_space<vmem_shared>>)
    %barrier3A_204 = arith.constant 0 : index
    tpu.barrier barrier_id(%barrier3A_204)
    %mul3A_205 = arith.constant 640 : i32
    %mul3A_206 = arith.muli %arg1, %mul3A_205 : i32
    %mul3A_207 = arith.constant 640 : i32
    %mul3A_208 = arith.muli %arg1, %mul3A_207 : i32
    "tpu.region"() ({
      %run_scoped3A = tpu.sem_alloc : memref<!tpu.dma_semaphore, #tpu.memory_space<semaphore_mem>>
      %dma_start3A_209 = arith.constant 0 : i32
      %dma_start3A_210 = tpu.memref_slice %arg5[%arg0, %mul3A_208, %dma_start3A_209] : memref<2x10240x128xf32, #tpu.memory_space<hbm>> -> memref<1x640x128xf32, #tpu.memory_space<hbm>>
      %dma_start3A_211 = tpu.memref_squeeze %dma_start3A_210 : memref<1x640x128xf32, #tpu.memory_space<hbm>> -> memref<640x128xf32, #tpu.memory_space<hbm>>
      %dma_start3A_212 = arith.constant 0 : i32
      %dma_start3A_213 = tpu.memref_slice %arg6[%mul3A_206, %dma_start3A_212] : memref<10240x128xf32, #tpu.memory_space<vmem_shared>> -> memref<640x128xf32, #tpu.memory_space<vmem_shared>>
      tpu.enqueue_dma source(%dma_start3A_213 : memref<640x128xf32, #tpu.memory_space<vmem_shared>>) target(%dma_start3A_211 : memref<640x128xf32, #tpu.memory_space<hbm>>) target_semaphore(%run_scoped3A : memref<!tpu.dma_semaphore, #tpu.memory_space<semaphore_mem>>)
      %dma_wait3A_214 = arith.constant 0 : i32
      %dma_wait3A_215 = tpu.memref_slice %arg5[%arg0, %mul3A_208, %dma_wait3A_214] : memref<2x10240x128xf32, #tpu.memory_space<hbm>> -> memref<1x640x128xf32, #tpu.memory_space<hbm>>
      %dma_wait3A_216 = tpu.memref_squeeze %dma_wait3A_215 : memref<1x640x128xf32, #tpu.memory_space<hbm>> -> memref<640x128xf32, #tpu.memory_space<hbm>>
      %dma_wait3A_217 = arith.constant 0 : i32
      %dma_wait3A_218 = tpu.memref_slice %arg6[%mul3A_206, %dma_wait3A_217] : memref<10240x128xf32, #tpu.memory_space<vmem_shared>> -> memref<640x128xf32, #tpu.memory_space<vmem_shared>>
      tpu.wait_dma2 semaphore(%run_scoped3A : memref<!tpu.dma_semaphore, #tpu.memory_space<semaphore_mem>>) src(%dma_wait3A_218 : memref<640x128xf32, #tpu.memory_space<vmem_shared>>) dst(%dma_wait3A_216 : memref<640x128xf32, #tpu.memory_space<hbm>>)
      tpu.yield
    }) : () -> ()
    return
  }
}

#map = affine_map<(d0, d1) -> (0, 0)>
#map1 = affine_map<(d0, d1) -> (0)>
#map2 = affine_map<(d0, d1) -> (0, 0, 0)>
module attributes {stable_mosaic.version = 14 : i64} {
  func.func @_prop_kernel(%arg0: i32, %arg1: i32, %arg2: memref<10000x128xf32, #tpu.memory_space<hbm>>, %arg3: memref<320256xi32, #tpu.memory_space<hbm>>, %arg4: memref<320256xi32, #tpu.memory_space<hbm>>, %arg5: memref<2x10240x128xf32, #tpu.memory_space<hbm>>, %arg6: memref<10240x128xf32, #tpu.memory_space<vmem_shared>>, %arg7: memref<10008xi32, #tpu.memory_space<vmem>>, %arg8: memref<10008xi32, #tpu.memory_space<vmem>>, %arg9: memref<72x128xf32, #tpu.memory_space<vmem>>, %arg10: memref<72x128xf32, #tpu.memory_space<vmem>>, %arg11: memref<72x128xf32, #tpu.memory_space<vmem>>, %arg12: memref<!tpu.dma_semaphore, #tpu.memory_space<semaphore_mem>>, %arg13: memref<!tpu.dma_semaphore, #tpu.memory_space<semaphore_mem>>, %arg14: memref<!tpu.dma_semaphore, #tpu.memory_space<semaphore_mem>>, %arg15: memref<!tpu.dma_semaphore, #tpu.memory_space<semaphore_mem>>, %arg16: memref<!tpu.dma_semaphore, #tpu.memory_space<semaphore_mem>>, %arg17: memref<!tpu.dma_semaphore, #tpu.memory_space<semaphore_mem>>) attributes {dimension_semantics = [#tpu.dimension_semantics<core_parallel>, #tpu.dimension_semantics<subcore_parallel>], iteration_bounds = array<i64: 2, 16>, scalar_prefetch = 0 : i64, scratch_operands = 12 : i64, tpu.core_type = #tpu.core_type<sc_vector_subcore>, window_params = [{transform_indices = #map}, {transform_indices = #map1}, {transform_indices = #map1}, {transform_indices = #map2}]} {
    %mul3A = arith.constant 2 : i32
    %mul3A_0 = arith.muli %arg1, %mul3A : i32
    %add3A = arith.addi %mul3A_0, %arg0 : i32
    %scan3A = arith.constant 0 : i32
    %scan3A_1 = arith.constant 0 : i32
    %scan3A_2 = arith.constant 576 : i32
    %scan3A_3 = arith.addi %scan3A_1, %scan3A_2 : i32
    %scan3A_4 = arith.constant 1 : i32
    scf.for %scan3A_209 = %scan3A_1 to %scan3A_3 step %scan3A_4  : i32 {
      %broadcast_in_dim3A = arith.constant 0.000000e+00 : f32
      %broadcast_in_dim3A_210 = vector.broadcast %broadcast_in_dim3A : f32 to vector<16xf32>
      %jit3A = arith.constant 8 : i32
      %div3A = arith.divsi %scan3A_209, %jit3A : i32
      %sign3A = arith.constant 0 : i32
      %sign3A_211 = arith.cmpi sgt, %scan3A_209, %sign3A : i32
      %sign3A_212 = arith.extui %sign3A_211 : i1 to i32
      %sign3A_213 = arith.constant 0 : i32
      %sign3A_214 = arith.cmpi slt, %scan3A_209, %sign3A_213 : i32
      %sign3A_215 = arith.extui %sign3A_214 : i1 to i32
      %sign3A_216 = arith.subi %sign3A_212, %sign3A_215 : i32
      %sign3A_217 = arith.constant 0 : i32
      %sign3A_218 = arith.cmpi sgt, %jit3A, %sign3A_217 : i32
      %sign3A_219 = arith.extui %sign3A_218 : i1 to i32
      %sign3A_220 = arith.constant 0 : i32
      %sign3A_221 = arith.cmpi slt, %jit3A, %sign3A_220 : i32
      %sign3A_222 = arith.extui %sign3A_221 : i1 to i32
      %sign3A_223 = arith.subi %sign3A_219, %sign3A_222 : i32
      %ne3A = arith.cmpi ne, %sign3A_216, %sign3A_223 : i32
      %rem3A = arith.remsi %scan3A_209, %jit3A : i32
      %ne3A_224 = arith.constant 0 : i32
      %ne3A_225 = arith.cmpi ne, %rem3A, %ne3A_224 : i32
      %and3A = arith.andi %ne3A, %ne3A_225 : i1
      %sub3A = arith.constant 1 : i32
      %sub3A_226 = arith.subi %div3A, %sub3A : i32
      %select_n3A = arith.select %and3A, %sub3A_226, %div3A : i32
      %jit3A_227 = arith.constant 8 : i32
      %eq3A = arith.constant 0 : i32
      %eq3A_228 = arith.cmpi eq, %jit3A_227, %eq3A : i32
      %jit3A_229 = arith.constant 1 : i32
      %select_n3A_230 = arith.select %eq3A_228, %jit3A_229, %jit3A_227 : i32
      %rem3A_231 = arith.remsi %scan3A_209, %select_n3A_230 : i32
      %ne3A_232 = arith.constant 0 : i32
      %ne3A_233 = arith.cmpi ne, %rem3A_231, %ne3A_232 : i32
      %lt3A = arith.constant 0 : i32
      %lt3A_234 = arith.cmpi slt, %rem3A_231, %lt3A : i32
      %lt3A_235 = arith.constant 0 : i32
      %lt3A_236 = arith.cmpi slt, %select_n3A_230, %lt3A_235 : i32
      %ne3A_237 = arith.xori %lt3A_234, %lt3A_236 : i1
      %and3A_238 = arith.andi %ne3A_237, %ne3A_233 : i1
      %add3A_239 = arith.addi %rem3A_231, %select_n3A_230 : i32
      %select_n3A_240 = arith.select %and3A_238, %add3A_239, %rem3A_231 : i32
      %mul3A_241 = arith.constant 16 : i32
      %mul3A_242 = arith.muli %select_n3A_240, %mul3A_241 : i32
      %swap3A = arith.index_cast %select_n3A : i32 to index
      %swap3A_243 = arith.index_cast %mul3A_242 : i32 to index
      %swap3A_244 = tpu.vector_load %arg11[%swap3A, %swap3A_243] {strides = array<i32>} : memref<72x128xf32, #tpu.memory_space<vmem>>, vector<1x16xf32>,
      %swap3A_245 = vector.shape_cast %swap3A_244 : vector<1x16xf32> to vector<16xf32>
      %swap3A_246 = vector.shape_cast %broadcast_in_dim3A_210 : vector<16xf32> to vector<1x16xf32>
      tpu.vector_store %arg11[%swap3A, %swap3A_243], %swap3A_246 {strides = array<i32>} : memref<72x128xf32, #tpu.memory_space<vmem>>, vector<1x16xf32>,
    }
    %scan3A_5 = arith.constant 576 : i32
    %mul3A_6 = arith.constant 640 : i32
    %mul3A_7 = arith.muli %arg1, %mul3A_6 : i32
    %add3A_8 = arith.constant 0 : i32
    %add3A_9 = arith.addi %mul3A_7, %add3A_8 : i32
    %dma_start3A = arith.constant 0 : i32
    %dma_start3A_10 = tpu.memref_slice %arg6[%add3A_9, %dma_start3A] : memref<10240x128xf32, #tpu.memory_space<vmem_shared>> -> memref<72x128xf32, #tpu.memory_space<vmem_shared>>
    %dma_start3A_11 = arith.constant 0 : i32
    %dma_start3A_12 = tpu.memref_slice %arg6[%add3A_9, %dma_start3A_11] : memref<10240x128xf32, #tpu.memory_space<vmem_shared>> -> memref<72x128xf32, #tpu.memory_space<vmem_shared>>
    tpu.enqueue_dma source(%arg11 : memref<72x128xf32, #tpu.memory_space<vmem>>) target(%dma_start3A_12 : memref<72x128xf32, #tpu.memory_space<vmem_shared>>) target_semaphore(%arg15 : memref<!tpu.dma_semaphore, #tpu.memory_space<semaphore_mem>>)
    %mul3A_13 = arith.constant 640 : i32
    %mul3A_14 = arith.muli %arg1, %mul3A_13 : i32
    %add3A_15 = arith.constant 72 : i32
    %add3A_16 = arith.addi %mul3A_14, %add3A_15 : i32
    %dma_start3A_17 = arith.constant 0 : i32
    %dma_start3A_18 = tpu.memref_slice %arg6[%add3A_16, %dma_start3A_17] : memref<10240x128xf32, #tpu.memory_space<vmem_shared>> -> memref<72x128xf32, #tpu.memory_space<vmem_shared>>
    %dma_start3A_19 = arith.constant 0 : i32
    %dma_start3A_20 = tpu.memref_slice %arg6[%add3A_16, %dma_start3A_19] : memref<10240x128xf32, #tpu.memory_space<vmem_shared>> -> memref<72x128xf32, #tpu.memory_space<vmem_shared>>
    tpu.enqueue_dma source(%arg11 : memref<72x128xf32, #tpu.memory_space<vmem>>) target(%dma_start3A_20 : memref<72x128xf32, #tpu.memory_space<vmem_shared>>) target_semaphore(%arg15 : memref<!tpu.dma_semaphore, #tpu.memory_space<semaphore_mem>>)
    %mul3A_21 = arith.constant 640 : i32
    %mul3A_22 = arith.muli %arg1, %mul3A_21 : i32
    %add3A_23 = arith.constant 144 : i32
    %add3A_24 = arith.addi %mul3A_22, %add3A_23 : i32
    %dma_start3A_25 = arith.constant 0 : i32
    %dma_start3A_26 = tpu.memref_slice %arg6[%add3A_24, %dma_start3A_25] : memref<10240x128xf32, #tpu.memory_space<vmem_shared>> -> memref<72x128xf32, #tpu.memory_space<vmem_shared>>
    %dma_start3A_27 = arith.constant 0 : i32
    %dma_start3A_28 = tpu.memref_slice %arg6[%add3A_24, %dma_start3A_27] : memref<10240x128xf32, #tpu.memory_space<vmem_shared>> -> memref<72x128xf32, #tpu.memory_space<vmem_shared>>
    tpu.enqueue_dma source(%arg11 : memref<72x128xf32, #tpu.memory_space<vmem>>) target(%dma_start3A_28 : memref<72x128xf32, #tpu.memory_space<vmem_shared>>) target_semaphore(%arg15 : memref<!tpu.dma_semaphore, #tpu.memory_space<semaphore_mem>>)
    %mul3A_29 = arith.constant 640 : i32
    %mul3A_30 = arith.muli %arg1, %mul3A_29 : i32
    %add3A_31 = arith.constant 216 : i32
    %add3A_32 = arith.addi %mul3A_30, %add3A_31 : i32
    %dma_start3A_33 = arith.constant 0 : i32
    %dma_start3A_34 = tpu.memref_slice %arg6[%add3A_32, %dma_start3A_33] : memref<10240x128xf32, #tpu.memory_space<vmem_shared>> -> memref<72x128xf32, #tpu.memory_space<vmem_shared>>
    %dma_start3A_35 = arith.constant 0 : i32
    %dma_start3A_36 = tpu.memref_slice %arg6[%add3A_32, %dma_start3A_35] : memref<10240x128xf32, #tpu.memory_space<vmem_shared>> -> memref<72x128xf32, #tpu.memory_space<vmem_shared>>
    tpu.enqueue_dma source(%arg11 : memref<72x128xf32, #tpu.memory_space<vmem>>) target(%dma_start3A_36 : memref<72x128xf32, #tpu.memory_space<vmem_shared>>) target_semaphore(%arg15 : memref<!tpu.dma_semaphore, #tpu.memory_space<semaphore_mem>>)
    %mul3A_37 = arith.constant 640 : i32
    %mul3A_38 = arith.muli %arg1, %mul3A_37 : i32
    %add3A_39 = arith.constant 288 : i32
    %add3A_40 = arith.addi %mul3A_38, %add3A_39 : i32
    %dma_start3A_41 = arith.constant 0 : i32
    %dma_start3A_42 = tpu.memref_slice %arg6[%add3A_40, %dma_start3A_41] : memref<10240x128xf32, #tpu.memory_space<vmem_shared>> -> memref<72x128xf32, #tpu.memory_space<vmem_shared>>
    %dma_start3A_43 = arith.constant 0 : i32
    %dma_start3A_44 = tpu.memref_slice %arg6[%add3A_40, %dma_start3A_43] : memref<10240x128xf32, #tpu.memory_space<vmem_shared>> -> memref<72x128xf32, #tpu.memory_space<vmem_shared>>
    tpu.enqueue_dma source(%arg11 : memref<72x128xf32, #tpu.memory_space<vmem>>) target(%dma_start3A_44 : memref<72x128xf32, #tpu.memory_space<vmem_shared>>) target_semaphore(%arg15 : memref<!tpu.dma_semaphore, #tpu.memory_space<semaphore_mem>>)
    %mul3A_45 = arith.constant 640 : i32
    %mul3A_46 = arith.muli %arg1, %mul3A_45 : i32
    %add3A_47 = arith.constant 360 : i32
    %add3A_48 = arith.addi %mul3A_46, %add3A_47 : i32
    %dma_start3A_49 = arith.constant 0 : i32
    %dma_start3A_50 = tpu.memref_slice %arg6[%add3A_48, %dma_start3A_49] : memref<10240x128xf32, #tpu.memory_space<vmem_shared>> -> memref<72x128xf32, #tpu.memory_space<vmem_shared>>
    %dma_start3A_51 = arith.constant 0 : i32
    %dma_start3A_52 = tpu.memref_slice %arg6[%add3A_48, %dma_start3A_51] : memref<10240x128xf32, #tpu.memory_space<vmem_shared>> -> memref<72x128xf32, #tpu.memory_space<vmem_shared>>
    tpu.enqueue_dma source(%arg11 : memref<72x128xf32, #tpu.memory_space<vmem>>) target(%dma_start3A_52 : memref<72x128xf32, #tpu.memory_space<vmem_shared>>) target_semaphore(%arg15 : memref<!tpu.dma_semaphore, #tpu.memory_space<semaphore_mem>>)
    %mul3A_53 = arith.constant 640 : i32
    %mul3A_54 = arith.muli %arg1, %mul3A_53 : i32
    %add3A_55 = arith.constant 432 : i32
    %add3A_56 = arith.addi %mul3A_54, %add3A_55 : i32
    %dma_start3A_57 = arith.constant 0 : i32
    %dma_start3A_58 = tpu.memref_slice %arg6[%add3A_56, %dma_start3A_57] : memref<10240x128xf32, #tpu.memory_space<vmem_shared>> -> memref<72x128xf32, #tpu.memory_space<vmem_shared>>
    %dma_start3A_59 = arith.constant 0 : i32
    %dma_start3A_60 = tpu.memref_slice %arg6[%add3A_56, %dma_start3A_59] : memref<10240x128xf32, #tpu.memory_space<vmem_shared>> -> memref<72x128xf32, #tpu.memory_space<vmem_shared>>
    tpu.enqueue_dma source(%arg11 : memref<72x128xf32, #tpu.memory_space<vmem>>) target(%dma_start3A_60 : memref<72x128xf32, #tpu.memory_space<vmem_shared>>) target_semaphore(%arg15 : memref<!tpu.dma_semaphore, #tpu.memory_space<semaphore_mem>>)
    %mul3A_61 = arith.constant 640 : i32
    %mul3A_62 = arith.muli %arg1, %mul3A_61 : i32
    %add3A_63 = arith.constant 504 : i32
    %add3A_64 = arith.addi %mul3A_62, %add3A_63 : i32
    %dma_start3A_65 = arith.constant 0 : i32
    %dma_start3A_66 = tpu.memref_slice %arg6[%add3A_64, %dma_start3A_65] : memref<10240x128xf32, #tpu.memory_space<vmem_shared>> -> memref<72x128xf32, #tpu.memory_space<vmem_shared>>
    %dma_start3A_67 = arith.constant 0 : i32
    %dma_start3A_68 = tpu.memref_slice %arg6[%add3A_64, %dma_start3A_67] : memref<10240x128xf32, #tpu.memory_space<vmem_shared>> -> memref<72x128xf32, #tpu.memory_space<vmem_shared>>
    tpu.enqueue_dma source(%arg11 : memref<72x128xf32, #tpu.memory_space<vmem>>) target(%dma_start3A_68 : memref<72x128xf32, #tpu.memory_space<vmem_shared>>) target_semaphore(%arg15 : memref<!tpu.dma_semaphore, #tpu.memory_space<semaphore_mem>>)
    %mul3A_69 = arith.constant 640 : i32
    %mul3A_70 = arith.muli %arg1, %mul3A_69 : i32
    %add3A_71 = arith.constant 576 : i32
    %add3A_72 = arith.addi %mul3A_70, %add3A_71 : i32
    %dma_start3A_73 = arith.constant 0 : i32
    %dma_start3A_74 = arith.constant 0 : i32
    %dma_start3A_75 = tpu.memref_slice %arg11[%dma_start3A_73, %dma_start3A_74] : memref<72x128xf32, #tpu.memory_space<vmem>> -> memref<64x128xf32, #tpu.memory_space<vmem>>
    %dma_start3A_76 = arith.constant 0 : i32
    %dma_start3A_77 = tpu.memref_slice %arg6[%add3A_72, %dma_start3A_76] : memref<10240x128xf32, #tpu.memory_space<vmem_shared>> -> memref<64x128xf32, #tpu.memory_space<vmem_shared>>
    %dma_start3A_78 = arith.constant 0 : i32
    %dma_start3A_79 = tpu.memref_slice %arg6[%add3A_72, %dma_start3A_78] : memref<10240x128xf32, #tpu.memory_space<vmem_shared>> -> memref<64x128xf32, #tpu.memory_space<vmem_shared>>
    %dma_start3A_80 = arith.constant 0 : i32
    %dma_start3A_81 = arith.constant 0 : i32
    %dma_start3A_82 = tpu.memref_slice %arg11[%dma_start3A_80, %dma_start3A_81] : memref<72x128xf32, #tpu.memory_space<vmem>> -> memref<64x128xf32, #tpu.memory_space<vmem>>
    tpu.enqueue_dma source(%dma_start3A_82 : memref<64x128xf32, #tpu.memory_space<vmem>>) target(%dma_start3A_79 : memref<64x128xf32, #tpu.memory_space<vmem_shared>>) target_semaphore(%arg15 : memref<!tpu.dma_semaphore, #tpu.memory_space<semaphore_mem>>)
    %mul3A_83 = arith.constant 10008 : i32
    %mul3A_84 = arith.muli %add3A, %mul3A_83 : i32
    "tpu.region"() ({
      %run_scoped3A = tpu.sem_alloc : memref<!tpu.dma_semaphore, #tpu.memory_space<semaphore_mem>>
      %dma_start3A_209 = tpu.memref_slice %arg3[%mul3A_84] : memref<320256xi32, #tpu.memory_space<hbm>> -> memref<10008xi32, #tpu.memory_space<hbm>>
      %dma_start3A_210 = tpu.memref_slice %arg3[%mul3A_84] : memref<320256xi32, #tpu.memory_space<hbm>> -> memref<10008xi32, #tpu.memory_space<hbm>>
      tpu.enqueue_dma source(%dma_start3A_210 : memref<10008xi32, #tpu.memory_space<hbm>>) target(%arg7 : memref<10008xi32, #tpu.memory_space<vmem>>) target_semaphore(%run_scoped3A : memref<!tpu.dma_semaphore, #tpu.memory_space<semaphore_mem>>)
      %dma_wait3A_211 = tpu.memref_slice %arg3[%mul3A_84] : memref<320256xi32, #tpu.memory_space<hbm>> -> memref<10008xi32, #tpu.memory_space<hbm>>
      %dma_wait3A_212 = tpu.memref_slice %arg3[%mul3A_84] : memref<320256xi32, #tpu.memory_space<hbm>> -> memref<10008xi32, #tpu.memory_space<hbm>>
      tpu.wait_dma2 semaphore(%run_scoped3A : memref<!tpu.dma_semaphore, #tpu.memory_space<semaphore_mem>>) src(%dma_wait3A_212 : memref<10008xi32, #tpu.memory_space<hbm>>) dst(%arg7 : memref<10008xi32, #tpu.memory_space<vmem>>)
      tpu.yield
    }) : () -> ()
    %mul3A_85 = arith.constant 10008 : i32
    %mul3A_86 = arith.muli %add3A, %mul3A_85 : i32
    "tpu.region"() ({
      %run_scoped3A = tpu.sem_alloc : memref<!tpu.dma_semaphore, #tpu.memory_space<semaphore_mem>>
      %dma_start3A_209 = tpu.memref_slice %arg4[%mul3A_86] : memref<320256xi32, #tpu.memory_space<hbm>> -> memref<10008xi32, #tpu.memory_space<hbm>>
      %dma_start3A_210 = tpu.memref_slice %arg4[%mul3A_86] : memref<320256xi32, #tpu.memory_space<hbm>> -> memref<10008xi32, #tpu.memory_space<hbm>>
      tpu.enqueue_dma source(%dma_start3A_210 : memref<10008xi32, #tpu.memory_space<hbm>>) target(%arg8 : memref<10008xi32, #tpu.memory_space<vmem>>) target_semaphore(%run_scoped3A : memref<!tpu.dma_semaphore, #tpu.memory_space<semaphore_mem>>)
      %dma_wait3A_211 = tpu.memref_slice %arg4[%mul3A_86] : memref<320256xi32, #tpu.memory_space<hbm>> -> memref<10008xi32, #tpu.memory_space<hbm>>
      %dma_wait3A_212 = tpu.memref_slice %arg4[%mul3A_86] : memref<320256xi32, #tpu.memory_space<hbm>> -> memref<10008xi32, #tpu.memory_space<hbm>>
      tpu.wait_dma2 semaphore(%run_scoped3A : memref<!tpu.dma_semaphore, #tpu.memory_space<semaphore_mem>>) src(%dma_wait3A_212 : memref<10008xi32, #tpu.memory_space<hbm>>) dst(%arg8 : memref<10008xi32, #tpu.memory_space<vmem>>)
      tpu.yield
    }) : () -> ()
    %mul3A_87 = arith.constant 640 : i32
    %mul3A_88 = arith.muli %arg1, %mul3A_87 : i32
    %add3A_89 = arith.constant 0 : i32
    %add3A_90 = arith.addi %mul3A_88, %add3A_89 : i32
    %dma_wait3A = arith.constant 0 : i32
    %dma_wait3A_91 = tpu.memref_slice %arg6[%add3A_90, %dma_wait3A] : memref<10240x128xf32, #tpu.memory_space<vmem_shared>> -> memref<72x128xf32, #tpu.memory_space<vmem_shared>>
    %dma_wait3A_92 = arith.constant 0 : i32
    %dma_wait3A_93 = tpu.memref_slice %arg6[%add3A_90, %dma_wait3A_92] : memref<10240x128xf32, #tpu.memory_space<vmem_shared>> -> memref<72x128xf32, #tpu.memory_space<vmem_shared>>
    tpu.wait_dma2 semaphore(%arg15 : memref<!tpu.dma_semaphore, #tpu.memory_space<semaphore_mem>>) src(%arg11 : memref<72x128xf32, #tpu.memory_space<vmem>>) dst(%dma_wait3A_93 : memref<72x128xf32, #tpu.memory_space<vmem_shared>>)
    %mul3A_94 = arith.constant 640 : i32
    %mul3A_95 = arith.muli %arg1, %mul3A_94 : i32
    %add3A_96 = arith.constant 72 : i32
    %add3A_97 = arith.addi %mul3A_95, %add3A_96 : i32
    %dma_wait3A_98 = arith.constant 0 : i32
    %dma_wait3A_99 = tpu.memref_slice %arg6[%add3A_97, %dma_wait3A_98] : memref<10240x128xf32, #tpu.memory_space<vmem_shared>> -> memref<72x128xf32, #tpu.memory_space<vmem_shared>>
    %dma_wait3A_100 = arith.constant 0 : i32
    %dma_wait3A_101 = tpu.memref_slice %arg6[%add3A_97, %dma_wait3A_100] : memref<10240x128xf32, #tpu.memory_space<vmem_shared>> -> memref<72x128xf32, #tpu.memory_space<vmem_shared>>
    tpu.wait_dma2 semaphore(%arg15 : memref<!tpu.dma_semaphore, #tpu.memory_space<semaphore_mem>>) src(%arg11 : memref<72x128xf32, #tpu.memory_space<vmem>>) dst(%dma_wait3A_101 : memref<72x128xf32, #tpu.memory_space<vmem_shared>>)
    %mul3A_102 = arith.constant 640 : i32
    %mul3A_103 = arith.muli %arg1, %mul3A_102 : i32
    %add3A_104 = arith.constant 144 : i32
    %add3A_105 = arith.addi %mul3A_103, %add3A_104 : i32
    %dma_wait3A_106 = arith.constant 0 : i32
    %dma_wait3A_107 = tpu.memref_slice %arg6[%add3A_105, %dma_wait3A_106] : memref<10240x128xf32, #tpu.memory_space<vmem_shared>> -> memref<72x128xf32, #tpu.memory_space<vmem_shared>>
    %dma_wait3A_108 = arith.constant 0 : i32
    %dma_wait3A_109 = tpu.memref_slice %arg6[%add3A_105, %dma_wait3A_108] : memref<10240x128xf32, #tpu.memory_space<vmem_shared>> -> memref<72x128xf32, #tpu.memory_space<vmem_shared>>
    tpu.wait_dma2 semaphore(%arg15 : memref<!tpu.dma_semaphore, #tpu.memory_space<semaphore_mem>>) src(%arg11 : memref<72x128xf32, #tpu.memory_space<vmem>>) dst(%dma_wait3A_109 : memref<72x128xf32, #tpu.memory_space<vmem_shared>>)
    %mul3A_110 = arith.constant 640 : i32
    %mul3A_111 = arith.muli %arg1, %mul3A_110 : i32
    %add3A_112 = arith.constant 216 : i32
    %add3A_113 = arith.addi %mul3A_111, %add3A_112 : i32
    %dma_wait3A_114 = arith.constant 0 : i32
    %dma_wait3A_115 = tpu.memref_slice %arg6[%add3A_113, %dma_wait3A_114] : memref<10240x128xf32, #tpu.memory_space<vmem_shared>> -> memref<72x128xf32, #tpu.memory_space<vmem_shared>>
    %dma_wait3A_116 = arith.constant 0 : i32
    %dma_wait3A_117 = tpu.memref_slice %arg6[%add3A_113, %dma_wait3A_116] : memref<10240x128xf32, #tpu.memory_space<vmem_shared>> -> memref<72x128xf32, #tpu.memory_space<vmem_shared>>
    tpu.wait_dma2 semaphore(%arg15 : memref<!tpu.dma_semaphore, #tpu.memory_space<semaphore_mem>>) src(%arg11 : memref<72x128xf32, #tpu.memory_space<vmem>>) dst(%dma_wait3A_117 : memref<72x128xf32, #tpu.memory_space<vmem_shared>>)
    %mul3A_118 = arith.constant 640 : i32
    %mul3A_119 = arith.muli %arg1, %mul3A_118 : i32
    %add3A_120 = arith.constant 288 : i32
    %add3A_121 = arith.addi %mul3A_119, %add3A_120 : i32
    %dma_wait3A_122 = arith.constant 0 : i32
    %dma_wait3A_123 = tpu.memref_slice %arg6[%add3A_121, %dma_wait3A_122] : memref<10240x128xf32, #tpu.memory_space<vmem_shared>> -> memref<72x128xf32, #tpu.memory_space<vmem_shared>>
    %dma_wait3A_124 = arith.constant 0 : i32
    %dma_wait3A_125 = tpu.memref_slice %arg6[%add3A_121, %dma_wait3A_124] : memref<10240x128xf32, #tpu.memory_space<vmem_shared>> -> memref<72x128xf32, #tpu.memory_space<vmem_shared>>
    tpu.wait_dma2 semaphore(%arg15 : memref<!tpu.dma_semaphore, #tpu.memory_space<semaphore_mem>>) src(%arg11 : memref<72x128xf32, #tpu.memory_space<vmem>>) dst(%dma_wait3A_125 : memref<72x128xf32, #tpu.memory_space<vmem_shared>>)
    %mul3A_126 = arith.constant 640 : i32
    %mul3A_127 = arith.muli %arg1, %mul3A_126 : i32
    %add3A_128 = arith.constant 360 : i32
    %add3A_129 = arith.addi %mul3A_127, %add3A_128 : i32
    %dma_wait3A_130 = arith.constant 0 : i32
    %dma_wait3A_131 = tpu.memref_slice %arg6[%add3A_129, %dma_wait3A_130] : memref<10240x128xf32, #tpu.memory_space<vmem_shared>> -> memref<72x128xf32, #tpu.memory_space<vmem_shared>>
    %dma_wait3A_132 = arith.constant 0 : i32
    %dma_wait3A_133 = tpu.memref_slice %arg6[%add3A_129, %dma_wait3A_132] : memref<10240x128xf32, #tpu.memory_space<vmem_shared>> -> memref<72x128xf32, #tpu.memory_space<vmem_shared>>
    tpu.wait_dma2 semaphore(%arg15 : memref<!tpu.dma_semaphore, #tpu.memory_space<semaphore_mem>>) src(%arg11 : memref<72x128xf32, #tpu.memory_space<vmem>>) dst(%dma_wait3A_133 : memref<72x128xf32, #tpu.memory_space<vmem_shared>>)
    %mul3A_134 = arith.constant 640 : i32
    %mul3A_135 = arith.muli %arg1, %mul3A_134 : i32
    %add3A_136 = arith.constant 432 : i32
    %add3A_137 = arith.addi %mul3A_135, %add3A_136 : i32
    %dma_wait3A_138 = arith.constant 0 : i32
    %dma_wait3A_139 = tpu.memref_slice %arg6[%add3A_137, %dma_wait3A_138] : memref<10240x128xf32, #tpu.memory_space<vmem_shared>> -> memref<72x128xf32, #tpu.memory_space<vmem_shared>>
    %dma_wait3A_140 = arith.constant 0 : i32
    %dma_wait3A_141 = tpu.memref_slice %arg6[%add3A_137, %dma_wait3A_140] : memref<10240x128xf32, #tpu.memory_space<vmem_shared>> -> memref<72x128xf32, #tpu.memory_space<vmem_shared>>
    tpu.wait_dma2 semaphore(%arg15 : memref<!tpu.dma_semaphore, #tpu.memory_space<semaphore_mem>>) src(%arg11 : memref<72x128xf32, #tpu.memory_space<vmem>>) dst(%dma_wait3A_141 : memref<72x128xf32, #tpu.memory_space<vmem_shared>>)
    %mul3A_142 = arith.constant 640 : i32
    %mul3A_143 = arith.muli %arg1, %mul3A_142 : i32
    %add3A_144 = arith.constant 504 : i32
    %add3A_145 = arith.addi %mul3A_143, %add3A_144 : i32
    %dma_wait3A_146 = arith.constant 0 : i32
    %dma_wait3A_147 = tpu.memref_slice %arg6[%add3A_145, %dma_wait3A_146] : memref<10240x128xf32, #tpu.memory_space<vmem_shared>> -> memref<72x128xf32, #tpu.memory_space<vmem_shared>>
    %dma_wait3A_148 = arith.constant 0 : i32
    %dma_wait3A_149 = tpu.memref_slice %arg6[%add3A_145, %dma_wait3A_148] : memref<10240x128xf32, #tpu.memory_space<vmem_shared>> -> memref<72x128xf32, #tpu.memory_space<vmem_shared>>
    tpu.wait_dma2 semaphore(%arg15 : memref<!tpu.dma_semaphore, #tpu.memory_space<semaphore_mem>>) src(%arg11 : memref<72x128xf32, #tpu.memory_space<vmem>>) dst(%dma_wait3A_149 : memref<72x128xf32, #tpu.memory_space<vmem_shared>>)
    %mul3A_150 = arith.constant 640 : i32
    %mul3A_151 = arith.muli %arg1, %mul3A_150 : i32
    %add3A_152 = arith.constant 576 : i32
    %add3A_153 = arith.addi %mul3A_151, %add3A_152 : i32
    %dma_wait3A_154 = arith.constant 0 : i32
    %dma_wait3A_155 = arith.constant 0 : i32
    %dma_wait3A_156 = tpu.memref_slice %arg11[%dma_wait3A_154, %dma_wait3A_155] : memref<72x128xf32, #tpu.memory_space<vmem>> -> memref<64x128xf32, #tpu.memory_space<vmem>>
    %dma_wait3A_157 = arith.constant 0 : i32
    %dma_wait3A_158 = tpu.memref_slice %arg6[%add3A_153, %dma_wait3A_157] : memref<10240x128xf32, #tpu.memory_space<vmem_shared>> -> memref<64x128xf32, #tpu.memory_space<vmem_shared>>
    %dma_wait3A_159 = arith.constant 0 : i32
    %dma_wait3A_160 = tpu.memref_slice %arg6[%add3A_153, %dma_wait3A_159] : memref<10240x128xf32, #tpu.memory_space<vmem_shared>> -> memref<64x128xf32, #tpu.memory_space<vmem_shared>>
    %dma_wait3A_161 = arith.constant 0 : i32
    %dma_wait3A_162 = arith.constant 0 : i32
    %dma_wait3A_163 = tpu.memref_slice %arg11[%dma_wait3A_161, %dma_wait3A_162] : memref<72x128xf32, #tpu.memory_space<vmem>> -> memref<64x128xf32, #tpu.memory_space<vmem>>
    tpu.wait_dma2 semaphore(%arg15 : memref<!tpu.dma_semaphore, #tpu.memory_space<semaphore_mem>>) src(%dma_wait3A_163 : memref<64x128xf32, #tpu.memory_space<vmem>>) dst(%dma_wait3A_160 : memref<64x128xf32, #tpu.memory_space<vmem_shared>>)
    %barrier3A = arith.constant 0 : index
    tpu.barrier barrier_id(%barrier3A)
    %dma_start3A_164 = arith.constant 0 : i32
    %dma_start3A_165 = tpu.memref_slice %arg7[%dma_start3A_164] : memref<10008xi32, #tpu.memory_space<vmem>> -> memref<72xi32, #tpu.memory_space<vmem>>
    %dma_start3A_166 = arith.constant 0 : i32
    %dma_start3A_167 = arith.constant 0 : i32
    %dma_start3A_168 = tpu.memref_slice %arg2[%dma_start3A_166, %dma_start3A_167] : memref<10000x128xf32, #tpu.memory_space<hbm>> -> memref<10000x128xf32, #tpu.memory_space<hbm>>
    tpu.enqueue_indirect_dma source(%dma_start3A_168 : memref<10000x128xf32, #tpu.memory_space<hbm>>) target(%arg9 : memref<72x128xf32, #tpu.memory_space<vmem>>) offsets(%dma_start3A_165 : memref<72xi32, #tpu.memory_space<vmem>>) semaphore(%arg12 : memref<!tpu.dma_semaphore, #tpu.memory_space<semaphore_mem>>)
    %dma_start3A_169 = arith.constant 72 : i32
    %dma_start3A_170 = tpu.memref_slice %arg7[%dma_start3A_169] : memref<10008xi32, #tpu.memory_space<vmem>> -> memref<72xi32, #tpu.memory_space<vmem>>
    %dma_start3A_171 = arith.constant 0 : i32
    %dma_start3A_172 = arith.constant 0 : i32
    %dma_start3A_173 = tpu.memref_slice %arg2[%dma_start3A_171, %dma_start3A_172] : memref<10000x128xf32, #tpu.memory_space<hbm>> -> memref<10000x128xf32, #tpu.memory_space<hbm>>
    tpu.enqueue_indirect_dma source(%dma_start3A_173 : memref<10000x128xf32, #tpu.memory_space<hbm>>) target(%arg10 : memref<72x128xf32, #tpu.memory_space<vmem>>) offsets(%dma_start3A_170 : memref<72xi32, #tpu.memory_space<vmem>>) semaphore(%arg13 : memref<!tpu.dma_semaphore, #tpu.memory_space<semaphore_mem>>)
    %scan3A_174 = arith.constant 0 : i32
    %scan3A_175 = arith.constant 46 : i32
    %scan3A_176 = arith.addi %scan3A_174, %scan3A_175 : i32
    %scan3A_177 = arith.constant 1 : i32
    scf.for %scan3A_209 = %scan3A_174 to %scan3A_176 step %scan3A_177  : i32 {
      %mul3A_210 = arith.constant 3 : i32
      %mul3A_211 = arith.muli %scan3A_209, %mul3A_210 : i32
      %add3A_212 = arith.constant 0 : i32
      %add3A_213 = arith.addi %add3A_212, %mul3A_211 : i32
      %add3A_214 = arith.constant 0 : i32
      %add3A_215 = arith.addi %add3A_213, %add3A_214 : i32
      %mul3A_216 = arith.constant 72 : i32
      %mul3A_217 = arith.muli %add3A_215, %mul3A_216 : i32
      %dma_wait3A_218 = tpu.memref_slice %arg7[%mul3A_217] : memref<10008xi32, #tpu.memory_space<vmem>> -> memref<72xi32, #tpu.memory_space<vmem>>
      %dma_wait3A_219 = arith.constant 0 : i32
      %dma_wait3A_220 = arith.constant 0 : i32
      %dma_wait3A_221 = tpu.memref_slice %arg2[%dma_wait3A_219, %dma_wait3A_220] : memref<10000x128xf32, #tpu.memory_space<hbm>> -> memref<10000x128xf32, #tpu.memory_space<hbm>>
      tpu.wait_indirect_dma semaphore(%arg12 : memref<!tpu.dma_semaphore, #tpu.memory_space<semaphore_mem>>) src(%dma_wait3A_221 : memref<10000x128xf32, #tpu.memory_space<hbm>>) dst(%arg9 : memref<72x128xf32, #tpu.memory_space<vmem>>)
      %mul3A_222 = arith.constant 72 : i32
      %mul3A_223 = arith.muli %add3A_215, %mul3A_222 : i32
      %dma_start3A_224 = tpu.memref_slice %arg8[%mul3A_223] : memref<10008xi32, #tpu.memory_space<vmem>> -> memref<72xi32, #tpu.memory_space<vmem>>
      %dma_start3A_225 = arith.constant 0 : i32
      %dma_start3A_226 = arith.constant 0 : i32
      %dma_start3A_227 = tpu.memref_slice %arg6[%dma_start3A_225, %dma_start3A_226] : memref<10240x128xf32, #tpu.memory_space<vmem_shared>> -> memref<10240x128xf32, #tpu.memory_space<vmem_shared>>
      tpu.enqueue_indirect_dma source(%arg9 : memref<72x128xf32, #tpu.memory_space<vmem>>) target(%dma_start3A_227 : memref<10240x128xf32, #tpu.memory_space<vmem_shared>>) offsets(%dma_start3A_224 : memref<72xi32, #tpu.memory_space<vmem>>) semaphore(%arg15 : memref<!tpu.dma_semaphore, #tpu.memory_space<semaphore_mem>>) {add = true}
      %add3A_228 = arith.constant 2 : i32
      %add3A_229 = arith.addi %add3A_215, %add3A_228 : i32
      %lt3A = arith.constant 139 : i32
      %lt3A_230 = arith.cmpi slt, %add3A_229, %lt3A : i32
      %convert_element_type3A = arith.extui %lt3A_230 : i1 to i32
      %cond3A = arith.constant 0 : i32
      %cond3A_231 = arith.cmpi ne, %convert_element_type3A, %cond3A : i32
      scf.if %cond3A_231 {
        %gt3A = arith.constant 0 : i32
        %gt3A_274 = arith.cmpi sgt, %add3A_215, %gt3A : i32
        %convert_element_type3A_275 = arith.extui %gt3A_274 : i1 to i32
        %cond3A_276 = arith.constant 0 : i32
        %cond3A_277 = arith.cmpi ne, %convert_element_type3A_275, %cond3A_276 : i32
        scf.if %cond3A_277 {
          %dma_wait3A_286 = arith.constant 0 : i32
          %dma_wait3A_287 = tpu.memref_slice %arg8[%dma_wait3A_286] : memref<10008xi32, #tpu.memory_space<vmem>> -> memref<72xi32, #tpu.memory_space<vmem>>
          %dma_wait3A_288 = arith.constant 0 : i32
          %dma_wait3A_289 = arith.constant 0 : i32
          %dma_wait3A_290 = tpu.memref_slice %arg6[%dma_wait3A_288, %dma_wait3A_289] : memref<10240x128xf32, #tpu.memory_space<vmem_shared>> -> memref<10240x128xf32, #tpu.memory_space<vmem_shared>>
          tpu.wait_indirect_dma semaphore(%arg17 : memref<!tpu.dma_semaphore, #tpu.memory_space<semaphore_mem>>) src(%arg11 : memref<72x128xf32, #tpu.memory_space<vmem>>) dst(%dma_wait3A_290 : memref<10240x128xf32, #tpu.memory_space<vmem_shared>>)
        } else {
        }
        %add3A_278 = arith.constant 2 : i32
        %add3A_279 = arith.addi %add3A_215, %add3A_278 : i32
        %mul3A_280 = arith.constant 72 : i32
        %mul3A_281 = arith.muli %add3A_279, %mul3A_280 : i32
        %dma_start3A_282 = tpu.memref_slice %arg7[%mul3A_281] : memref<10008xi32, #tpu.memory_space<vmem>> -> memref<72xi32, #tpu.memory_space<vmem>>
        %dma_start3A_283 = arith.constant 0 : i32
        %dma_start3A_284 = arith.constant 0 : i32
        %dma_start3A_285 = tpu.memref_slice %arg2[%dma_start3A_283, %dma_start3A_284] : memref<10000x128xf32, #tpu.memory_space<hbm>> -> memref<10000x128xf32, #tpu.memory_space<hbm>>
        tpu.enqueue_indirect_dma source(%dma_start3A_285 : memref<10000x128xf32, #tpu.memory_space<hbm>>) target(%arg11 : memref<72x128xf32, #tpu.memory_space<vmem>>) offsets(%dma_start3A_282 : memref<72xi32, #tpu.memory_space<vmem>>) semaphore(%arg14 : memref<!tpu.dma_semaphore, #tpu.memory_space<semaphore_mem>>)
      } else {
      }
      %add3A_232 = arith.constant 1 : i32
      %add3A_233 = arith.addi %add3A_213, %add3A_232 : i32
      %mul3A_234 = arith.constant 72 : i32
      %mul3A_235 = arith.muli %add3A_233, %mul3A_234 : i32
      %dma_wait3A_236 = tpu.memref_slice %arg7[%mul3A_235] : memref<10008xi32, #tpu.memory_space<vmem>> -> memref<72xi32, #tpu.memory_space<vmem>>
      %dma_wait3A_237 = arith.constant 0 : i32
      %dma_wait3A_238 = arith.constant 0 : i32
      %dma_wait3A_239 = tpu.memref_slice %arg2[%dma_wait3A_237, %dma_wait3A_238] : memref<10000x128xf32, #tpu.memory_space<hbm>> -> memref<10000x128xf32, #tpu.memory_space<hbm>>
      tpu.wait_indirect_dma semaphore(%arg13 : memref<!tpu.dma_semaphore, #tpu.memory_space<semaphore_mem>>) src(%dma_wait3A_239 : memref<10000x128xf32, #tpu.memory_space<hbm>>) dst(%arg10 : memref<72x128xf32, #tpu.memory_space<vmem>>)
      %mul3A_240 = arith.constant 72 : i32
      %mul3A_241 = arith.muli %add3A_233, %mul3A_240 : i32
      %dma_start3A_242 = tpu.memref_slice %arg8[%mul3A_241] : memref<10008xi32, #tpu.memory_space<vmem>> -> memref<72xi32, #tpu.memory_space<vmem>>
      %dma_start3A_243 = arith.constant 0 : i32
      %dma_start3A_244 = arith.constant 0 : i32
      %dma_start3A_245 = tpu.memref_slice %arg6[%dma_start3A_243, %dma_start3A_244] : memref<10240x128xf32, #tpu.memory_space<vmem_shared>> -> memref<10240x128xf32, #tpu.memory_space<vmem_shared>>
      tpu.enqueue_indirect_dma source(%arg10 : memref<72x128xf32, #tpu.memory_space<vmem>>) target(%dma_start3A_245 : memref<10240x128xf32, #tpu.memory_space<vmem_shared>>) offsets(%dma_start3A_242 : memref<72xi32, #tpu.memory_space<vmem>>) semaphore(%arg16 : memref<!tpu.dma_semaphore, #tpu.memory_space<semaphore_mem>>) {add = true}
      %add3A_246 = arith.constant 2 : i32
      %add3A_247 = arith.addi %add3A_233, %add3A_246 : i32
      %lt3A_248 = arith.constant 139 : i32
      %lt3A_249 = arith.cmpi slt, %add3A_247, %lt3A_248 : i32
      %convert_element_type3A_250 = arith.extui %lt3A_249 : i1 to i32
      %cond3A_251 = arith.constant 0 : i32
      %cond3A_252 = arith.cmpi ne, %convert_element_type3A_250, %cond3A_251 : i32
      scf.if %cond3A_252 {
        %gt3A = arith.constant 0 : i32
        %gt3A_274 = arith.cmpi sgt, %add3A_233, %gt3A : i32
        %convert_element_type3A_275 = arith.extui %gt3A_274 : i1 to i32
        %cond3A_276 = arith.constant 0 : i32
        %cond3A_277 = arith.cmpi ne, %convert_element_type3A_275, %cond3A_276 : i32
        scf.if %cond3A_277 {
          %dma_wait3A_286 = arith.constant 0 : i32
          %dma_wait3A_287 = tpu.memref_slice %arg8[%dma_wait3A_286] : memref<10008xi32, #tpu.memory_space<vmem>> -> memref<72xi32, #tpu.memory_space<vmem>>
          %dma_wait3A_288 = arith.constant 0 : i32
          %dma_wait3A_289 = arith.constant 0 : i32
          %dma_wait3A_290 = tpu.memref_slice %arg6[%dma_wait3A_288, %dma_wait3A_289] : memref<10240x128xf32, #tpu.memory_space<vmem_shared>> -> memref<10240x128xf32, #tpu.memory_space<vmem_shared>>
          tpu.wait_indirect_dma semaphore(%arg15 : memref<!tpu.dma_semaphore, #tpu.memory_space<semaphore_mem>>) src(%arg9 : memref<72x128xf32, #tpu.memory_space<vmem>>) dst(%dma_wait3A_290 : memref<10240x128xf32, #tpu.memory_space<vmem_shared>>)
        } else {
        }
        %add3A_278 = arith.constant 2 : i32
        %add3A_279 = arith.addi %add3A_233, %add3A_278 : i32
        %mul3A_280 = arith.constant 72 : i32
        %mul3A_281 = arith.muli %add3A_279, %mul3A_280 : i32
        %dma_start3A_282 = tpu.memref_slice %arg7[%mul3A_281] : memref<10008xi32, #tpu.memory_space<vmem>> -> memref<72xi32, #tpu.memory_space<vmem>>
        %dma_start3A_283 = arith.constant 0 : i32
        %dma_start3A_284 = arith.constant 0 : i32
        %dma_start3A_285 = tpu.memref_slice %arg2[%dma_start3A_283, %dma_start3A_284] : memref<10000x128xf32, #tpu.memory_space<hbm>> -> memref<10000x128xf32, #tpu.memory_space<hbm>>
        tpu.enqueue_indirect_dma source(%dma_start3A_285 : memref<10000x128xf32, #tpu.memory_space<hbm>>) target(%arg9 : memref<72x128xf32, #tpu.memory_space<vmem>>) offsets(%dma_start3A_282 : memref<72xi32, #tpu.memory_space<vmem>>) semaphore(%arg12 : memref<!tpu.dma_semaphore, #tpu.memory_space<semaphore_mem>>)
      } else {
      }
      %add3A_253 = arith.constant 2 : i32
      %add3A_254 = arith.addi %add3A_213, %add3A_253 : i32
      %mul3A_255 = arith.constant 72 : i32
      %mul3A_256 = arith.muli %add3A_254, %mul3A_255 : i32
      %dma_wait3A_257 = tpu.memref_slice %arg7[%mul3A_256] : memref<10008xi32, #tpu.memory_space<vmem>> -> memref<72xi32, #tpu.memory_space<vmem>>
      %dma_wait3A_258 = arith.constant 0 : i32
      %dma_wait3A_259 = arith.constant 0 : i32
      %dma_wait3A_260 = tpu.memref_slice %arg2[%dma_wait3A_258, %dma_wait3A_259] : memref<10000x128xf32, #tpu.memory_space<hbm>> -> memref<10000x128xf32, #tpu.memory_space<hbm>>
      tpu.wait_indirect_dma semaphore(%arg14 : memref<!tpu.dma_semaphore, #tpu.memory_space<semaphore_mem>>) src(%dma_wait3A_260 : memref<10000x128xf32, #tpu.memory_space<hbm>>) dst(%arg11 : memref<72x128xf32, #tpu.memory_space<vmem>>)
      %mul3A_261 = arith.constant 72 : i32
      %mul3A_262 = arith.muli %add3A_254, %mul3A_261 : i32
      %dma_start3A_263 = tpu.memref_slice %arg8[%mul3A_262] : memref<10008xi32, #tpu.memory_space<vmem>> -> memref<72xi32, #tpu.memory_space<vmem>>
      %dma_start3A_264 = arith.constant 0 : i32
      %dma_start3A_265 = arith.constant 0 : i32
      %dma_start3A_266 = tpu.memref_slice %arg6[%dma_start3A_264, %dma_start3A_265] : memref<10240x128xf32, #tpu.memory_space<vmem_shared>> -> memref<10240x128xf32, #tpu.memory_space<vmem_shared>>
      tpu.enqueue_indirect_dma source(%arg11 : memref<72x128xf32, #tpu.memory_space<vmem>>) target(%dma_start3A_266 : memref<10240x128xf32, #tpu.memory_space<vmem_shared>>) offsets(%dma_start3A_263 : memref<72xi32, #tpu.memory_space<vmem>>) semaphore(%arg17 : memref<!tpu.dma_semaphore, #tpu.memory_space<semaphore_mem>>) {add = true}
      %add3A_267 = arith.constant 2 : i32
      %add3A_268 = arith.addi %add3A_254, %add3A_267 : i32
      %lt3A_269 = arith.constant 139 : i32
      %lt3A_270 = arith.cmpi slt, %add3A_268, %lt3A_269 : i32
      %convert_element_type3A_271 = arith.extui %lt3A_270 : i1 to i32
      %cond3A_272 = arith.constant 0 : i32
      %cond3A_273 = arith.cmpi ne, %convert_element_type3A_271, %cond3A_272 : i32
      scf.if %cond3A_273 {
        %gt3A = arith.constant 0 : i32
        %gt3A_274 = arith.cmpi sgt, %add3A_254, %gt3A : i32
        %convert_element_type3A_275 = arith.extui %gt3A_274 : i1 to i32
        %cond3A_276 = arith.constant 0 : i32
        %cond3A_277 = arith.cmpi ne, %convert_element_type3A_275, %cond3A_276 : i32
        scf.if %cond3A_277 {
          %dma_wait3A_286 = arith.constant 0 : i32
          %dma_wait3A_287 = tpu.memref_slice %arg8[%dma_wait3A_286] : memref<10008xi32, #tpu.memory_space<vmem>> -> memref<72xi32, #tpu.memory_space<vmem>>
          %dma_wait3A_288 = arith.constant 0 : i32
          %dma_wait3A_289 = arith.constant 0 : i32
          %dma_wait3A_290 = tpu.memref_slice %arg6[%dma_wait3A_288, %dma_wait3A_289] : memref<10240x128xf32, #tpu.memory_space<vmem_shared>> -> memref<10240x128xf32, #tpu.memory_space<vmem_shared>>
          tpu.wait_indirect_dma semaphore(%arg16 : memref<!tpu.dma_semaphore, #tpu.memory_space<semaphore_mem>>) src(%arg10 : memref<72x128xf32, #tpu.memory_space<vmem>>) dst(%dma_wait3A_290 : memref<10240x128xf32, #tpu.memory_space<vmem_shared>>)
        } else {
        }
        %add3A_278 = arith.constant 2 : i32
        %add3A_279 = arith.addi %add3A_254, %add3A_278 : i32
        %mul3A_280 = arith.constant 72 : i32
        %mul3A_281 = arith.muli %add3A_279, %mul3A_280 : i32
        %dma_start3A_282 = tpu.memref_slice %arg7[%mul3A_281] : memref<10008xi32, #tpu.memory_space<vmem>> -> memref<72xi32, #tpu.memory_space<vmem>>
        %dma_start3A_283 = arith.constant 0 : i32
        %dma_start3A_284 = arith.constant 0 : i32
        %dma_start3A_285 = tpu.memref_slice %arg2[%dma_start3A_283, %dma_start3A_284] : memref<10000x128xf32, #tpu.memory_space<hbm>> -> memref<10000x128xf32, #tpu.memory_space<hbm>>
        tpu.enqueue_indirect_dma source(%dma_start3A_285 : memref<10000x128xf32, #tpu.memory_space<hbm>>) target(%arg10 : memref<72x128xf32, #tpu.memory_space<vmem>>) offsets(%dma_start3A_282 : memref<72xi32, #tpu.memory_space<vmem>>) semaphore(%arg13 : memref<!tpu.dma_semaphore, #tpu.memory_space<semaphore_mem>>)
      } else {
      }
    }
    %scan3A_178 = arith.constant 46 : i32
    %dma_wait3A_179 = arith.constant 9936 : i32
    %dma_wait3A_180 = tpu.memref_slice %arg7[%dma_wait3A_179] : memref<10008xi32, #tpu.memory_space<vmem>> -> memref<72xi32, #tpu.memory_space<vmem>>
    %dma_wait3A_181 = arith.constant 0 : i32
    %dma_wait3A_182 = arith.constant 0 : i32
    %dma_wait3A_183 = tpu.memref_slice %arg2[%dma_wait3A_181, %dma_wait3A_182] : memref<10000x128xf32, #tpu.memory_space<hbm>> -> memref<10000x128xf32, #tpu.memory_space<hbm>>
    tpu.wait_indirect_dma semaphore(%arg12 : memref<!tpu.dma_semaphore, #tpu.memory_space<semaphore_mem>>) src(%dma_wait3A_183 : memref<10000x128xf32, #tpu.memory_space<hbm>>) dst(%arg9 : memref<72x128xf32, #tpu.memory_space<vmem>>)
    %dma_start3A_184 = arith.constant 9936 : i32
    %dma_start3A_185 = tpu.memref_slice %arg8[%dma_start3A_184] : memref<10008xi32, #tpu.memory_space<vmem>> -> memref<72xi32, #tpu.memory_space<vmem>>
    %dma_start3A_186 = arith.constant 0 : i32
    %dma_start3A_187 = arith.constant 0 : i32
    %dma_start3A_188 = tpu.memref_slice %arg6[%dma_start3A_186, %dma_start3A_187] : memref<10240x128xf32, #tpu.memory_space<vmem_shared>> -> memref<10240x128xf32, #tpu.memory_space<vmem_shared>>
    tpu.enqueue_indirect_dma source(%arg9 : memref<72x128xf32, #tpu.memory_space<vmem>>) target(%dma_start3A_188 : memref<10240x128xf32, #tpu.memory_space<vmem_shared>>) offsets(%dma_start3A_185 : memref<72xi32, #tpu.memory_space<vmem>>) semaphore(%arg15 : memref<!tpu.dma_semaphore, #tpu.memory_space<semaphore_mem>>) {add = true}
    %dma_wait3A_189 = arith.constant 0 : i32
    %dma_wait3A_190 = tpu.memref_slice %arg8[%dma_wait3A_189] : memref<10008xi32, #tpu.memory_space<vmem>> -> memref<72xi32, #tpu.memory_space<vmem>>
    %dma_wait3A_191 = arith.constant 0 : i32
    %dma_wait3A_192 = arith.constant 0 : i32
    %dma_wait3A_193 = tpu.memref_slice %arg6[%dma_wait3A_191, %dma_wait3A_192] : memref<10240x128xf32, #tpu.memory_space<vmem_shared>> -> memref<10240x128xf32, #tpu.memory_space<vmem_shared>>
    tpu.wait_indirect_dma semaphore(%arg15 : memref<!tpu.dma_semaphore, #tpu.memory_space<semaphore_mem>>) src(%arg9 : memref<72x128xf32, #tpu.memory_space<vmem>>) dst(%dma_wait3A_193 : memref<10240x128xf32, #tpu.memory_space<vmem_shared>>)
    %dma_wait3A_194 = arith.constant 0 : i32
    %dma_wait3A_195 = tpu.memref_slice %arg8[%dma_wait3A_194] : memref<10008xi32, #tpu.memory_space<vmem>> -> memref<72xi32, #tpu.memory_space<vmem>>
    %dma_wait3A_196 = arith.constant 0 : i32
    %dma_wait3A_197 = arith.constant 0 : i32
    %dma_wait3A_198 = tpu.memref_slice %arg6[%dma_wait3A_196, %dma_wait3A_197] : memref<10240x128xf32, #tpu.memory_space<vmem_shared>> -> memref<10240x128xf32, #tpu.memory_space<vmem_shared>>
    tpu.wait_indirect_dma semaphore(%arg16 : memref<!tpu.dma_semaphore, #tpu.memory_space<semaphore_mem>>) src(%arg10 : memref<72x128xf32, #tpu.memory_space<vmem>>) dst(%dma_wait3A_198 : memref<10240x128xf32, #tpu.memory_space<vmem_shared>>)
    %dma_wait3A_199 = arith.constant 0 : i32
    %dma_wait3A_200 = tpu.memref_slice %arg8[%dma_wait3A_199] : memref<10008xi32, #tpu.memory_space<vmem>> -> memref<72xi32, #tpu.memory_space<vmem>>
    %dma_wait3A_201 = arith.constant 0 : i32
    %dma_wait3A_202 = arith.constant 0 : i32
    %dma_wait3A_203 = tpu.memref_slice %arg6[%dma_wait3A_201, %dma_wait3A_202] : memref<10240x128xf32, #tpu.memory_space<vmem_shared>> -> memref<10240x128xf32, #tpu.memory_space<vmem_shared>>
    tpu.wait_indirect_dma semaphore(%arg17 : memref<!tpu.dma_semaphore, #tpu.memory_space<semaphore_mem>>) src(%arg11 : memref<72x128xf32, #tpu.memory_space<vmem>>) dst(%dma_wait3A_203 : memref<10240x128xf32, #tpu.memory_space<vmem_shared>>)
    %barrier3A_204 = arith.constant 0 : index
    tpu.barrier barrier_id(%barrier3A_204)
    %mul3A_205 = arith.constant 640 : i32
    %mul3A_206 = arith.muli %arg1, %mul3A_205 : i32
    %mul3A_207 = arith.constant 640 : i32
    %mul3A_208 = arith.muli %arg1, %mul3A_207 : i32
    "tpu.region"() ({
      %run_scoped3A = tpu.sem_alloc : memref<!tpu.dma_semaphore, #tpu.memory_space<semaphore_mem>>
      %dma_start3A_209 = arith.constant 0 : i32
      %dma_start3A_210 = tpu.memref_slice %arg5[%arg0, %mul3A_208, %dma_start3A_209] : memref<2x10240x128xf32, #tpu.memory_space<hbm>> -> memref<1x640x128xf32, #tpu.memory_space<hbm>>
      %dma_start3A_211 = tpu.memref_squeeze %dma_start3A_210 : memref<1x640x128xf32, #tpu.memory_space<hbm>> -> memref<640x128xf32, #tpu.memory_space<hbm>>
      %dma_start3A_212 = arith.constant 0 : i32
      %dma_start3A_213 = tpu.memref_slice %arg6[%mul3A_206, %dma_start3A_212] : memref<10240x128xf32, #tpu.memory_space<vmem_shared>> -> memref<640x128xf32, #tpu.memory_space<vmem_shared>>
      tpu.enqueue_dma source(%dma_start3A_213 : memref<640x128xf32, #tpu.memory_space<vmem_shared>>) target(%dma_start3A_211 : memref<640x128xf32, #tpu.memory_space<hbm>>) target_semaphore(%run_scoped3A : memref<!tpu.dma_semaphore, #tpu.memory_space<semaphore_mem>>)
      %dma_wait3A_214 = arith.constant 0 : i32
      %dma_wait3A_215 = tpu.memref_slice %arg5[%arg0, %mul3A_208, %dma_wait3A_214] : memref<2x10240x128xf32, #tpu.memory_space<hbm>> -> memref<1x640x128xf32, #tpu.memory_space<hbm>>
      %dma_wait3A_216 = tpu.memref_squeeze %dma_wait3A_215 : memref<1x640x128xf32, #tpu.memory_space<hbm>> -> memref<640x128xf32, #tpu.memory_space<hbm>>
      %dma_wait3A_217 = arith.constant 0 : i32
      %dma_wait3A_218 = tpu.memref_slice %arg6[%mul3A_206, %dma_wait3A_217] : memref<10240x128xf32, #tpu.memory_space<vmem_shared>> -> memref<640x128xf32, #tpu.memory_space<vmem_shared>>
      tpu.wait_dma2 semaphore(%run_scoped3A : memref<!tpu.dma_semaphore, #tpu.memory_space<semaphore_mem>>) src(%dma_wait3A_218 : memref<640x128xf32, #tpu.memory_space<vmem_shared>>) dst(%dma_wait3A_216 : memref<640x128xf32, #tpu.memory_space<hbm>>)
      tpu.yield
    }) : () -> ()
    return
  }
}

#map = affine_map<(d0, d1) -> (0)>
#map1 = affine_map<(d0, d1) -> (0, 0)>
module attributes {stable_mosaic.version = 14 : i64} {
  func.func @_deg_kernel(%arg0: i32, %arg1: i32, %arg2: memref<320256xi32, #tpu.memory_space<hbm>>, %arg3: memref<2x10240xf32, #tpu.memory_space<hbm>>, %arg4: memref<10240xf32, #tpu.memory_space<vmem_shared>>, %arg5: memref<10008xi32, #tpu.memory_space<vmem>>, %arg6: memref<80xf32, #tpu.memory_space<vmem>>, %arg7: memref<128xf32, #tpu.memory_space<vmem>>, %arg8: memref<!tpu.dma_semaphore, #tpu.memory_space<semaphore_mem>>) attributes {dimension_semantics = [#tpu.dimension_semantics<core_parallel>, #tpu.dimension_semantics<subcore_parallel>], iteration_bounds = array<i64: 2, 16>, scalar_prefetch = 0 : i64, scratch_operands = 5 : i64, tpu.core_type = #tpu.core_type<sc_vector_subcore>, window_params = [{transform_indices = #map}, {transform_indices = #map1}]} {
    %mul3A = arith.constant 2 : i32
    %mul3A_0 = arith.muli %arg1, %mul3A : i32
    %add3A = arith.addi %mul3A_0, %arg0 : i32
    %mul3A_1 = arith.constant 10008 : i32
    %mul3A_2 = arith.muli %add3A, %mul3A_1 : i32
    "tpu.region"() ({
      %run_scoped3A = tpu.sem_alloc : memref<!tpu.dma_semaphore, #tpu.memory_space<semaphore_mem>>
      %dma_start3A = tpu.memref_slice %arg2[%mul3A_2] : memref<320256xi32, #tpu.memory_space<hbm>> -> memref<10008xi32, #tpu.memory_space<hbm>>
      %dma_start3A_113 = tpu.memref_slice %arg2[%mul3A_2] : memref<320256xi32, #tpu.memory_space<hbm>> -> memref<10008xi32, #tpu.memory_space<hbm>>
      tpu.enqueue_dma source(%dma_start3A_113 : memref<10008xi32, #tpu.memory_space<hbm>>) target(%arg5 : memref<10008xi32, #tpu.memory_space<vmem>>) target_semaphore(%run_scoped3A : memref<!tpu.dma_semaphore, #tpu.memory_space<semaphore_mem>>)
      %dma_wait3A = tpu.memref_slice %arg2[%mul3A_2] : memref<320256xi32, #tpu.memory_space<hbm>> -> memref<10008xi32, #tpu.memory_space<hbm>>
      %dma_wait3A_114 = tpu.memref_slice %arg2[%mul3A_2] : memref<320256xi32, #tpu.memory_space<hbm>> -> memref<10008xi32, #tpu.memory_space<hbm>>
      tpu.wait_dma2 semaphore(%run_scoped3A : memref<!tpu.dma_semaphore, #tpu.memory_space<semaphore_mem>>) src(%dma_wait3A_114 : memref<10008xi32, #tpu.memory_space<hbm>>) dst(%arg5 : memref<10008xi32, #tpu.memory_space<vmem>>)
      tpu.yield
    }) : () -> ()
    %broadcast_in_dim3A = arith.constant 0.000000e+00 : f32
    %broadcast_in_dim3A_3 = vector.broadcast %broadcast_in_dim3A : f32 to vector<16xf32>
    %swap3A = arith.constant 0 : index
    %swap3A_4 = tpu.vector_load %arg7[%swap3A] {strides = array<i32>} : memref<128xf32, #tpu.memory_space<vmem>>, vector<16xf32>,
    %swap3A_5 = vector.shape_cast %swap3A_4 : vector<16xf32> to vector<16xf32>
    %swap3A_6 = vector.shape_cast %broadcast_in_dim3A_3 : vector<16xf32> to vector<16xf32>
    tpu.vector_store %arg7[%swap3A], %swap3A_6 {strides = array<i32>} : memref<128xf32, #tpu.memory_space<vmem>>, vector<16xf32>,
    %broadcast_in_dim3A_7 = arith.constant 0.000000e+00 : f32
    %broadcast_in_dim3A_8 = vector.broadcast %broadcast_in_dim3A_7 : f32 to vector<16xf32>
    %swap3A_9 = arith.constant 16 : index
    %swap3A_10 = tpu.vector_load %arg7[%swap3A_9] {strides = array<i32>} : memref<128xf32, #tpu.memory_space<vmem>>, vector<16xf32>,
    %swap3A_11 = vector.shape_cast %swap3A_10 : vector<16xf32> to vector<16xf32>
    %swap3A_12 = vector.shape_cast %broadcast_in_dim3A_8 : vector<16xf32> to vector<16xf32>
    tpu.vector_store %arg7[%swap3A_9], %swap3A_12 {strides = array<i32>} : memref<128xf32, #tpu.memory_space<vmem>>, vector<16xf32>,
    %broadcast_in_dim3A_13 = arith.constant 0.000000e+00 : f32
    %broadcast_in_dim3A_14 = vector.broadcast %broadcast_in_dim3A_13 : f32 to vector<16xf32>
    %swap3A_15 = arith.constant 32 : index
    %swap3A_16 = tpu.vector_load %arg7[%swap3A_15] {strides = array<i32>} : memref<128xf32, #tpu.memory_space<vmem>>, vector<16xf32>,
    %swap3A_17 = vector.shape_cast %swap3A_16 : vector<16xf32> to vector<16xf32>
    %swap3A_18 = vector.shape_cast %broadcast_in_dim3A_14 : vector<16xf32> to vector<16xf32>
    tpu.vector_store %arg7[%swap3A_15], %swap3A_18 {strides = array<i32>} : memref<128xf32, #tpu.memory_space<vmem>>, vector<16xf32>,
    %broadcast_in_dim3A_19 = arith.constant 0.000000e+00 : f32
    %broadcast_in_dim3A_20 = vector.broadcast %broadcast_in_dim3A_19 : f32 to vector<16xf32>
    %swap3A_21 = arith.constant 48 : index
    %swap3A_22 = tpu.vector_load %arg7[%swap3A_21] {strides = array<i32>} : memref<128xf32, #tpu.memory_space<vmem>>, vector<16xf32>,
    %swap3A_23 = vector.shape_cast %swap3A_22 : vector<16xf32> to vector<16xf32>
    %swap3A_24 = vector.shape_cast %broadcast_in_dim3A_20 : vector<16xf32> to vector<16xf32>
    tpu.vector_store %arg7[%swap3A_21], %swap3A_24 {strides = array<i32>} : memref<128xf32, #tpu.memory_space<vmem>>, vector<16xf32>,
    %broadcast_in_dim3A_25 = arith.constant 0.000000e+00 : f32
    %broadcast_in_dim3A_26 = vector.broadcast %broadcast_in_dim3A_25 : f32 to vector<16xf32>
    %swap3A_27 = arith.constant 64 : index
    %swap3A_28 = tpu.vector_load %arg7[%swap3A_27] {strides = array<i32>} : memref<128xf32, #tpu.memory_space<vmem>>, vector<16xf32>,
    %swap3A_29 = vector.shape_cast %swap3A_28 : vector<16xf32> to vector<16xf32>
    %swap3A_30 = vector.shape_cast %broadcast_in_dim3A_26 : vector<16xf32> to vector<16xf32>
    tpu.vector_store %arg7[%swap3A_27], %swap3A_30 {strides = array<i32>} : memref<128xf32, #tpu.memory_space<vmem>>, vector<16xf32>,
    %broadcast_in_dim3A_31 = arith.constant 0.000000e+00 : f32
    %broadcast_in_dim3A_32 = vector.broadcast %broadcast_in_dim3A_31 : f32 to vector<16xf32>
    %swap3A_33 = arith.constant 80 : index
    %swap3A_34 = tpu.vector_load %arg7[%swap3A_33] {strides = array<i32>} : memref<128xf32, #tpu.memory_space<vmem>>, vector<16xf32>,
    %swap3A_35 = vector.shape_cast %swap3A_34 : vector<16xf32> to vector<16xf32>
    %swap3A_36 = vector.shape_cast %broadcast_in_dim3A_32 : vector<16xf32> to vector<16xf32>
    tpu.vector_store %arg7[%swap3A_33], %swap3A_36 {strides = array<i32>} : memref<128xf32, #tpu.memory_space<vmem>>, vector<16xf32>,
    %broadcast_in_dim3A_37 = arith.constant 0.000000e+00 : f32
    %broadcast_in_dim3A_38 = vector.broadcast %broadcast_in_dim3A_37 : f32 to vector<16xf32>
    %swap3A_39 = arith.constant 96 : index
    %swap3A_40 = tpu.vector_load %arg7[%swap3A_39] {strides = array<i32>} : memref<128xf32, #tpu.memory_space<vmem>>, vector<16xf32>,
    %swap3A_41 = vector.shape_cast %swap3A_40 : vector<16xf32> to vector<16xf32>
    %swap3A_42 = vector.shape_cast %broadcast_in_dim3A_38 : vector<16xf32> to vector<16xf32>
    tpu.vector_store %arg7[%swap3A_39], %swap3A_42 {strides = array<i32>} : memref<128xf32, #tpu.memory_space<vmem>>, vector<16xf32>,
    %broadcast_in_dim3A_43 = arith.constant 0.000000e+00 : f32
    %broadcast_in_dim3A_44 = vector.broadcast %broadcast_in_dim3A_43 : f32 to vector<16xf32>
    %swap3A_45 = arith.constant 112 : index
    %swap3A_46 = tpu.vector_load %arg7[%swap3A_45] {strides = array<i32>} : memref<128xf32, #tpu.memory_space<vmem>>, vector<16xf32>,
    %swap3A_47 = vector.shape_cast %swap3A_46 : vector<16xf32> to vector<16xf32>
    %swap3A_48 = vector.shape_cast %broadcast_in_dim3A_44 : vector<16xf32> to vector<16xf32>
    tpu.vector_store %arg7[%swap3A_45], %swap3A_48 {strides = array<i32>} : memref<128xf32, #tpu.memory_space<vmem>>, vector<16xf32>,
    %broadcast_in_dim3A_49 = arith.constant 1.000000e+00 : f32
    %broadcast_in_dim3A_50 = vector.broadcast %broadcast_in_dim3A_49 : f32 to vector<16xf32>
    %swap3A_51 = arith.constant 0 : index
    %swap3A_52 = tpu.vector_load %arg6[%swap3A_51] {strides = array<i32>} : memref<80xf32, #tpu.memory_space<vmem>>, vector<16xf32>,
    %swap3A_53 = vector.shape_cast %swap3A_52 : vector<16xf32> to vector<16xf32>
    %swap3A_54 = vector.shape_cast %broadcast_in_dim3A_50 : vector<16xf32> to vector<16xf32>
    tpu.vector_store %arg6[%swap3A_51], %swap3A_54 {strides = array<i32>} : memref<80xf32, #tpu.memory_space<vmem>>, vector<16xf32>,
    %broadcast_in_dim3A_55 = arith.constant 1.000000e+00 : f32
    %broadcast_in_dim3A_56 = vector.broadcast %broadcast_in_dim3A_55 : f32 to vector<16xf32>
    %swap3A_57 = arith.constant 16 : index
    %swap3A_58 = tpu.vector_load %arg6[%swap3A_57] {strides = array<i32>} : memref<80xf32, #tpu.memory_space<vmem>>, vector<16xf32>,
    %swap3A_59 = vector.shape_cast %swap3A_58 : vector<16xf32> to vector<16xf32>
    %swap3A_60 = vector.shape_cast %broadcast_in_dim3A_56 : vector<16xf32> to vector<16xf32>
    tpu.vector_store %arg6[%swap3A_57], %swap3A_60 {strides = array<i32>} : memref<80xf32, #tpu.memory_space<vmem>>, vector<16xf32>,
    %broadcast_in_dim3A_61 = arith.constant 1.000000e+00 : f32
    %broadcast_in_dim3A_62 = vector.broadcast %broadcast_in_dim3A_61 : f32 to vector<16xf32>
    %swap3A_63 = arith.constant 32 : index
    %swap3A_64 = tpu.vector_load %arg6[%swap3A_63] {strides = array<i32>} : memref<80xf32, #tpu.memory_space<vmem>>, vector<16xf32>,
    %swap3A_65 = vector.shape_cast %swap3A_64 : vector<16xf32> to vector<16xf32>
    %swap3A_66 = vector.shape_cast %broadcast_in_dim3A_62 : vector<16xf32> to vector<16xf32>
    tpu.vector_store %arg6[%swap3A_63], %swap3A_66 {strides = array<i32>} : memref<80xf32, #tpu.memory_space<vmem>>, vector<16xf32>,
    %broadcast_in_dim3A_67 = arith.constant 1.000000e+00 : f32
    %broadcast_in_dim3A_68 = vector.broadcast %broadcast_in_dim3A_67 : f32 to vector<16xf32>
    %swap3A_69 = arith.constant 48 : index
    %swap3A_70 = tpu.vector_load %arg6[%swap3A_69] {strides = array<i32>} : memref<80xf32, #tpu.memory_space<vmem>>, vector<16xf32>,
    %swap3A_71 = vector.shape_cast %swap3A_70 : vector<16xf32> to vector<16xf32>
    %swap3A_72 = vector.shape_cast %broadcast_in_dim3A_68 : vector<16xf32> to vector<16xf32>
    tpu.vector_store %arg6[%swap3A_69], %swap3A_72 {strides = array<i32>} : memref<80xf32, #tpu.memory_space<vmem>>, vector<16xf32>,
    %broadcast_in_dim3A_73 = arith.constant 1.000000e+00 : f32
    %broadcast_in_dim3A_74 = vector.broadcast %broadcast_in_dim3A_73 : f32 to vector<16xf32>
    %swap3A_75 = arith.constant 64 : index
    %swap3A_76 = tpu.vector_load %arg6[%swap3A_75] {strides = array<i32>} : memref<80xf32, #tpu.memory_space<vmem>>, vector<16xf32>,
    %swap3A_77 = vector.shape_cast %swap3A_76 : vector<16xf32> to vector<16xf32>
    %swap3A_78 = vector.shape_cast %broadcast_in_dim3A_74 : vector<16xf32> to vector<16xf32>
    tpu.vector_store %arg6[%swap3A_75], %swap3A_78 {strides = array<i32>} : memref<80xf32, #tpu.memory_space<vmem>>, vector<16xf32>,
    %mul3A_79 = arith.constant 640 : i32
    %mul3A_80 = arith.muli %arg1, %mul3A_79 : i32
    %add3A_81 = arith.constant 0 : i32
    %add3A_82 = arith.addi %mul3A_80, %add3A_81 : i32
    "tpu.region"() ({
      %run_scoped3A = tpu.sem_alloc : memref<!tpu.dma_semaphore, #tpu.memory_space<semaphore_mem>>
      %dma_start3A = tpu.memref_slice %arg4[%add3A_82] : memref<10240xf32, #tpu.memory_space<vmem_shared>> -> memref<128xf32, #tpu.memory_space<vmem_shared>>
      %dma_start3A_113 = tpu.memref_slice %arg4[%add3A_82] : memref<10240xf32, #tpu.memory_space<vmem_shared>> -> memref<128xf32, #tpu.memory_space<vmem_shared>>
      tpu.enqueue_dma source(%arg7 : memref<128xf32, #tpu.memory_space<vmem>>) target(%dma_start3A_113 : memref<128xf32, #tpu.memory_space<vmem_shared>>) target_semaphore(%run_scoped3A : memref<!tpu.dma_semaphore, #tpu.memory_space<semaphore_mem>>)
      %dma_wait3A = tpu.memref_slice %arg4[%add3A_82] : memref<10240xf32, #tpu.memory_space<vmem_shared>> -> memref<128xf32, #tpu.memory_space<vmem_shared>>
      %dma_wait3A_114 = tpu.memref_slice %arg4[%add3A_82] : memref<10240xf32, #tpu.memory_space<vmem_shared>> -> memref<128xf32, #tpu.memory_space<vmem_shared>>
      tpu.wait_dma2 semaphore(%run_scoped3A : memref<!tpu.dma_semaphore, #tpu.memory_space<semaphore_mem>>) src(%arg7 : memref<128xf32, #tpu.memory_space<vmem>>) dst(%dma_wait3A_114 : memref<128xf32, #tpu.memory_space<vmem_shared>>)
      tpu.yield
    }) : () -> ()
    %mul3A_83 = arith.constant 640 : i32
    %mul3A_84 = arith.muli %arg1, %mul3A_83 : i32
    %add3A_85 = arith.constant 128 : i32
    %add3A_86 = arith.addi %mul3A_84, %add3A_85 : i32
    "tpu.region"() ({
      %run_scoped3A = tpu.sem_alloc : memref<!tpu.dma_semaphore, #tpu.memory_space<semaphore_mem>>
      %dma_start3A = tpu.memref_slice %arg4[%add3A_86] : memref<10240xf32, #tpu.memory_space<vmem_shared>> -> memref<128xf32, #tpu.memory_space<vmem_shared>>
      %dma_start3A_113 = tpu.memref_slice %arg4[%add3A_86] : memref<10240xf32, #tpu.memory_space<vmem_shared>> -> memref<128xf32, #tpu.memory_space<vmem_shared>>
      tpu.enqueue_dma source(%arg7 : memref<128xf32, #tpu.memory_space<vmem>>) target(%dma_start3A_113 : memref<128xf32, #tpu.memory_space<vmem_shared>>) target_semaphore(%run_scoped3A : memref<!tpu.dma_semaphore, #tpu.memory_space<semaphore_mem>>)
      %dma_wait3A = tpu.memref_slice %arg4[%add3A_86] : memref<10240xf32, #tpu.memory_space<vmem_shared>> -> memref<128xf32, #tpu.memory_space<vmem_shared>>
      %dma_wait3A_114 = tpu.memref_slice %arg4[%add3A_86] : memref<10240xf32, #tpu.memory_space<vmem_shared>> -> memref<128xf32, #tpu.memory_space<vmem_shared>>
      tpu.wait_dma2 semaphore(%run_scoped3A : memref<!tpu.dma_semaphore, #tpu.memory_space<semaphore_mem>>) src(%arg7 : memref<128xf32, #tpu.memory_space<vmem>>) dst(%dma_wait3A_114 : memref<128xf32, #tpu.memory_space<vmem_shared>>)
      tpu.yield
    }) : () -> ()
    %mul3A_87 = arith.constant 640 : i32
    %mul3A_88 = arith.muli %arg1, %mul3A_87 : i32
    %add3A_89 = arith.constant 256 : i32
    %add3A_90 = arith.addi %mul3A_88, %add3A_89 : i32
    "tpu.region"() ({
      %run_scoped3A = tpu.sem_alloc : memref<!tpu.dma_semaphore, #tpu.memory_space<semaphore_mem>>
      %dma_start3A = tpu.memref_slice %arg4[%add3A_90] : memref<10240xf32, #tpu.memory_space<vmem_shared>> -> memref<128xf32, #tpu.memory_space<vmem_shared>>
      %dma_start3A_113 = tpu.memref_slice %arg4[%add3A_90] : memref<10240xf32, #tpu.memory_space<vmem_shared>> -> memref<128xf32, #tpu.memory_space<vmem_shared>>
      tpu.enqueue_dma source(%arg7 : memref<128xf32, #tpu.memory_space<vmem>>) target(%dma_start3A_113 : memref<128xf32, #tpu.memory_space<vmem_shared>>) target_semaphore(%run_scoped3A : memref<!tpu.dma_semaphore, #tpu.memory_space<semaphore_mem>>)
      %dma_wait3A = tpu.memref_slice %arg4[%add3A_90] : memref<10240xf32, #tpu.memory_space<vmem_shared>> -> memref<128xf32, #tpu.memory_space<vmem_shared>>
      %dma_wait3A_114 = tpu.memref_slice %arg4[%add3A_90] : memref<10240xf32, #tpu.memory_space<vmem_shared>> -> memref<128xf32, #tpu.memory_space<vmem_shared>>
      tpu.wait_dma2 semaphore(%run_scoped3A : memref<!tpu.dma_semaphore, #tpu.memory_space<semaphore_mem>>) src(%arg7 : memref<128xf32, #tpu.memory_space<vmem>>) dst(%dma_wait3A_114 : memref<128xf32, #tpu.memory_space<vmem_shared>>)
      tpu.yield
    }) : () -> ()
    %mul3A_91 = arith.constant 640 : i32
    %mul3A_92 = arith.muli %arg1, %mul3A_91 : i32
    %add3A_93 = arith.constant 384 : i32
    %add3A_94 = arith.addi %mul3A_92, %add3A_93 : i32
    "tpu.region"() ({
      %run_scoped3A = tpu.sem_alloc : memref<!tpu.dma_semaphore, #tpu.memory_space<semaphore_mem>>
      %dma_start3A = tpu.memref_slice %arg4[%add3A_94] : memref<10240xf32, #tpu.memory_space<vmem_shared>> -> memref<128xf32, #tpu.memory_space<vmem_shared>>
      %dma_start3A_113 = tpu.memref_slice %arg4[%add3A_94] : memref<10240xf32, #tpu.memory_space<vmem_shared>> -> memref<128xf32, #tpu.memory_space<vmem_shared>>
      tpu.enqueue_dma source(%arg7 : memref<128xf32, #tpu.memory_space<vmem>>) target(%dma_start3A_113 : memref<128xf32, #tpu.memory_space<vmem_shared>>) target_semaphore(%run_scoped3A : memref<!tpu.dma_semaphore, #tpu.memory_space<semaphore_mem>>)
      %dma_wait3A = tpu.memref_slice %arg4[%add3A_94] : memref<10240xf32, #tpu.memory_space<vmem_shared>> -> memref<128xf32, #tpu.memory_space<vmem_shared>>
      %dma_wait3A_114 = tpu.memref_slice %arg4[%add3A_94] : memref<10240xf32, #tpu.memory_space<vmem_shared>> -> memref<128xf32, #tpu.memory_space<vmem_shared>>
      tpu.wait_dma2 semaphore(%run_scoped3A : memref<!tpu.dma_semaphore, #tpu.memory_space<semaphore_mem>>) src(%arg7 : memref<128xf32, #tpu.memory_space<vmem>>) dst(%dma_wait3A_114 : memref<128xf32, #tpu.memory_space<vmem_shared>>)
      tpu.yield
    }) : () -> ()
    %mul3A_95 = arith.constant 640 : i32
    %mul3A_96 = arith.muli %arg1, %mul3A_95 : i32
    %add3A_97 = arith.constant 512 : i32
    %add3A_98 = arith.addi %mul3A_96, %add3A_97 : i32
    "tpu.region"() ({
      %run_scoped3A = tpu.sem_alloc : memref<!tpu.dma_semaphore, #tpu.memory_space<semaphore_mem>>
      %dma_start3A = tpu.memref_slice %arg4[%add3A_98] : memref<10240xf32, #tpu.memory_space<vmem_shared>> -> memref<128xf32, #tpu.memory_space<vmem_shared>>
      %dma_start3A_113 = tpu.memref_slice %arg4[%add3A_98] : memref<10240xf32, #tpu.memory_space<vmem_shared>> -> memref<128xf32, #tpu.memory_space<vmem_shared>>
      tpu.enqueue_dma source(%arg7 : memref<128xf32, #tpu.memory_space<vmem>>) target(%dma_start3A_113 : memref<128xf32, #tpu.memory_space<vmem_shared>>) target_semaphore(%run_scoped3A : memref<!tpu.dma_semaphore, #tpu.memory_space<semaphore_mem>>)
      %dma_wait3A = tpu.memref_slice %arg4[%add3A_98] : memref<10240xf32, #tpu.memory_space<vmem_shared>> -> memref<128xf32, #tpu.memory_space<vmem_shared>>
      %dma_wait3A_114 = tpu.memref_slice %arg4[%add3A_98] : memref<10240xf32, #tpu.memory_space<vmem_shared>> -> memref<128xf32, #tpu.memory_space<vmem_shared>>
      tpu.wait_dma2 semaphore(%run_scoped3A : memref<!tpu.dma_semaphore, #tpu.memory_space<semaphore_mem>>) src(%arg7 : memref<128xf32, #tpu.memory_space<vmem>>) dst(%dma_wait3A_114 : memref<128xf32, #tpu.memory_space<vmem_shared>>)
      tpu.yield
    }) : () -> ()
    %barrier3A = arith.constant 0 : index
    tpu.barrier barrier_id(%barrier3A)
    %scan3A = arith.constant 0 : i32
    %scan3A_99 = arith.constant 139 : i32
    %scan3A_100 = arith.addi %scan3A, %scan3A_99 : i32
    %scan3A_101 = arith.constant 1 : i32
    scf.for %scan3A_113 = %scan3A to %scan3A_100 step %scan3A_101  : i32 {
      %mul3A_114 = arith.constant 1 : i32
      %mul3A_115 = arith.muli %scan3A_113, %mul3A_114 : i32
      %add3A_116 = arith.constant 0 : i32
      %add3A_117 = arith.addi %add3A_116, %mul3A_115 : i32
      %mul3A_118 = arith.constant 72 : i32
      %mul3A_119 = arith.muli %add3A_117, %mul3A_118 : i32
      %dma_start3A = arith.constant 0 : i32
      %dma_start3A_120 = tpu.memref_slice %arg6[%dma_start3A] : memref<80xf32, #tpu.memory_space<vmem>> -> memref<72xf32, #tpu.memory_space<vmem>>
      %dma_start3A_121 = tpu.memref_slice %arg5[%mul3A_119] : memref<10008xi32, #tpu.memory_space<vmem>> -> memref<72xi32, #tpu.memory_space<vmem>>
      %dma_start3A_122 = arith.constant 0 : i32
      %dma_start3A_123 = tpu.memref_slice %arg4[%dma_start3A_122] : memref<10240xf32, #tpu.memory_space<vmem_shared>> -> memref<10240xf32, #tpu.memory_space<vmem_shared>>
      tpu.enqueue_indirect_dma source(%dma_start3A_120 : memref<72xf32, #tpu.memory_space<vmem>>) target(%dma_start3A_123 : memref<10240xf32, #tpu.memory_space<vmem_shared>>) offsets(%dma_start3A_121 : memref<72xi32, #tpu.memory_space<vmem>>) semaphore(%arg8 : memref<!tpu.dma_semaphore, #tpu.memory_space<semaphore_mem>>) {add = true}
      %ge3A = arith.constant 4 : i32
      %ge3A_124 = arith.cmpi sge, %add3A_117, %ge3A : i32
      %convert_element_type3A = arith.extui %ge3A_124 : i1 to i32
      %cond3A = arith.constant 0 : i32
      %cond3A_125 = arith.cmpi ne, %convert_element_type3A, %cond3A : i32
      scf.if %cond3A_125 {
        %dma_wait3A = arith.constant 0 : i32
        %dma_wait3A_126 = tpu.memref_slice %arg6[%dma_wait3A] : memref<80xf32, #tpu.memory_space<vmem>> -> memref<72xf32, #tpu.memory_space<vmem>>
        %dma_wait3A_127 = arith.constant 0 : i32
        %dma_wait3A_128 = tpu.memref_slice %arg5[%dma_wait3A_127] : memref<10008xi32, #tpu.memory_space<vmem>> -> memref<72xi32, #tpu.memory_space<vmem>>
        %dma_wait3A_129 = arith.constant 0 : i32
        %dma_wait3A_130 = tpu.memref_slice %arg4[%dma_wait3A_129] : memref<10240xf32, #tpu.memory_space<vmem_shared>> -> memref<10240xf32, #tpu.memory_space<vmem_shared>>
        tpu.wait_indirect_dma semaphore(%arg8 : memref<!tpu.dma_semaphore, #tpu.memory_space<semaphore_mem>>) src(%dma_wait3A_126 : memref<72xf32, #tpu.memory_space<vmem>>) dst(%dma_wait3A_130 : memref<10240xf32, #tpu.memory_space<vmem_shared>>)
      } else {
      }
    }
    %scan3A_102 = arith.constant 139 : i32
    %scan3A_103 = arith.constant 0 : i32
    %scan3A_104 = arith.constant 4 : i32
    %scan3A_105 = arith.addi %scan3A_103, %scan3A_104 : i32
    %scan3A_106 = arith.constant 1 : i32
    scf.for %scan3A_113 = %scan3A_103 to %scan3A_105 step %scan3A_106  : i32 {
      %mul3A_114 = arith.constant 1 : i32
      %mul3A_115 = arith.muli %scan3A_113, %mul3A_114 : i32
      %add3A_116 = arith.constant 0 : i32
      %add3A_117 = arith.addi %add3A_116, %mul3A_115 : i32
      %dma_wait3A = arith.constant 0 : i32
      %dma_wait3A_118 = tpu.memref_slice %arg6[%dma_wait3A] : memref<80xf32, #tpu.memory_space<vmem>> -> memref<72xf32, #tpu.memory_space<vmem>>
      %dma_wait3A_119 = arith.constant 0 : i32
      %dma_wait3A_120 = tpu.memref_slice %arg5[%dma_wait3A_119] : memref<10008xi32, #tpu.memory_space<vmem>> -> memref<72xi32, #tpu.memory_space<vmem>>
      %dma_wait3A_121 = arith.constant 0 : i32
      %dma_wait3A_122 = tpu.memref_slice %arg4[%dma_wait3A_121] : memref<10240xf32, #tpu.memory_space<vmem_shared>> -> memref<10240xf32, #tpu.memory_space<vmem_shared>>
      tpu.wait_indirect_dma semaphore(%arg8 : memref<!tpu.dma_semaphore, #tpu.memory_space<semaphore_mem>>) src(%dma_wait3A_118 : memref<72xf32, #tpu.memory_space<vmem>>) dst(%dma_wait3A_122 : memref<10240xf32, #tpu.memory_space<vmem_shared>>)
    }
    %scan3A_107 = arith.constant 4 : i32
    %barrier3A_108 = arith.constant 0 : index
    tpu.barrier barrier_id(%barrier3A_108)
    %mul3A_109 = arith.constant 640 : i32
    %mul3A_110 = arith.muli %arg1, %mul3A_109 : i32
    %mul3A_111 = arith.constant 640 : i32
    %mul3A_112 = arith.muli %arg1, %mul3A_111 : i32
    "tpu.region"() ({
      %run_scoped3A = tpu.sem_alloc : memref<!tpu.dma_semaphore, #tpu.memory_space<semaphore_mem>>
      %dma_start3A = tpu.memref_slice %arg3[%arg0, %mul3A_112] : memref<2x10240xf32, #tpu.memory_space<hbm>> -> memref<1x640xf32, #tpu.memory_space<hbm>>
      %dma_start3A_113 = tpu.memref_squeeze %dma_start3A : memref<1x640xf32, #tpu.memory_space<hbm>> -> memref<640xf32, #tpu.memory_space<hbm>>
      %dma_start3A_114 = tpu.memref_slice %arg4[%mul3A_110] : memref<10240xf32, #tpu.memory_space<vmem_shared>> -> memref<640xf32, #tpu.memory_space<vmem_shared>>
      tpu.enqueue_dma source(%dma_start3A_114 : memref<640xf32, #tpu.memory_space<vmem_shared>>) target(%dma_start3A_113 : memref<640xf32, #tpu.memory_space<hbm>>) target_semaphore(%run_scoped3A : memref<!tpu.dma_semaphore, #tpu.memory_space<semaphore_mem>>)
      %dma_wait3A = tpu.memref_slice %arg3[%arg0, %mul3A_112] : memref<2x10240xf32, #tpu.memory_space<hbm>> -> memref<1x640xf32, #tpu.memory_space<hbm>>
      %dma_wait3A_115 = tpu.memref_squeeze %dma_wait3A : memref<1x640xf32, #tpu.memory_space<hbm>> -> memref<640xf32, #tpu.memory_space<hbm>>
      %dma_wait3A_116 = tpu.memref_slice %arg4[%mul3A_110] : memref<10240xf32, #tpu.memory_space<vmem_shared>> -> memref<640xf32, #tpu.memory_space<vmem_shared>>
      tpu.wait_dma2 semaphore(%run_scoped3A : memref<!tpu.dma_semaphore, #tpu.memory_space<semaphore_mem>>) src(%dma_wait3A_116 : memref<640xf32, #tpu.memory_space<vmem_shared>>) dst(%dma_wait3A_115 : memref<640xf32, #tpu.memory_space<hbm>>)
      tpu.yield
    }) : () -> ()
    return
  }
}

#map = affine_map<(d0, d1) -> (0, 0)>
#map1 = affine_map<(d0, d1) -> (0)>
#map2 = affine_map<(d0, d1) -> (0, 0, 0)>
module attributes {stable_mosaic.version = 14 : i64} {
  func.func @_prop_kernel(%arg0: i32, %arg1: i32, %arg2: memref<10000x128xf32, #tpu.memory_space<hbm>>, %arg3: memref<320256xi32, #tpu.memory_space<hbm>>, %arg4: memref<320256xi32, #tpu.memory_space<hbm>>, %arg5: memref<2x10240x128xf32, #tpu.memory_space<hbm>>, %arg6: memref<10240x128xf32, #tpu.memory_space<vmem_shared>>, %arg7: memref<10008xi32, #tpu.memory_space<vmem>>, %arg8: memref<10008xi32, #tpu.memory_space<vmem>>, %arg9: memref<72x128xf32, #tpu.memory_space<vmem>>, %arg10: memref<72x128xf32, #tpu.memory_space<vmem>>, %arg11: memref<72x128xf32, #tpu.memory_space<vmem>>, %arg12: memref<!tpu.dma_semaphore, #tpu.memory_space<semaphore_mem>>, %arg13: memref<!tpu.dma_semaphore, #tpu.memory_space<semaphore_mem>>, %arg14: memref<!tpu.dma_semaphore, #tpu.memory_space<semaphore_mem>>, %arg15: memref<!tpu.dma_semaphore, #tpu.memory_space<semaphore_mem>>, %arg16: memref<!tpu.dma_semaphore, #tpu.memory_space<semaphore_mem>>, %arg17: memref<!tpu.dma_semaphore, #tpu.memory_space<semaphore_mem>>) attributes {dimension_semantics = [#tpu.dimension_semantics<core_parallel>, #tpu.dimension_semantics<subcore_parallel>], iteration_bounds = array<i64: 2, 16>, scalar_prefetch = 0 : i64, scratch_operands = 12 : i64, tpu.core_type = #tpu.core_type<sc_vector_subcore>, window_params = [{transform_indices = #map}, {transform_indices = #map1}, {transform_indices = #map1}, {transform_indices = #map2}]} {
    %mul3A = arith.constant 2 : i32
    %mul3A_0 = arith.muli %arg1, %mul3A : i32
    %add3A = arith.addi %mul3A_0, %arg0 : i32
    %scan3A = arith.constant 0 : i32
    %scan3A_1 = arith.constant 0 : i32
    %scan3A_2 = arith.constant 576 : i32
    %scan3A_3 = arith.addi %scan3A_1, %scan3A_2 : i32
    %scan3A_4 = arith.constant 1 : i32
    scf.for %scan3A_209 = %scan3A_1 to %scan3A_3 step %scan3A_4  : i32 {
      %broadcast_in_dim3A = arith.constant 0.000000e+00 : f32
      %broadcast_in_dim3A_210 = vector.broadcast %broadcast_in_dim3A : f32 to vector<16xf32>
      %jit3A = arith.constant 8 : i32
      %div3A = arith.divsi %scan3A_209, %jit3A : i32
      %sign3A = arith.constant 0 : i32
      %sign3A_211 = arith.cmpi sgt, %scan3A_209, %sign3A : i32
      %sign3A_212 = arith.extui %sign3A_211 : i1 to i32
      %sign3A_213 = arith.constant 0 : i32
      %sign3A_214 = arith.cmpi slt, %scan3A_209, %sign3A_213 : i32
      %sign3A_215 = arith.extui %sign3A_214 : i1 to i32
      %sign3A_216 = arith.subi %sign3A_212, %sign3A_215 : i32
      %sign3A_217 = arith.constant 0 : i32
      %sign3A_218 = arith.cmpi sgt, %jit3A, %sign3A_217 : i32
      %sign3A_219 = arith.extui %sign3A_218 : i1 to i32
      %sign3A_220 = arith.constant 0 : i32
      %sign3A_221 = arith.cmpi slt, %jit3A, %sign3A_220 : i32
      %sign3A_222 = arith.extui %sign3A_221 : i1 to i32
      %sign3A_223 = arith.subi %sign3A_219, %sign3A_222 : i32
      %ne3A = arith.cmpi ne, %sign3A_216, %sign3A_223 : i32
      %rem3A = arith.remsi %scan3A_209, %jit3A : i32
      %ne3A_224 = arith.constant 0 : i32
      %ne3A_225 = arith.cmpi ne, %rem3A, %ne3A_224 : i32
      %and3A = arith.andi %ne3A, %ne3A_225 : i1
      %sub3A = arith.constant 1 : i32
      %sub3A_226 = arith.subi %div3A, %sub3A : i32
      %select_n3A = arith.select %and3A, %sub3A_226, %div3A : i32
      %jit3A_227 = arith.constant 8 : i32
      %eq3A = arith.constant 0 : i32
      %eq3A_228 = arith.cmpi eq, %jit3A_227, %eq3A : i32
      %jit3A_229 = arith.constant 1 : i32
      %select_n3A_230 = arith.select %eq3A_228, %jit3A_229, %jit3A_227 : i32
      %rem3A_231 = arith.remsi %scan3A_209, %select_n3A_230 : i32
      %ne3A_232 = arith.constant 0 : i32
      %ne3A_233 = arith.cmpi ne, %rem3A_231, %ne3A_232 : i32
      %lt3A = arith.constant 0 : i32
      %lt3A_234 = arith.cmpi slt, %rem3A_231, %lt3A : i32
      %lt3A_235 = arith.constant 0 : i32
      %lt3A_236 = arith.cmpi slt, %select_n3A_230, %lt3A_235 : i32
      %ne3A_237 = arith.xori %lt3A_234, %lt3A_236 : i1
      %and3A_238 = arith.andi %ne3A_237, %ne3A_233 : i1
      %add3A_239 = arith.addi %rem3A_231, %select_n3A_230 : i32
      %select_n3A_240 = arith.select %and3A_238, %add3A_239, %rem3A_231 : i32
      %mul3A_241 = arith.constant 16 : i32
      %mul3A_242 = arith.muli %select_n3A_240, %mul3A_241 : i32
      %swap3A = arith.index_cast %select_n3A : i32 to index
      %swap3A_243 = arith.index_cast %mul3A_242 : i32 to index
      %swap3A_244 = tpu.vector_load %arg11[%swap3A, %swap3A_243] {strides = array<i32>} : memref<72x128xf32, #tpu.memory_space<vmem>>, vector<1x16xf32>,
      %swap3A_245 = vector.shape_cast %swap3A_244 : vector<1x16xf32> to vector<16xf32>
      %swap3A_246 = vector.shape_cast %broadcast_in_dim3A_210 : vector<16xf32> to vector<1x16xf32>
      tpu.vector_store %arg11[%swap3A, %swap3A_243], %swap3A_246 {strides = array<i32>} : memref<72x128xf32, #tpu.memory_space<vmem>>, vector<1x16xf32>,
    }
    %scan3A_5 = arith.constant 576 : i32
    %mul3A_6 = arith.constant 640 : i32
    %mul3A_7 = arith.muli %arg1, %mul3A_6 : i32
    %add3A_8 = arith.constant 0 : i32
    %add3A_9 = arith.addi %mul3A_7, %add3A_8 : i32
    %dma_start3A = arith.constant 0 : i32
    %dma_start3A_10 = tpu.memref_slice %arg6[%add3A_9, %dma_start3A] : memref<10240x128xf32, #tpu.memory_space<vmem_shared>> -> memref<72x128xf32, #tpu.memory_space<vmem_shared>>
    %dma_start3A_11 = arith.constant 0 : i32
    %dma_start3A_12 = tpu.memref_slice %arg6[%add3A_9, %dma_start3A_11] : memref<10240x128xf32, #tpu.memory_space<vmem_shared>> -> memref<72x128xf32, #tpu.memory_space<vmem_shared>>
    tpu.enqueue_dma source(%arg11 : memref<72x128xf32, #tpu.memory_space<vmem>>) target(%dma_start3A_12 : memref<72x128xf32, #tpu.memory_space<vmem_shared>>) target_semaphore(%arg15 : memref<!tpu.dma_semaphore, #tpu.memory_space<semaphore_mem>>)
    %mul3A_13 = arith.constant 640 : i32
    %mul3A_14 = arith.muli %arg1, %mul3A_13 : i32
    %add3A_15 = arith.constant 72 : i32
    %add3A_16 = arith.addi %mul3A_14, %add3A_15 : i32
    %dma_start3A_17 = arith.constant 0 : i32
    %dma_start3A_18 = tpu.memref_slice %arg6[%add3A_16, %dma_start3A_17] : memref<10240x128xf32, #tpu.memory_space<vmem_shared>> -> memref<72x128xf32, #tpu.memory_space<vmem_shared>>
    %dma_start3A_19 = arith.constant 0 : i32
    %dma_start3A_20 = tpu.memref_slice %arg6[%add3A_16, %dma_start3A_19] : memref<10240x128xf32, #tpu.memory_space<vmem_shared>> -> memref<72x128xf32, #tpu.memory_space<vmem_shared>>
    tpu.enqueue_dma source(%arg11 : memref<72x128xf32, #tpu.memory_space<vmem>>) target(%dma_start3A_20 : memref<72x128xf32, #tpu.memory_space<vmem_shared>>) target_semaphore(%arg15 : memref<!tpu.dma_semaphore, #tpu.memory_space<semaphore_mem>>)
    %mul3A_21 = arith.constant 640 : i32
    %mul3A_22 = arith.muli %arg1, %mul3A_21 : i32
    %add3A_23 = arith.constant 144 : i32
    %add3A_24 = arith.addi %mul3A_22, %add3A_23 : i32
    %dma_start3A_25 = arith.constant 0 : i32
    %dma_start3A_26 = tpu.memref_slice %arg6[%add3A_24, %dma_start3A_25] : memref<10240x128xf32, #tpu.memory_space<vmem_shared>> -> memref<72x128xf32, #tpu.memory_space<vmem_shared>>
    %dma_start3A_27 = arith.constant 0 : i32
    %dma_start3A_28 = tpu.memref_slice %arg6[%add3A_24, %dma_start3A_27] : memref<10240x128xf32, #tpu.memory_space<vmem_shared>> -> memref<72x128xf32, #tpu.memory_space<vmem_shared>>
    tpu.enqueue_dma source(%arg11 : memref<72x128xf32, #tpu.memory_space<vmem>>) target(%dma_start3A_28 : memref<72x128xf32, #tpu.memory_space<vmem_shared>>) target_semaphore(%arg15 : memref<!tpu.dma_semaphore, #tpu.memory_space<semaphore_mem>>)
    %mul3A_29 = arith.constant 640 : i32
    %mul3A_30 = arith.muli %arg1, %mul3A_29 : i32
    %add3A_31 = arith.constant 216 : i32
    %add3A_32 = arith.addi %mul3A_30, %add3A_31 : i32
    %dma_start3A_33 = arith.constant 0 : i32
    %dma_start3A_34 = tpu.memref_slice %arg6[%add3A_32, %dma_start3A_33] : memref<10240x128xf32, #tpu.memory_space<vmem_shared>> -> memref<72x128xf32, #tpu.memory_space<vmem_shared>>
    %dma_start3A_35 = arith.constant 0 : i32
    %dma_start3A_36 = tpu.memref_slice %arg6[%add3A_32, %dma_start3A_35] : memref<10240x128xf32, #tpu.memory_space<vmem_shared>> -> memref<72x128xf32, #tpu.memory_space<vmem_shared>>
    tpu.enqueue_dma source(%arg11 : memref<72x128xf32, #tpu.memory_space<vmem>>) target(%dma_start3A_36 : memref<72x128xf32, #tpu.memory_space<vmem_shared>>) target_semaphore(%arg15 : memref<!tpu.dma_semaphore, #tpu.memory_space<semaphore_mem>>)
    %mul3A_37 = arith.constant 640 : i32
    %mul3A_38 = arith.muli %arg1, %mul3A_37 : i32
    %add3A_39 = arith.constant 288 : i32
    %add3A_40 = arith.addi %mul3A_38, %add3A_39 : i32
    %dma_start3A_41 = arith.constant 0 : i32
    %dma_start3A_42 = tpu.memref_slice %arg6[%add3A_40, %dma_start3A_41] : memref<10240x128xf32, #tpu.memory_space<vmem_shared>> -> memref<72x128xf32, #tpu.memory_space<vmem_shared>>
    %dma_start3A_43 = arith.constant 0 : i32
    %dma_start3A_44 = tpu.memref_slice %arg6[%add3A_40, %dma_start3A_43] : memref<10240x128xf32, #tpu.memory_space<vmem_shared>> -> memref<72x128xf32, #tpu.memory_space<vmem_shared>>
    tpu.enqueue_dma source(%arg11 : memref<72x128xf32, #tpu.memory_space<vmem>>) target(%dma_start3A_44 : memref<72x128xf32, #tpu.memory_space<vmem_shared>>) target_semaphore(%arg15 : memref<!tpu.dma_semaphore, #tpu.memory_space<semaphore_mem>>)
    %mul3A_45 = arith.constant 640 : i32
    %mul3A_46 = arith.muli %arg1, %mul3A_45 : i32
    %add3A_47 = arith.constant 360 : i32
    %add3A_48 = arith.addi %mul3A_46, %add3A_47 : i32
    %dma_start3A_49 = arith.constant 0 : i32
    %dma_start3A_50 = tpu.memref_slice %arg6[%add3A_48, %dma_start3A_49] : memref<10240x128xf32, #tpu.memory_space<vmem_shared>> -> memref<72x128xf32, #tpu.memory_space<vmem_shared>>
    %dma_start3A_51 = arith.constant 0 : i32
    %dma_start3A_52 = tpu.memref_slice %arg6[%add3A_48, %dma_start3A_51] : memref<10240x128xf32, #tpu.memory_space<vmem_shared>> -> memref<72x128xf32, #tpu.memory_space<vmem_shared>>
    tpu.enqueue_dma source(%arg11 : memref<72x128xf32, #tpu.memory_space<vmem>>) target(%dma_start3A_52 : memref<72x128xf32, #tpu.memory_space<vmem_shared>>) target_semaphore(%arg15 : memref<!tpu.dma_semaphore, #tpu.memory_space<semaphore_mem>>)
    %mul3A_53 = arith.constant 640 : i32
    %mul3A_54 = arith.muli %arg1, %mul3A_53 : i32
    %add3A_55 = arith.constant 432 : i32
    %add3A_56 = arith.addi %mul3A_54, %add3A_55 : i32
    %dma_start3A_57 = arith.constant 0 : i32
    %dma_start3A_58 = tpu.memref_slice %arg6[%add3A_56, %dma_start3A_57] : memref<10240x128xf32, #tpu.memory_space<vmem_shared>> -> memref<72x128xf32, #tpu.memory_space<vmem_shared>>
    %dma_start3A_59 = arith.constant 0 : i32
    %dma_start3A_60 = tpu.memref_slice %arg6[%add3A_56, %dma_start3A_59] : memref<10240x128xf32, #tpu.memory_space<vmem_shared>> -> memref<72x128xf32, #tpu.memory_space<vmem_shared>>
    tpu.enqueue_dma source(%arg11 : memref<72x128xf32, #tpu.memory_space<vmem>>) target(%dma_start3A_60 : memref<72x128xf32, #tpu.memory_space<vmem_shared>>) target_semaphore(%arg15 : memref<!tpu.dma_semaphore, #tpu.memory_space<semaphore_mem>>)
    %mul3A_61 = arith.constant 640 : i32
    %mul3A_62 = arith.muli %arg1, %mul3A_61 : i32
    %add3A_63 = arith.constant 504 : i32
    %add3A_64 = arith.addi %mul3A_62, %add3A_63 : i32
    %dma_start3A_65 = arith.constant 0 : i32
    %dma_start3A_66 = tpu.memref_slice %arg6[%add3A_64, %dma_start3A_65] : memref<10240x128xf32, #tpu.memory_space<vmem_shared>> -> memref<72x128xf32, #tpu.memory_space<vmem_shared>>
    %dma_start3A_67 = arith.constant 0 : i32
    %dma_start3A_68 = tpu.memref_slice %arg6[%add3A_64, %dma_start3A_67] : memref<10240x128xf32, #tpu.memory_space<vmem_shared>> -> memref<72x128xf32, #tpu.memory_space<vmem_shared>>
    tpu.enqueue_dma source(%arg11 : memref<72x128xf32, #tpu.memory_space<vmem>>) target(%dma_start3A_68 : memref<72x128xf32, #tpu.memory_space<vmem_shared>>) target_semaphore(%arg15 : memref<!tpu.dma_semaphore, #tpu.memory_space<semaphore_mem>>)
    %mul3A_69 = arith.constant 640 : i32
    %mul3A_70 = arith.muli %arg1, %mul3A_69 : i32
    %add3A_71 = arith.constant 576 : i32
    %add3A_72 = arith.addi %mul3A_70, %add3A_71 : i32
    %dma_start3A_73 = arith.constant 0 : i32
    %dma_start3A_74 = arith.constant 0 : i32
    %dma_start3A_75 = tpu.memref_slice %arg11[%dma_start3A_73, %dma_start3A_74] : memref<72x128xf32, #tpu.memory_space<vmem>> -> memref<64x128xf32, #tpu.memory_space<vmem>>
    %dma_start3A_76 = arith.constant 0 : i32
    %dma_start3A_77 = tpu.memref_slice %arg6[%add3A_72, %dma_start3A_76] : memref<10240x128xf32, #tpu.memory_space<vmem_shared>> -> memref<64x128xf32, #tpu.memory_space<vmem_shared>>
    %dma_start3A_78 = arith.constant 0 : i32
    %dma_start3A_79 = tpu.memref_slice %arg6[%add3A_72, %dma_start3A_78] : memref<10240x128xf32, #tpu.memory_space<vmem_shared>> -> memref<64x128xf32, #tpu.memory_space<vmem_shared>>
    %dma_start3A_80 = arith.constant 0 : i32
    %dma_start3A_81 = arith.constant 0 : i32
    %dma_start3A_82 = tpu.memref_slice %arg11[%dma_start3A_80, %dma_start3A_81] : memref<72x128xf32, #tpu.memory_space<vmem>> -> memref<64x128xf32, #tpu.memory_space<vmem>>
    tpu.enqueue_dma source(%dma_start3A_82 : memref<64x128xf32, #tpu.memory_space<vmem>>) target(%dma_start3A_79 : memref<64x128xf32, #tpu.memory_space<vmem_shared>>) target_semaphore(%arg15 : memref<!tpu.dma_semaphore, #tpu.memory_space<semaphore_mem>>)
    %mul3A_83 = arith.constant 10008 : i32
    %mul3A_84 = arith.muli %add3A, %mul3A_83 : i32
    "tpu.region"() ({
      %run_scoped3A = tpu.sem_alloc : memref<!tpu.dma_semaphore, #tpu.memory_space<semaphore_mem>>
      %dma_start3A_209 = tpu.memref_slice %arg3[%mul3A_84] : memref<320256xi32, #tpu.memory_space<hbm>> -> memref<10008xi32, #tpu.memory_space<hbm>>
      %dma_start3A_210 = tpu.memref_slice %arg3[%mul3A_84] : memref<320256xi32, #tpu.memory_space<hbm>> -> memref<10008xi32, #tpu.memory_space<hbm>>
      tpu.enqueue_dma source(%dma_start3A_210 : memref<10008xi32, #tpu.memory_space<hbm>>) target(%arg7 : memref<10008xi32, #tpu.memory_space<vmem>>) target_semaphore(%run_scoped3A : memref<!tpu.dma_semaphore, #tpu.memory_space<semaphore_mem>>)
      %dma_wait3A_211 = tpu.memref_slice %arg3[%mul3A_84] : memref<320256xi32, #tpu.memory_space<hbm>> -> memref<10008xi32, #tpu.memory_space<hbm>>
      %dma_wait3A_212 = tpu.memref_slice %arg3[%mul3A_84] : memref<320256xi32, #tpu.memory_space<hbm>> -> memref<10008xi32, #tpu.memory_space<hbm>>
      tpu.wait_dma2 semaphore(%run_scoped3A : memref<!tpu.dma_semaphore, #tpu.memory_space<semaphore_mem>>) src(%dma_wait3A_212 : memref<10008xi32, #tpu.memory_space<hbm>>) dst(%arg7 : memref<10008xi32, #tpu.memory_space<vmem>>)
      tpu.yield
    }) : () -> ()
    %mul3A_85 = arith.constant 10008 : i32
    %mul3A_86 = arith.muli %add3A, %mul3A_85 : i32
    "tpu.region"() ({
      %run_scoped3A = tpu.sem_alloc : memref<!tpu.dma_semaphore, #tpu.memory_space<semaphore_mem>>
      %dma_start3A_209 = tpu.memref_slice %arg4[%mul3A_86] : memref<320256xi32, #tpu.memory_space<hbm>> -> memref<10008xi32, #tpu.memory_space<hbm>>
      %dma_start3A_210 = tpu.memref_slice %arg4[%mul3A_86] : memref<320256xi32, #tpu.memory_space<hbm>> -> memref<10008xi32, #tpu.memory_space<hbm>>
      tpu.enqueue_dma source(%dma_start3A_210 : memref<10008xi32, #tpu.memory_space<hbm>>) target(%arg8 : memref<10008xi32, #tpu.memory_space<vmem>>) target_semaphore(%run_scoped3A : memref<!tpu.dma_semaphore, #tpu.memory_space<semaphore_mem>>)
      %dma_wait3A_211 = tpu.memref_slice %arg4[%mul3A_86] : memref<320256xi32, #tpu.memory_space<hbm>> -> memref<10008xi32, #tpu.memory_space<hbm>>
      %dma_wait3A_212 = tpu.memref_slice %arg4[%mul3A_86] : memref<320256xi32, #tpu.memory_space<hbm>> -> memref<10008xi32, #tpu.memory_space<hbm>>
      tpu.wait_dma2 semaphore(%run_scoped3A : memref<!tpu.dma_semaphore, #tpu.memory_space<semaphore_mem>>) src(%dma_wait3A_212 : memref<10008xi32, #tpu.memory_space<hbm>>) dst(%arg8 : memref<10008xi32, #tpu.memory_space<vmem>>)
      tpu.yield
    }) : () -> ()
    %mul3A_87 = arith.constant 640 : i32
    %mul3A_88 = arith.muli %arg1, %mul3A_87 : i32
    %add3A_89 = arith.constant 0 : i32
    %add3A_90 = arith.addi %mul3A_88, %add3A_89 : i32
    %dma_wait3A = arith.constant 0 : i32
    %dma_wait3A_91 = tpu.memref_slice %arg6[%add3A_90, %dma_wait3A] : memref<10240x128xf32, #tpu.memory_space<vmem_shared>> -> memref<72x128xf32, #tpu.memory_space<vmem_shared>>
    %dma_wait3A_92 = arith.constant 0 : i32
    %dma_wait3A_93 = tpu.memref_slice %arg6[%add3A_90, %dma_wait3A_92] : memref<10240x128xf32, #tpu.memory_space<vmem_shared>> -> memref<72x128xf32, #tpu.memory_space<vmem_shared>>
    tpu.wait_dma2 semaphore(%arg15 : memref<!tpu.dma_semaphore, #tpu.memory_space<semaphore_mem>>) src(%arg11 : memref<72x128xf32, #tpu.memory_space<vmem>>) dst(%dma_wait3A_93 : memref<72x128xf32, #tpu.memory_space<vmem_shared>>)
    %mul3A_94 = arith.constant 640 : i32
    %mul3A_95 = arith.muli %arg1, %mul3A_94 : i32
    %add3A_96 = arith.constant 72 : i32
    %add3A_97 = arith.addi %mul3A_95, %add3A_96 : i32
    %dma_wait3A_98 = arith.constant 0 : i32
    %dma_wait3A_99 = tpu.memref_slice %arg6[%add3A_97, %dma_wait3A_98] : memref<10240x128xf32, #tpu.memory_space<vmem_shared>> -> memref<72x128xf32, #tpu.memory_space<vmem_shared>>
    %dma_wait3A_100 = arith.constant 0 : i32
    %dma_wait3A_101 = tpu.memref_slice %arg6[%add3A_97, %dma_wait3A_100] : memref<10240x128xf32, #tpu.memory_space<vmem_shared>> -> memref<72x128xf32, #tpu.memory_space<vmem_shared>>
    tpu.wait_dma2 semaphore(%arg15 : memref<!tpu.dma_semaphore, #tpu.memory_space<semaphore_mem>>) src(%arg11 : memref<72x128xf32, #tpu.memory_space<vmem>>) dst(%dma_wait3A_101 : memref<72x128xf32, #tpu.memory_space<vmem_shared>>)
    %mul3A_102 = arith.constant 640 : i32
    %mul3A_103 = arith.muli %arg1, %mul3A_102 : i32
    %add3A_104 = arith.constant 144 : i32
    %add3A_105 = arith.addi %mul3A_103, %add3A_104 : i32
    %dma_wait3A_106 = arith.constant 0 : i32
    %dma_wait3A_107 = tpu.memref_slice %arg6[%add3A_105, %dma_wait3A_106] : memref<10240x128xf32, #tpu.memory_space<vmem_shared>> -> memref<72x128xf32, #tpu.memory_space<vmem_shared>>
    %dma_wait3A_108 = arith.constant 0 : i32
    %dma_wait3A_109 = tpu.memref_slice %arg6[%add3A_105, %dma_wait3A_108] : memref<10240x128xf32, #tpu.memory_space<vmem_shared>> -> memref<72x128xf32, #tpu.memory_space<vmem_shared>>
    tpu.wait_dma2 semaphore(%arg15 : memref<!tpu.dma_semaphore, #tpu.memory_space<semaphore_mem>>) src(%arg11 : memref<72x128xf32, #tpu.memory_space<vmem>>) dst(%dma_wait3A_109 : memref<72x128xf32, #tpu.memory_space<vmem_shared>>)
    %mul3A_110 = arith.constant 640 : i32
    %mul3A_111 = arith.muli %arg1, %mul3A_110 : i32
    %add3A_112 = arith.constant 216 : i32
    %add3A_113 = arith.addi %mul3A_111, %add3A_112 : i32
    %dma_wait3A_114 = arith.constant 0 : i32
    %dma_wait3A_115 = tpu.memref_slice %arg6[%add3A_113, %dma_wait3A_114] : memref<10240x128xf32, #tpu.memory_space<vmem_shared>> -> memref<72x128xf32, #tpu.memory_space<vmem_shared>>
    %dma_wait3A_116 = arith.constant 0 : i32
    %dma_wait3A_117 = tpu.memref_slice %arg6[%add3A_113, %dma_wait3A_116] : memref<10240x128xf32, #tpu.memory_space<vmem_shared>> -> memref<72x128xf32, #tpu.memory_space<vmem_shared>>
    tpu.wait_dma2 semaphore(%arg15 : memref<!tpu.dma_semaphore, #tpu.memory_space<semaphore_mem>>) src(%arg11 : memref<72x128xf32, #tpu.memory_space<vmem>>) dst(%dma_wait3A_117 : memref<72x128xf32, #tpu.memory_space<vmem_shared>>)
    %mul3A_118 = arith.constant 640 : i32
    %mul3A_119 = arith.muli %arg1, %mul3A_118 : i32
    %add3A_120 = arith.constant 288 : i32
    %add3A_121 = arith.addi %mul3A_119, %add3A_120 : i32
    %dma_wait3A_122 = arith.constant 0 : i32
    %dma_wait3A_123 = tpu.memref_slice %arg6[%add3A_121, %dma_wait3A_122] : memref<10240x128xf32, #tpu.memory_space<vmem_shared>> -> memref<72x128xf32, #tpu.memory_space<vmem_shared>>
    %dma_wait3A_124 = arith.constant 0 : i32
    %dma_wait3A_125 = tpu.memref_slice %arg6[%add3A_121, %dma_wait3A_124] : memref<10240x128xf32, #tpu.memory_space<vmem_shared>> -> memref<72x128xf32, #tpu.memory_space<vmem_shared>>
    tpu.wait_dma2 semaphore(%arg15 : memref<!tpu.dma_semaphore, #tpu.memory_space<semaphore_mem>>) src(%arg11 : memref<72x128xf32, #tpu.memory_space<vmem>>) dst(%dma_wait3A_125 : memref<72x128xf32, #tpu.memory_space<vmem_shared>>)
    %mul3A_126 = arith.constant 640 : i32
    %mul3A_127 = arith.muli %arg1, %mul3A_126 : i32
    %add3A_128 = arith.constant 360 : i32
    %add3A_129 = arith.addi %mul3A_127, %add3A_128 : i32
    %dma_wait3A_130 = arith.constant 0 : i32
    %dma_wait3A_131 = tpu.memref_slice %arg6[%add3A_129, %dma_wait3A_130] : memref<10240x128xf32, #tpu.memory_space<vmem_shared>> -> memref<72x128xf32, #tpu.memory_space<vmem_shared>>
    %dma_wait3A_132 = arith.constant 0 : i32
    %dma_wait3A_133 = tpu.memref_slice %arg6[%add3A_129, %dma_wait3A_132] : memref<10240x128xf32, #tpu.memory_space<vmem_shared>> -> memref<72x128xf32, #tpu.memory_space<vmem_shared>>
    tpu.wait_dma2 semaphore(%arg15 : memref<!tpu.dma_semaphore, #tpu.memory_space<semaphore_mem>>) src(%arg11 : memref<72x128xf32, #tpu.memory_space<vmem>>) dst(%dma_wait3A_133 : memref<72x128xf32, #tpu.memory_space<vmem_shared>>)
    %mul3A_134 = arith.constant 640 : i32
    %mul3A_135 = arith.muli %arg1, %mul3A_134 : i32
    %add3A_136 = arith.constant 432 : i32
    %add3A_137 = arith.addi %mul3A_135, %add3A_136 : i32
    %dma_wait3A_138 = arith.constant 0 : i32
    %dma_wait3A_139 = tpu.memref_slice %arg6[%add3A_137, %dma_wait3A_138] : memref<10240x128xf32, #tpu.memory_space<vmem_shared>> -> memref<72x128xf32, #tpu.memory_space<vmem_shared>>
    %dma_wait3A_140 = arith.constant 0 : i32
    %dma_wait3A_141 = tpu.memref_slice %arg6[%add3A_137, %dma_wait3A_140] : memref<10240x128xf32, #tpu.memory_space<vmem_shared>> -> memref<72x128xf32, #tpu.memory_space<vmem_shared>>
    tpu.wait_dma2 semaphore(%arg15 : memref<!tpu.dma_semaphore, #tpu.memory_space<semaphore_mem>>) src(%arg11 : memref<72x128xf32, #tpu.memory_space<vmem>>) dst(%dma_wait3A_141 : memref<72x128xf32, #tpu.memory_space<vmem_shared>>)
    %mul3A_142 = arith.constant 640 : i32
    %mul3A_143 = arith.muli %arg1, %mul3A_142 : i32
    %add3A_144 = arith.constant 504 : i32
    %add3A_145 = arith.addi %mul3A_143, %add3A_144 : i32
    %dma_wait3A_146 = arith.constant 0 : i32
    %dma_wait3A_147 = tpu.memref_slice %arg6[%add3A_145, %dma_wait3A_146] : memref<10240x128xf32, #tpu.memory_space<vmem_shared>> -> memref<72x128xf32, #tpu.memory_space<vmem_shared>>
    %dma_wait3A_148 = arith.constant 0 : i32
    %dma_wait3A_149 = tpu.memref_slice %arg6[%add3A_145, %dma_wait3A_148] : memref<10240x128xf32, #tpu.memory_space<vmem_shared>> -> memref<72x128xf32, #tpu.memory_space<vmem_shared>>
    tpu.wait_dma2 semaphore(%arg15 : memref<!tpu.dma_semaphore, #tpu.memory_space<semaphore_mem>>) src(%arg11 : memref<72x128xf32, #tpu.memory_space<vmem>>) dst(%dma_wait3A_149 : memref<72x128xf32, #tpu.memory_space<vmem_shared>>)
    %mul3A_150 = arith.constant 640 : i32
    %mul3A_151 = arith.muli %arg1, %mul3A_150 : i32
    %add3A_152 = arith.constant 576 : i32
    %add3A_153 = arith.addi %mul3A_151, %add3A_152 : i32
    %dma_wait3A_154 = arith.constant 0 : i32
    %dma_wait3A_155 = arith.constant 0 : i32
    %dma_wait3A_156 = tpu.memref_slice %arg11[%dma_wait3A_154, %dma_wait3A_155] : memref<72x128xf32, #tpu.memory_space<vmem>> -> memref<64x128xf32, #tpu.memory_space<vmem>>
    %dma_wait3A_157 = arith.constant 0 : i32
    %dma_wait3A_158 = tpu.memref_slice %arg6[%add3A_153, %dma_wait3A_157] : memref<10240x128xf32, #tpu.memory_space<vmem_shared>> -> memref<64x128xf32, #tpu.memory_space<vmem_shared>>
    %dma_wait3A_159 = arith.constant 0 : i32
    %dma_wait3A_160 = tpu.memref_slice %arg6[%add3A_153, %dma_wait3A_159] : memref<10240x128xf32, #tpu.memory_space<vmem_shared>> -> memref<64x128xf32, #tpu.memory_space<vmem_shared>>
    %dma_wait3A_161 = arith.constant 0 : i32
    %dma_wait3A_162 = arith.constant 0 : i32
    %dma_wait3A_163 = tpu.memref_slice %arg11[%dma_wait3A_161, %dma_wait3A_162] : memref<72x128xf32, #tpu.memory_space<vmem>> -> memref<64x128xf32, #tpu.memory_space<vmem>>
    tpu.wait_dma2 semaphore(%arg15 : memref<!tpu.dma_semaphore, #tpu.memory_space<semaphore_mem>>) src(%dma_wait3A_163 : memref<64x128xf32, #tpu.memory_space<vmem>>) dst(%dma_wait3A_160 : memref<64x128xf32, #tpu.memory_space<vmem_shared>>)
    %barrier3A = arith.constant 0 : index
    tpu.barrier barrier_id(%barrier3A)
    %dma_start3A_164 = arith.constant 0 : i32
    %dma_start3A_165 = tpu.memref_slice %arg7[%dma_start3A_164] : memref<10008xi32, #tpu.memory_space<vmem>> -> memref<72xi32, #tpu.memory_space<vmem>>
    %dma_start3A_166 = arith.constant 0 : i32
    %dma_start3A_167 = arith.constant 0 : i32
    %dma_start3A_168 = tpu.memref_slice %arg2[%dma_start3A_166, %dma_start3A_167] : memref<10000x128xf32, #tpu.memory_space<hbm>> -> memref<10000x128xf32, #tpu.memory_space<hbm>>
    tpu.enqueue_indirect_dma source(%dma_start3A_168 : memref<10000x128xf32, #tpu.memory_space<hbm>>) target(%arg9 : memref<72x128xf32, #tpu.memory_space<vmem>>) offsets(%dma_start3A_165 : memref<72xi32, #tpu.memory_space<vmem>>) semaphore(%arg12 : memref<!tpu.dma_semaphore, #tpu.memory_space<semaphore_mem>>)
    %dma_start3A_169 = arith.constant 72 : i32
    %dma_start3A_170 = tpu.memref_slice %arg7[%dma_start3A_169] : memref<10008xi32, #tpu.memory_space<vmem>> -> memref<72xi32, #tpu.memory_space<vmem>>
    %dma_start3A_171 = arith.constant 0 : i32
    %dma_start3A_172 = arith.constant 0 : i32
    %dma_start3A_173 = tpu.memref_slice %arg2[%dma_start3A_171, %dma_start3A_172] : memref<10000x128xf32, #tpu.memory_space<hbm>> -> memref<10000x128xf32, #tpu.memory_space<hbm>>
    tpu.enqueue_indirect_dma source(%dma_start3A_173 : memref<10000x128xf32, #tpu.memory_space<hbm>>) target(%arg10 : memref<72x128xf32, #tpu.memory_space<vmem>>) offsets(%dma_start3A_170 : memref<72xi32, #tpu.memory_space<vmem>>) semaphore(%arg13 : memref<!tpu.dma_semaphore, #tpu.memory_space<semaphore_mem>>)
    %scan3A_174 = arith.constant 0 : i32
    %scan3A_175 = arith.constant 46 : i32
    %scan3A_176 = arith.addi %scan3A_174, %scan3A_175 : i32
    %scan3A_177 = arith.constant 1 : i32
    scf.for %scan3A_209 = %scan3A_174 to %scan3A_176 step %scan3A_177  : i32 {
      %mul3A_210 = arith.constant 3 : i32
      %mul3A_211 = arith.muli %scan3A_209, %mul3A_210 : i32
      %add3A_212 = arith.constant 0 : i32
      %add3A_213 = arith.addi %add3A_212, %mul3A_211 : i32
      %add3A_214 = arith.constant 0 : i32
      %add3A_215 = arith.addi %add3A_213, %add3A_214 : i32
      %mul3A_216 = arith.constant 72 : i32
      %mul3A_217 = arith.muli %add3A_215, %mul3A_216 : i32
      %dma_wait3A_218 = tpu.memref_slice %arg7[%mul3A_217] : memref<10008xi32, #tpu.memory_space<vmem>> -> memref<72xi32, #tpu.memory_space<vmem>>
      %dma_wait3A_219 = arith.constant 0 : i32
      %dma_wait3A_220 = arith.constant 0 : i32
      %dma_wait3A_221 = tpu.memref_slice %arg2[%dma_wait3A_219, %dma_wait3A_220] : memref<10000x128xf32, #tpu.memory_space<hbm>> -> memref<10000x128xf32, #tpu.memory_space<hbm>>
      tpu.wait_indirect_dma semaphore(%arg12 : memref<!tpu.dma_semaphore, #tpu.memory_space<semaphore_mem>>) src(%dma_wait3A_221 : memref<10000x128xf32, #tpu.memory_space<hbm>>) dst(%arg9 : memref<72x128xf32, #tpu.memory_space<vmem>>)
      %mul3A_222 = arith.constant 72 : i32
      %mul3A_223 = arith.muli %add3A_215, %mul3A_222 : i32
      %dma_start3A_224 = tpu.memref_slice %arg8[%mul3A_223] : memref<10008xi32, #tpu.memory_space<vmem>> -> memref<72xi32, #tpu.memory_space<vmem>>
      %dma_start3A_225 = arith.constant 0 : i32
      %dma_start3A_226 = arith.constant 0 : i32
      %dma_start3A_227 = tpu.memref_slice %arg6[%dma_start3A_225, %dma_start3A_226] : memref<10240x128xf32, #tpu.memory_space<vmem_shared>> -> memref<10240x128xf32, #tpu.memory_space<vmem_shared>>
      tpu.enqueue_indirect_dma source(%arg9 : memref<72x128xf32, #tpu.memory_space<vmem>>) target(%dma_start3A_227 : memref<10240x128xf32, #tpu.memory_space<vmem_shared>>) offsets(%dma_start3A_224 : memref<72xi32, #tpu.memory_space<vmem>>) semaphore(%arg15 : memref<!tpu.dma_semaphore, #tpu.memory_space<semaphore_mem>>) {add = true}
      %add3A_228 = arith.constant 2 : i32
      %add3A_229 = arith.addi %add3A_215, %add3A_228 : i32
      %lt3A = arith.constant 139 : i32
      %lt3A_230 = arith.cmpi slt, %add3A_229, %lt3A : i32
      %convert_element_type3A = arith.extui %lt3A_230 : i1 to i32
      %cond3A = arith.constant 0 : i32
      %cond3A_231 = arith.cmpi ne, %convert_element_type3A, %cond3A : i32
      scf.if %cond3A_231 {
        %gt3A = arith.constant 0 : i32
        %gt3A_274 = arith.cmpi sgt, %add3A_215, %gt3A : i32
        %convert_element_type3A_275 = arith.extui %gt3A_274 : i1 to i32
        %cond3A_276 = arith.constant 0 : i32
        %cond3A_277 = arith.cmpi ne, %convert_element_type3A_275, %cond3A_276 : i32
        scf.if %cond3A_277 {
          %dma_wait3A_286 = arith.constant 0 : i32
          %dma_wait3A_287 = tpu.memref_slice %arg8[%dma_wait3A_286] : memref<10008xi32, #tpu.memory_space<vmem>> -> memref<72xi32, #tpu.memory_space<vmem>>
          %dma_wait3A_288 = arith.constant 0 : i32
          %dma_wait3A_289 = arith.constant 0 : i32
          %dma_wait3A_290 = tpu.memref_slice %arg6[%dma_wait3A_288, %dma_wait3A_289] : memref<10240x128xf32, #tpu.memory_space<vmem_shared>> -> memref<10240x128xf32, #tpu.memory_space<vmem_shared>>
          tpu.wait_indirect_dma semaphore(%arg17 : memref<!tpu.dma_semaphore, #tpu.memory_space<semaphore_mem>>) src(%arg11 : memref<72x128xf32, #tpu.memory_space<vmem>>) dst(%dma_wait3A_290 : memref<10240x128xf32, #tpu.memory_space<vmem_shared>>)
        } else {
        }
        %add3A_278 = arith.constant 2 : i32
        %add3A_279 = arith.addi %add3A_215, %add3A_278 : i32
        %mul3A_280 = arith.constant 72 : i32
        %mul3A_281 = arith.muli %add3A_279, %mul3A_280 : i32
        %dma_start3A_282 = tpu.memref_slice %arg7[%mul3A_281] : memref<10008xi32, #tpu.memory_space<vmem>> -> memref<72xi32, #tpu.memory_space<vmem>>
        %dma_start3A_283 = arith.constant 0 : i32
        %dma_start3A_284 = arith.constant 0 : i32
        %dma_start3A_285 = tpu.memref_slice %arg2[%dma_start3A_283, %dma_start3A_284] : memref<10000x128xf32, #tpu.memory_space<hbm>> -> memref<10000x128xf32, #tpu.memory_space<hbm>>
        tpu.enqueue_indirect_dma source(%dma_start3A_285 : memref<10000x128xf32, #tpu.memory_space<hbm>>) target(%arg11 : memref<72x128xf32, #tpu.memory_space<vmem>>) offsets(%dma_start3A_282 : memref<72xi32, #tpu.memory_space<vmem>>) semaphore(%arg14 : memref<!tpu.dma_semaphore, #tpu.memory_space<semaphore_mem>>)
      } else {
      }
      %add3A_232 = arith.constant 1 : i32
      %add3A_233 = arith.addi %add3A_213, %add3A_232 : i32
      %mul3A_234 = arith.constant 72 : i32
      %mul3A_235 = arith.muli %add3A_233, %mul3A_234 : i32
      %dma_wait3A_236 = tpu.memref_slice %arg7[%mul3A_235] : memref<10008xi32, #tpu.memory_space<vmem>> -> memref<72xi32, #tpu.memory_space<vmem>>
      %dma_wait3A_237 = arith.constant 0 : i32
      %dma_wait3A_238 = arith.constant 0 : i32
      %dma_wait3A_239 = tpu.memref_slice %arg2[%dma_wait3A_237, %dma_wait3A_238] : memref<10000x128xf32, #tpu.memory_space<hbm>> -> memref<10000x128xf32, #tpu.memory_space<hbm>>
      tpu.wait_indirect_dma semaphore(%arg13 : memref<!tpu.dma_semaphore, #tpu.memory_space<semaphore_mem>>) src(%dma_wait3A_239 : memref<10000x128xf32, #tpu.memory_space<hbm>>) dst(%arg10 : memref<72x128xf32, #tpu.memory_space<vmem>>)
      %mul3A_240 = arith.constant 72 : i32
      %mul3A_241 = arith.muli %add3A_233, %mul3A_240 : i32
      %dma_start3A_242 = tpu.memref_slice %arg8[%mul3A_241] : memref<10008xi32, #tpu.memory_space<vmem>> -> memref<72xi32, #tpu.memory_space<vmem>>
      %dma_start3A_243 = arith.constant 0 : i32
      %dma_start3A_244 = arith.constant 0 : i32
      %dma_start3A_245 = tpu.memref_slice %arg6[%dma_start3A_243, %dma_start3A_244] : memref<10240x128xf32, #tpu.memory_space<vmem_shared>> -> memref<10240x128xf32, #tpu.memory_space<vmem_shared>>
      tpu.enqueue_indirect_dma source(%arg10 : memref<72x128xf32, #tpu.memory_space<vmem>>) target(%dma_start3A_245 : memref<10240x128xf32, #tpu.memory_space<vmem_shared>>) offsets(%dma_start3A_242 : memref<72xi32, #tpu.memory_space<vmem>>) semaphore(%arg16 : memref<!tpu.dma_semaphore, #tpu.memory_space<semaphore_mem>>) {add = true}
      %add3A_246 = arith.constant 2 : i32
      %add3A_247 = arith.addi %add3A_233, %add3A_246 : i32
      %lt3A_248 = arith.constant 139 : i32
      %lt3A_249 = arith.cmpi slt, %add3A_247, %lt3A_248 : i32
      %convert_element_type3A_250 = arith.extui %lt3A_249 : i1 to i32
      %cond3A_251 = arith.constant 0 : i32
      %cond3A_252 = arith.cmpi ne, %convert_element_type3A_250, %cond3A_251 : i32
      scf.if %cond3A_252 {
        %gt3A = arith.constant 0 : i32
        %gt3A_274 = arith.cmpi sgt, %add3A_233, %gt3A : i32
        %convert_element_type3A_275 = arith.extui %gt3A_274 : i1 to i32
        %cond3A_276 = arith.constant 0 : i32
        %cond3A_277 = arith.cmpi ne, %convert_element_type3A_275, %cond3A_276 : i32
        scf.if %cond3A_277 {
          %dma_wait3A_286 = arith.constant 0 : i32
          %dma_wait3A_287 = tpu.memref_slice %arg8[%dma_wait3A_286] : memref<10008xi32, #tpu.memory_space<vmem>> -> memref<72xi32, #tpu.memory_space<vmem>>
          %dma_wait3A_288 = arith.constant 0 : i32
          %dma_wait3A_289 = arith.constant 0 : i32
          %dma_wait3A_290 = tpu.memref_slice %arg6[%dma_wait3A_288, %dma_wait3A_289] : memref<10240x128xf32, #tpu.memory_space<vmem_shared>> -> memref<10240x128xf32, #tpu.memory_space<vmem_shared>>
          tpu.wait_indirect_dma semaphore(%arg15 : memref<!tpu.dma_semaphore, #tpu.memory_space<semaphore_mem>>) src(%arg9 : memref<72x128xf32, #tpu.memory_space<vmem>>) dst(%dma_wait3A_290 : memref<10240x128xf32, #tpu.memory_space<vmem_shared>>)
        } else {
        }
        %add3A_278 = arith.constant 2 : i32
        %add3A_279 = arith.addi %add3A_233, %add3A_278 : i32
        %mul3A_280 = arith.constant 72 : i32
        %mul3A_281 = arith.muli %add3A_279, %mul3A_280 : i32
        %dma_start3A_282 = tpu.memref_slice %arg7[%mul3A_281] : memref<10008xi32, #tpu.memory_space<vmem>> -> memref<72xi32, #tpu.memory_space<vmem>>
        %dma_start3A_283 = arith.constant 0 : i32
        %dma_start3A_284 = arith.constant 0 : i32
        %dma_start3A_285 = tpu.memref_slice %arg2[%dma_start3A_283, %dma_start3A_284] : memref<10000x128xf32, #tpu.memory_space<hbm>> -> memref<10000x128xf32, #tpu.memory_space<hbm>>
        tpu.enqueue_indirect_dma source(%dma_start3A_285 : memref<10000x128xf32, #tpu.memory_space<hbm>>) target(%arg9 : memref<72x128xf32, #tpu.memory_space<vmem>>) offsets(%dma_start3A_282 : memref<72xi32, #tpu.memory_space<vmem>>) semaphore(%arg12 : memref<!tpu.dma_semaphore, #tpu.memory_space<semaphore_mem>>)
      } else {
      }
      %add3A_253 = arith.constant 2 : i32
      %add3A_254 = arith.addi %add3A_213, %add3A_253 : i32
      %mul3A_255 = arith.constant 72 : i32
      %mul3A_256 = arith.muli %add3A_254, %mul3A_255 : i32
      %dma_wait3A_257 = tpu.memref_slice %arg7[%mul3A_256] : memref<10008xi32, #tpu.memory_space<vmem>> -> memref<72xi32, #tpu.memory_space<vmem>>
      %dma_wait3A_258 = arith.constant 0 : i32
      %dma_wait3A_259 = arith.constant 0 : i32
      %dma_wait3A_260 = tpu.memref_slice %arg2[%dma_wait3A_258, %dma_wait3A_259] : memref<10000x128xf32, #tpu.memory_space<hbm>> -> memref<10000x128xf32, #tpu.memory_space<hbm>>
      tpu.wait_indirect_dma semaphore(%arg14 : memref<!tpu.dma_semaphore, #tpu.memory_space<semaphore_mem>>) src(%dma_wait3A_260 : memref<10000x128xf32, #tpu.memory_space<hbm>>) dst(%arg11 : memref<72x128xf32, #tpu.memory_space<vmem>>)
      %mul3A_261 = arith.constant 72 : i32
      %mul3A_262 = arith.muli %add3A_254, %mul3A_261 : i32
      %dma_start3A_263 = tpu.memref_slice %arg8[%mul3A_262] : memref<10008xi32, #tpu.memory_space<vmem>> -> memref<72xi32, #tpu.memory_space<vmem>>
      %dma_start3A_264 = arith.constant 0 : i32
      %dma_start3A_265 = arith.constant 0 : i32
      %dma_start3A_266 = tpu.memref_slice %arg6[%dma_start3A_264, %dma_start3A_265] : memref<10240x128xf32, #tpu.memory_space<vmem_shared>> -> memref<10240x128xf32, #tpu.memory_space<vmem_shared>>
      tpu.enqueue_indirect_dma source(%arg11 : memref<72x128xf32, #tpu.memory_space<vmem>>) target(%dma_start3A_266 : memref<10240x128xf32, #tpu.memory_space<vmem_shared>>) offsets(%dma_start3A_263 : memref<72xi32, #tpu.memory_space<vmem>>) semaphore(%arg17 : memref<!tpu.dma_semaphore, #tpu.memory_space<semaphore_mem>>) {add = true}
      %add3A_267 = arith.constant 2 : i32
      %add3A_268 = arith.addi %add3A_254, %add3A_267 : i32
      %lt3A_269 = arith.constant 139 : i32
      %lt3A_270 = arith.cmpi slt, %add3A_268, %lt3A_269 : i32
      %convert_element_type3A_271 = arith.extui %lt3A_270 : i1 to i32
      %cond3A_272 = arith.constant 0 : i32
      %cond3A_273 = arith.cmpi ne, %convert_element_type3A_271, %cond3A_272 : i32
      scf.if %cond3A_273 {
        %gt3A = arith.constant 0 : i32
        %gt3A_274 = arith.cmpi sgt, %add3A_254, %gt3A : i32
        %convert_element_type3A_275 = arith.extui %gt3A_274 : i1 to i32
        %cond3A_276 = arith.constant 0 : i32
        %cond3A_277 = arith.cmpi ne, %convert_element_type3A_275, %cond3A_276 : i32
        scf.if %cond3A_277 {
          %dma_wait3A_286 = arith.constant 0 : i32
          %dma_wait3A_287 = tpu.memref_slice %arg8[%dma_wait3A_286] : memref<10008xi32, #tpu.memory_space<vmem>> -> memref<72xi32, #tpu.memory_space<vmem>>
          %dma_wait3A_288 = arith.constant 0 : i32
          %dma_wait3A_289 = arith.constant 0 : i32
          %dma_wait3A_290 = tpu.memref_slice %arg6[%dma_wait3A_288, %dma_wait3A_289] : memref<10240x128xf32, #tpu.memory_space<vmem_shared>> -> memref<10240x128xf32, #tpu.memory_space<vmem_shared>>
          tpu.wait_indirect_dma semaphore(%arg16 : memref<!tpu.dma_semaphore, #tpu.memory_space<semaphore_mem>>) src(%arg10 : memref<72x128xf32, #tpu.memory_space<vmem>>) dst(%dma_wait3A_290 : memref<10240x128xf32, #tpu.memory_space<vmem_shared>>)
        } else {
        }
        %add3A_278 = arith.constant 2 : i32
        %add3A_279 = arith.addi %add3A_254, %add3A_278 : i32
        %mul3A_280 = arith.constant 72 : i32
        %mul3A_281 = arith.muli %add3A_279, %mul3A_280 : i32
        %dma_start3A_282 = tpu.memref_slice %arg7[%mul3A_281] : memref<10008xi32, #tpu.memory_space<vmem>> -> memref<72xi32, #tpu.memory_space<vmem>>
        %dma_start3A_283 = arith.constant 0 : i32
        %dma_start3A_284 = arith.constant 0 : i32
        %dma_start3A_285 = tpu.memref_slice %arg2[%dma_start3A_283, %dma_start3A_284] : memref<10000x128xf32, #tpu.memory_space<hbm>> -> memref<10000x128xf32, #tpu.memory_space<hbm>>
        tpu.enqueue_indirect_dma source(%dma_start3A_285 : memref<10000x128xf32, #tpu.memory_space<hbm>>) target(%arg10 : memref<72x128xf32, #tpu.memory_space<vmem>>) offsets(%dma_start3A_282 : memref<72xi32, #tpu.memory_space<vmem>>) semaphore(%arg13 : memref<!tpu.dma_semaphore, #tpu.memory_space<semaphore_mem>>)
      } else {
      }
    }
    %scan3A_178 = arith.constant 46 : i32
    %dma_wait3A_179 = arith.constant 9936 : i32
    %dma_wait3A_180 = tpu.memref_slice %arg7[%dma_wait3A_179] : memref<10008xi32, #tpu.memory_space<vmem>> -> memref<72xi32, #tpu.memory_space<vmem>>
    %dma_wait3A_181 = arith.constant 0 : i32
    %dma_wait3A_182 = arith.constant 0 : i32
    %dma_wait3A_183 = tpu.memref_slice %arg2[%dma_wait3A_181, %dma_wait3A_182] : memref<10000x128xf32, #tpu.memory_space<hbm>> -> memref<10000x128xf32, #tpu.memory_space<hbm>>
    tpu.wait_indirect_dma semaphore(%arg12 : memref<!tpu.dma_semaphore, #tpu.memory_space<semaphore_mem>>) src(%dma_wait3A_183 : memref<10000x128xf32, #tpu.memory_space<hbm>>) dst(%arg9 : memref<72x128xf32, #tpu.memory_space<vmem>>)
    %dma_start3A_184 = arith.constant 9936 : i32
    %dma_start3A_185 = tpu.memref_slice %arg8[%dma_start3A_184] : memref<10008xi32, #tpu.memory_space<vmem>> -> memref<72xi32, #tpu.memory_space<vmem>>
    %dma_start3A_186 = arith.constant 0 : i32
    %dma_start3A_187 = arith.constant 0 : i32
    %dma_start3A_188 = tpu.memref_slice %arg6[%dma_start3A_186, %dma_start3A_187] : memref<10240x128xf32, #tpu.memory_space<vmem_shared>> -> memref<10240x128xf32, #tpu.memory_space<vmem_shared>>
    tpu.enqueue_indirect_dma source(%arg9 : memref<72x128xf32, #tpu.memory_space<vmem>>) target(%dma_start3A_188 : memref<10240x128xf32, #tpu.memory_space<vmem_shared>>) offsets(%dma_start3A_185 : memref<72xi32, #tpu.memory_space<vmem>>) semaphore(%arg15 : memref<!tpu.dma_semaphore, #tpu.memory_space<semaphore_mem>>) {add = true}
    %dma_wait3A_189 = arith.constant 0 : i32
    %dma_wait3A_190 = tpu.memref_slice %arg8[%dma_wait3A_189] : memref<10008xi32, #tpu.memory_space<vmem>> -> memref<72xi32, #tpu.memory_space<vmem>>
    %dma_wait3A_191 = arith.constant 0 : i32
    %dma_wait3A_192 = arith.constant 0 : i32
    %dma_wait3A_193 = tpu.memref_slice %arg6[%dma_wait3A_191, %dma_wait3A_192] : memref<10240x128xf32, #tpu.memory_space<vmem_shared>> -> memref<10240x128xf32, #tpu.memory_space<vmem_shared>>
    tpu.wait_indirect_dma semaphore(%arg15 : memref<!tpu.dma_semaphore, #tpu.memory_space<semaphore_mem>>) src(%arg9 : memref<72x128xf32, #tpu.memory_space<vmem>>) dst(%dma_wait3A_193 : memref<10240x128xf32, #tpu.memory_space<vmem_shared>>)
    %dma_wait3A_194 = arith.constant 0 : i32
    %dma_wait3A_195 = tpu.memref_slice %arg8[%dma_wait3A_194] : memref<10008xi32, #tpu.memory_space<vmem>> -> memref<72xi32, #tpu.memory_space<vmem>>
    %dma_wait3A_196 = arith.constant 0 : i32
    %dma_wait3A_197 = arith.constant 0 : i32
    %dma_wait3A_198 = tpu.memref_slice %arg6[%dma_wait3A_196, %dma_wait3A_197] : memref<10240x128xf32, #tpu.memory_space<vmem_shared>> -> memref<10240x128xf32, #tpu.memory_space<vmem_shared>>
    tpu.wait_indirect_dma semaphore(%arg16 : memref<!tpu.dma_semaphore, #tpu.memory_space<semaphore_mem>>) src(%arg10 : memref<72x128xf32, #tpu.memory_space<vmem>>) dst(%dma_wait3A_198 : memref<10240x128xf32, #tpu.memory_space<vmem_shared>>)
    %dma_wait3A_199 = arith.constant 0 : i32
    %dma_wait3A_200 = tpu.memref_slice %arg8[%dma_wait3A_199] : memref<10008xi32, #tpu.memory_space<vmem>> -> memref<72xi32, #tpu.memory_space<vmem>>
    %dma_wait3A_201 = arith.constant 0 : i32
    %dma_wait3A_202 = arith.constant 0 : i32
    %dma_wait3A_203 = tpu.memref_slice %arg6[%dma_wait3A_201, %dma_wait3A_202] : memref<10240x128xf32, #tpu.memory_space<vmem_shared>> -> memref<10240x128xf32, #tpu.memory_space<vmem_shared>>
    tpu.wait_indirect_dma semaphore(%arg17 : memref<!tpu.dma_semaphore, #tpu.memory_space<semaphore_mem>>) src(%arg11 : memref<72x128xf32, #tpu.memory_space<vmem>>) dst(%dma_wait3A_203 : memref<10240x128xf32, #tpu.memory_space<vmem_shared>>)
    %barrier3A_204 = arith.constant 0 : index
    tpu.barrier barrier_id(%barrier3A_204)
    %mul3A_205 = arith.constant 640 : i32
    %mul3A_206 = arith.muli %arg1, %mul3A_205 : i32
    %mul3A_207 = arith.constant 640 : i32
    %mul3A_208 = arith.muli %arg1, %mul3A_207 : i32
    "tpu.region"() ({
      %run_scoped3A = tpu.sem_alloc : memref<!tpu.dma_semaphore, #tpu.memory_space<semaphore_mem>>
      %dma_start3A_209 = arith.constant 0 : i32
      %dma_start3A_210 = tpu.memref_slice %arg5[%arg0, %mul3A_208, %dma_start3A_209] : memref<2x10240x128xf32, #tpu.memory_space<hbm>> -> memref<1x640x128xf32, #tpu.memory_space<hbm>>
      %dma_start3A_211 = tpu.memref_squeeze %dma_start3A_210 : memref<1x640x128xf32, #tpu.memory_space<hbm>> -> memref<640x128xf32, #tpu.memory_space<hbm>>
      %dma_start3A_212 = arith.constant 0 : i32
      %dma_start3A_213 = tpu.memref_slice %arg6[%mul3A_206, %dma_start3A_212] : memref<10240x128xf32, #tpu.memory_space<vmem_shared>> -> memref<640x128xf32, #tpu.memory_space<vmem_shared>>
      tpu.enqueue_dma source(%dma_start3A_213 : memref<640x128xf32, #tpu.memory_space<vmem_shared>>) target(%dma_start3A_211 : memref<640x128xf32, #tpu.memory_space<hbm>>) target_semaphore(%run_scoped3A : memref<!tpu.dma_semaphore, #tpu.memory_space<semaphore_mem>>)
      %dma_wait3A_214 = arith.constant 0 : i32
      %dma_wait3A_215 = tpu.memref_slice %arg5[%arg0, %mul3A_208, %dma_wait3A_214] : memref<2x10240x128xf32, #tpu.memory_space<hbm>> -> memref<1x640x128xf32, #tpu.memory_space<hbm>>
      %dma_wait3A_216 = tpu.memref_squeeze %dma_wait3A_215 : memref<1x640x128xf32, #tpu.memory_space<hbm>> -> memref<640x128xf32, #tpu.memory_space<hbm>>
      %dma_wait3A_217 = arith.constant 0 : i32
      %dma_wait3A_218 = tpu.memref_slice %arg6[%mul3A_206, %dma_wait3A_217] : memref<10240x128xf32, #tpu.memory_space<vmem_shared>> -> memref<640x128xf32, #tpu.memory_space<vmem_shared>>
      tpu.wait_dma2 semaphore(%run_scoped3A : memref<!tpu.dma_semaphore, #tpu.memory_space<semaphore_mem>>) src(%dma_wait3A_218 : memref<640x128xf32, #tpu.memory_space<vmem_shared>>) dst(%dma_wait3A_216 : memref<640x128xf32, #tpu.memory_space<hbm>>)
      tpu.yield
    }) : () -> ()
    return
  }
}

</mosaic_0001>

<sc_bundles>
// kernel: kernel.12.cloned.1.call-start
scs
__scs_entry_jumppad:
0x0: {  	(pc) =	sbr.rel $0x88, $3  }
0x1: {  	(tag) =	ssettag $0x0;
	lr =	simm.s32 $0x1  }
0x2: {  	[smem:$0x3F9E] =	sst lr;
	_ =	strace $0xD0000000  }
0x3: {  	_ = 	snop  }
0x4: {  	_ = 	snop  }
0x5: {  	_ = 	snop  }
0x6: {  	_ = 	snop  }
0x7: {  	_ = 	snop  }
__scs_overlays_trampoline_lowered:
0x8: {  	[smem:$0x3FAD] =	sst s0  }
0x9: {  	[smem:$0x3FAE] =	sst s1  }
0xa: {  	[smem:$0x3FAF] =	sst s2  }
0xb: {  	[smem:$0x3FB0] =	sst s3  }
0xc: {  	[smem:$0x3FB1] =	sst s4  }
0xd: {  	[smem:$0x3FB2] =	sst s5  }
0xe: {  	[smem:$0x3FB3] =	sst s6  }
0xf: {  	[smem:$0x3FB4] =	sst s7  }
0x10: {  	[smem:$0x3FB5] =	sst s8  }
0x11: {  	[smem:$0x3FB6] =	sst s9;
	s0 =	simm.s32 @!p0 $0x0  }
0x12: {  	s1 =	sld [smem:$0x3F9C];
	s0 =	simm.s32 @p0 $0x1  }
0x13: {  	[smem:$0x3FB7] =	sst s0;
	s0 =	simm.s32 @!p1 $0x0  }
0x14: {  	s2 =	sld [smem:$0x3F9B];
	s0 =	simm.s32 @p1 $0x1  }
0x15: {  	[smem:$0x3FB8] =	sst s0;
	s0 =	simm.s32 @!p2 $0x0  }
0x16: {  	s3 =	sld [smem:$0x3FDB];
	s0 =	simm.s32 @p2 $0x1  }
0x17: {  	s4 =	simm.s32 $0x1BF5;
	[smem:$0x3FBA] =	sst s0  }
0x18: {  	s0 =	sld [smem:$0x3F9D];
	_ =	swait.ge [sflag:s4], $0x0  }
0x19: {  	s7 =	sld [smem:$0x3F9E]  }
0x1a: {  	s8 =	sadd.s32 $0xFFFFE003, lr  }
0x1b: {  	s9 =	sadd.s32 $0xFFFFFEF7, lr;
	s5 =	simm.s32 $0xFFFFFFFF;
	p2 =	slt.u32 s8, $0xFFFFF086  }
0x1c: {  	p1 =	slt.u32 s9, $0xF7A;
	s5 =	simm.s32 @!p2 $0x0  }
0x1d: {  	s5 =	simm.s32 @p1 $0x1;
	p0 =	seq.s32 s7, s2  }
0x1e: {  	s7 =	smul.u32 @!p0 $0xF7A, s2;
	p2 =	seq.s32 @!p0 s5, $0x0  }
0x1f: {  	s9 =	smul.u32 $0xF7A, s1;
	s8 =	simm.s32 @!p0 $0x1BF5;
	p2 =	por !p2, p0  }
0x20: {  	[sflag:s8] =	ssyncset.s32 @!p0 $0xFFFFF086;
	s6 =	sadd.s32 @!p0 s3, s7;
	s7 =	simm.s32 @!p0 $0x108  }
0x21: {  	s3 =	sadd.s32 s3, s9;
	s6 =	sadd.s32 @!p0 $0x88, s6;
	s7 =	simm.s32 @p2 $0x1082  }
0x22: {  	[simem:s7], [sflag:s8] =	dma.local @!p0 [hbm:s6], $0xF7A  }
0x23: {  	s9 =	sor.u32 $0xD0000000, s2;
	s6 =	simm.s32 $0x108;
	_ =	swait.ge @!p0 [sflag:s8], $0x0  }
0x24: {  	s3 =	sadd.s32 $0x88, s3;
	s6 =	simm.s32 @!p1 $0x1082;
	[sflag:s4] =	ssyncset.s32 $0xFFFFF086  }
0x25: {  	[simem:s6], [sflag:s4] =	dma.local [hbm:s3], $0xF7A  }
0x26: {  	[smem:$0x3F9E] =	sst s1;
	(tag) =	ssettag s2;
	_ =	strace s9  }
0x27: {  	s1 =	sld [smem:$0x3FAE]  }
0x28: {  	s2 =	sld [smem:$0x3FAF]  }
0x29: {  	s4 =	sld [smem:$0x3FB1]  }
0x2a: {  	p0 =	seq.s32 s5, $0x0;
	s5 =	sld [smem:$0x3FB2]  }
0x2b: {  	s6 =	sld [smem:$0x3FB3]  }
0x2c: {  	s7 =	sld [smem:$0x3FB4]  }
0x2d: {  	s3 =	simm.s32 $0x108;
	s8 =	sld [smem:$0x3FB5]  }
0x2e: {  	s3 =	simm.s32 @!p0 $0x1082;
	s9 =	sld [smem:$0x3FB6]  }
0x2f: {  	lr =	sadd.s32 s0, s3;
	s0 =	sld [smem:$0x3FAD]  }
0x30: {  	s3 =	sld [smem:$0x3FB0]  }
0x31: {  	[smem:$0x3FB9] =	sst s10  }
0x32: {  	s10 =	sld [smem:$0x3FB7];
	_ =	sdelay $0x3  }
0x33: {  	p0 =	seq.s32 s10, $0x1;
	s10 =	sld [smem:$0x3FB9];
	_ =	sdelay $0x3  }
0x34: {  	[smem:$0x3FB9] =	sst s10  }
0x35: {  	s10 =	sld [smem:$0x3FB8];
	_ =	sdelay $0x3  }
0x36: {  	p1 =	seq.s32 s10, $0x1;
	s10 =	sld [smem:$0x3FB9];
	_ =	sdelay $0x3  }
0x37: {  	[smem:$0x3FB9] =	sst s10  }
0x38: {  	s10 =	sld [smem:$0x3FBA]  }
0x39: {  	_ = 	snop;
	(pc) =	sbr.ind lr, $3  }
0x3a: {  	_ = 	snop  }
0x3b: {  	_ = 	snop  }
0x3c: {  	p2 =	seq.s32 s10, $0x1;
	s10 =	sld [smem:$0x3FB9]  }
0x3d: {  	_ =	shalt  }
0x3e: {  	_ =	shalt  }
0x3f: {  	_ =	shalt  }
0x40: {  	_ =	shalt  }
0x41: {  	_ =	shalt  }
0x42: {  	_ =	shalt  }
0x43: {  	_ =	shalt  }
0x44: {  	_ =	shalt  }
0x45: {  	_ =	shalt  }
0x46: {  	_ =	shalt  }
0x47: {  	_ =	shalt  }
0x48: {  	_ =	shalt  }
0x49: {  	_ =	shalt  }
0x4a: {  	_ =	shalt  }
0x4b: {  	_ =	shalt  }
0x4c: {  	_ =	shalt  }
0x4d: {  	_ =	shalt  }
0x4e: {  	_ =	shalt  }
0x4f: {  	_ =	shalt  }
0x50: {  	_ =	shalt  }
0x51: {  	_ =	shalt  }
0x52: {  	_ =	shalt  }
0x53: {  	_ =	shalt  }
0x54: {  	_ =	shalt  }
0x55: {  	_ =	shalt  }
0x56: {  	_ =	shalt  }
0x57: {  	_ =	shalt  }
0x58: {  	_ =	shalt  }
0x59: {  	_ =	shalt  }
0x5a: {  	_ =	shalt  }
0x5b: {  	_ =	shalt  }
0x5c: {  	_ =	shalt  }
0x5d: {  	_ =	shalt  }
0x5e: {  	_ =	shalt  }
0x5f: {  	_ =	shalt  }
0x60: {  	_ =	shalt  }
0x61: {  	_ =	shalt  }
0x62: {  	_ =	shalt  }
0x63: {  	_ =	shalt  }
0x64: {  	_ =	shalt  }
0x65: {  	_ =	shalt  }
0x66: {  	_ =	shalt  }
0x67: {  	_ =	shalt  }
0x68: {  	_ =	shalt  }
0x69: {  	_ =	shalt  }
0x6a: {  	_ =	shalt  }
0x6b: {  	_ =	shalt  }
0x6c: {  	_ =	shalt  }
0x6d: {  	_ =	shalt  }
0x6e: {  	_ =	shalt  }
0x6f: {  	_ =	shalt  }
0x70: {  	_ =	shalt  }
0x71: {  	_ =	shalt  }
0x72: {  	_ =	shalt  }
0x73: {  	_ =	shalt  }
0x74: {  	_ =	shalt  }
0x75: {  	_ =	shalt  }
0x76: {  	_ =	shalt  }
0x77: {  	_ =	shalt  }
0x78: {  	_ =	shalt  }
0x79: {  	_ =	shalt  }
0x7a: {  	_ =	shalt  }
0x7b: {  	_ =	shalt  }
0x7c: {  	_ =	shalt  }
0x7d: {  	_ =	shalt  }
0x7e: {  	_ =	shalt  }
0x7f: {  	_ =	shalt  }
0x80: {  	_ =	shalt  }
0x81: {  	_ =	shalt  }
0x82: {  	_ =	shalt  }
0x83: {  	_ =	shalt  }
0x84: {  	_ =	shalt  }
0x85: {  	_ =	shalt  }
0x86: {  	_ =	shalt  }
0x87: {  	_ =	shalt  }
.Lfunc_end0:
.L_simem_size_0:
called_computation.2_lowered:
.L_overlay_start_0:
0x88: {  	s2 =	sld [smem:$0x3FD9]  }
0x89: {  	s3 =	sld [smem:$0x3FFE];
	_ =	sdelay $0x1  }
0x8a: {  	s1 =	srdreg.scid  }
0x8b: {  	s0 =	sand.u32 $0x1, s1  }
0x8c: {  	s17 =	sshll.u32 s0, $0xA;
	s2 =	sadd.s32 s3, s2  }
0x8d: {  	s2 =	sadd.s32 s2, s17  }
0x8e: {  	[smem:$0x3FC5] =	sst s2  }
0x8f: {  	_ = 	snop  }
0x90: {  	s2 =	sld [smem:$0x3FD0];
	(tm) =	ssettm $0x1  }
0x91: {  	s18 =	sld [smem:$0x3FFB];
	_ =	sdelay $0x3  }
0x92: {  	_ =	strace s18  }
0x93: {  	s3 =	sld [smem:$0x3FFC];
	_ =	sdelay $0x3  }
0x94: {  	_ =	strace s3  }
0x95: {  	s3 =	sld [smem:$0x3FFD];
	_ =	sdelay $0x3  }
0x96: {  	_ =	strace s3  }
0x97: {  	_ =	strace $0x8FFFFFFF  }
0x98: {  	s19 =	sld [smem:$0x3FDB];
	_ =	sdelay $0x1  }
0x99: {  	s4 =	simm.s32 $_scs_section_size  }
0x9a: {  	s5 =	simm.s32 $_size__tile_overlayer_lowered;
	s6 =	simm.s32 $_tile_overlayer_lowered  }
0x9b: {  	s22 =	simm.s32 $0x1BFF;
	s21 =	sshll.u32 s6, $0x1;
	s3 =	sadd.s32 s4, s19  }
0x9c: {  	s7 =	simm.s32 $0x0;
	s20 =	sshll.u32 s5, $0x1;
	s5 =	sadd.s32 s21, s3  }
0x9d: {  	[timem:s7], [sflag:s22] =	dma.local [hbm:s5], s20  }
0x9e: {  	_ =	swait.ge [sflag:s22], s20  }
0x9f: {  	s4 =	ssub.s32 $0x0, s20;
	[sflag:s22] =	ssyncset.done $0x0  }
0xa0: {  	[sflag:s22] =	ssyncadd.s32 s4;
	_ =	sdelay $0x1  }
0xa1: {  	s23 =	simm.s32 $0x1B8B  }
0xa2: {  	_ =	swait.ge [sflag:s23], $0x1  }
0xa3: {  	[sflag:s23] =	ssyncset.done $0x0  }
0xa4: {  	s25 =	simm.s32 $0x1B8E;
	s24 =	sld [smem:$0x3FFE];
	[sflag:s23] =	ssyncadd.s32 $0xFFFFFFFF  }
0xa5: {  	s26 =	simm.s32 $execute0_lowered;
	[smem:$0x3FD2] =	sst s25  }
0xa6: {  	s5 =	sshll.u32 s26, $0x1;
	_ =	strace $0x8000004C;
	[dreg:$0x1] =	wrdreg $0xFFFFFFFF  }
0xa7: {  	s28 =	simm.s32 $_size_execute0_lowered;
	s3 =	sadd.s32 s3, s5;
	[dreg:$0x0] =	wrdreg $0x0  }
0xa8: {  	s5 =	sshll.u32 s28, $0x1;
	[dreg:$0x2] =	wrdreg s3  }
0xa9: {  	[dreg:$0x3] =	wrdreg s5  }
0xaa: {  	[dreg:$0x4] =	wrdreg $0xC0  }
0xab: {  	_ =	task [dreg:s7], $0x5FFFF  }
0xac: {  	[dreg:$0x1] =	wrdreg $0xFFFFFFFF  }
0xad: {  	[dreg:$0x0] =	wrdreg $0x60  }
0xae: {  	[dreg:$0x2] =	wrdreg s2  }
0xaf: {  	[dreg:$0x3] =	wrdreg s24  }
0xb0: {  	[dreg:$0x4] =	wrdreg $0x0  }
0xb1: {  	[dreg:$0x5] =	wrdreg $0x9  }
0xb2: {  	_ =	task.clear_ibuf [dreg:s7], $0x6FFFF;
	_ =	strace $0x9000004C  }
0xb3: {  	s29 =	simm.s32 $0x9;
	_ =	strace $0x8000004E  }
0xb4: {  	_ =	swait.ge [sflag:s29], $0x1  }
0xb5: {  	[sflag:s29] =	ssyncadd.s32 $0xFFFFFFFF  }
0xb6: {  	_ =	strace $0x9000004E  }
0xb7: {  	_ =	sfence  }
0xb8: {  	s30 =	sld [smem:$0x0];
	_ =	sdelay $0x2  }
0xb9: {  	s31 =	sshll.u32 s1, $0xD;
	s1 =	sshrl.u32 s1, $0x2  }
0xba: {  	s3 =	sand.u32 $0x4000, s31;
	s1 =	sadd.s32 s1, s30  }
0xbb: {  	s0 =	sor.u32 s3, s0;
	s1 =	sshll.u32 s1, $0x11  }
0xbc: {  	s0 =	sor.u32 s1, s0  }
0xbd: {  	s0 =	sadd.s32 $0x8F2B, s0  }
0xbe: {  	[sflag:s0] =	ssyncadd.remote.s32 $0x1  }
0xbf: {  	_ =	sfence.sel $0xFFFF  }
0xc0: {  	[dreg:$0x0] =	wrdreg $0xFFFFFFFF;
	(pc) =	sbr.abs _section_cstart, $3  }
0xc1: {  	[dreg:$0x1] =	wrdreg $0xFFFFFFFF  }
0xc2: {  	_ =	task.clear_ibuf [dreg:s7], $0x2FFFF;
	_ =	strace $0x9FFFFFFF  }
0xc3: {  	(tm) =	ssettm $0x7FFFFFFF  }
tec
execute0_lowered:
.L_overlay_start_1:
0x0: {  	(tag) =	ssettag $0x1  }
0x1: {  	s1 =	rddreg [dreg:$0x0]  }
0x2: {  	s0 =	srdreg.scid;
	s4 =	rddreg [dreg:$0x1]  }
0x3: {  	s7 =	stileid.u32;
	s3 =	rddreg [dreg:$0x2]  }
0x4: {  	s6 =	simm.s32 $0x0;
	s18 =	simm.s32 $0x1D700;
	s19 =	simm.s32 $0x14000  }
0x5: {  	s20 =	simm.s32 $0x7;
	s21 =	simm.s32 $0x16780;
	s22 =	simm.s32 $0x4  }
0x6: {  	s28 =	simm.s32 $0x1;
	s30 =	simm.s32 $0x2;
	s29 =	simm.s32 $0x5  }
0x7: {  	s31 =	simm.s32 $0x0;
	s0 =	sand.u32 $0x1, s0;
	s23 =	smul.u32 $0x14000, s7  }
0x8: {  	s2 =	sshll.u32 s7, $0x1;
	[smem:$0x7FF] =	sst s6;
	s7 =	smul.u32 $0x50000, s7  }
0x9: {  	s2 =	sor.u32 s0, s2;
	s5 =	smul.u32 $0x140000, s0;
	s0 =	ssub.s32 $0x2, s0  }
0xa: {  	_ =	strace $0x8000004D;
	s2 =	smul.u32 $0x4E3, s2;
	s24 =	sshrl.u32 s0, $0x1  }
0xb: {  	s7 =	sshrl.u32 s7, $0x2;
	s5 =	sadd.s32 s23, s5;
	s0 =	ssub.s32 s0, s24  }
0xc: {  	s23 =	simm.s32 $0x48;
	s24 =	simm.s32 $0x18F00;
	s2 =	sadd.s32 s2, s4  }
0xd: {  	s5 =	sshrl.u32 s5, $0x3;
	s17 =	smax.u32 s0, $0x1;
	s0 =	simm.s32 $0x3  }
0xe: {  	s4 =	sadd.s32 s5, s4;
	s5 =	sadd.s32 s7, s3;
	s14 =	sadd.s32 $0xBC00, s2  }
.Ltmp0:
0xf: {  	s15 =	sadd.s32 $0x1E00, s2;
	s2 =	simm.s32 $0x6;
	(pc) =	sbr.rel .LBB2_1-.Ltmp0, $4  }
0x10: {  	s25 =	sadd.s32 $0x2400, s5;
	s26 =	sadd.s32 $0x4800, s5;
	s8 =	sadd.s32 $0x6C00, s5  }
0x11: {  	s9 =	sadd.s32 $0x9000, s5;
	s10 =	sadd.s32 $0xB400, s5;
	s11 =	sadd.s32 $0xD800, s5  }
0x12: {  	s12 =	sadd.s32 $0xFC00, s5;
	s13 =	sadd.s32 $0x12000, s5;
	[dreg:$0x4] =	wrdreg s25  }
0x13: {  	v0 =	vimm.f32 $0.0e+00;
	s16 =	sadd.s32 $0x3D800, s4;
	[dreg:$0x5] =	wrdreg s26;
	s26 =	simm.s32 $0x1B300  }
.LBB2_6:
0x14: {  	_ =	swait.ge [sflag:s28], $0x2400  }
0x15: {  	[sflag:s28] =	ssyncset.done $0x0  }
0x16: {  	s4 =	simm.s32 $0x18E50;
	[sflag:s28] =	ssyncadd.s32 $0xFFFFDC00  }
0x17: {  	[spmem:s3] =	stream.indirect.scatter.add.f32 [tilespmem:s24], [sflag:$0x4], $0x80, s4, s23, $0xb8;
	[tilespmem:$0x1FB00] =	vst v63  }
0x18: {  	_ =	swait.ge [sflag:s22], $0x2400  }
0x19: {  	[sflag:s22] =	ssyncset.done $0x0  }
0x1a: {  	[sflag:s22] =	ssyncadd.s32 $0xFFFFDC00  }
0x1b: {  	_ =	swait.ge [sflag:s29], $0x2400  }
0x1c: {  	[sflag:s29] =	ssyncset.done $0x0  }
0x1d: {  	[sflag:s29] =	ssyncadd.s32 $0xFFFFDC00  }
0x1e: {  	s25 =	stileid.u32;
	_ =	swait.ge [sflag:s2], $0x2400  }
0x1f: {  	s6 =	sshrl.u32 s5, $0x3;
	s31 =	sadd.s32 $0x1, s31;
	[sflag:s2] =	ssyncset.done $0x0  }
0x20: {  	p0 =	sne.s32 s31, s17;
	s4 =	sshll.u32 s25, $0x6;
	[sflag:s2] =	ssyncadd.s32 $0xFFFFDC00  }
.Ltmp1:
0x21: {  	s4 =	sor.u32 $0x1C07, s4;
	[bflag:$0x0] =	sbarrier.arrive $0xFFFF;
	(pc) =	sbr.rel @!p0 .LBB2_7-.Ltmp1, $4  }
0x22: {  	[hbm:s16], [sflag:s4] =	dma.local [spmem:s6], $0x2800  }
0x23: {  	_ =	swait.ge [sflag:s20], $0x2800  }
0x24: {  	[sflag:s20] =	ssyncset.done $0x0  }
0x25: {  	[sflag:s20] =	ssyncadd.s32 $0xFFFFD800  }
.LBB2_1:
0x26: {  	s6 =	simm.s32 $0x0  }
0x27: {  	s4 =	sand.u32 $0xFE00, s6  }
0x28: {  	s6 =	sand.u32 $0x70, s6;
	s25 =	sshrl.u32 s4, $0x2  }
0x29: {  	s4 =	simm.s32 $0x40;
	s6 =	sor.u32 s6, s25;
	s25 =	simm.s32 $0x0  }
.LBB2_2:
0x2a: {  	p0 =	sne.s32 s4, $0x8FC0  }
0x2b: {  	[tilespmem:s6+$0x1D700] =	vst v0;
	s25 =	sadd.s32 $0x10, s25;
	s6 =	smov.u32 s4;
	s4 =	sadd.s32 $0x40, s4  }
.Ltmp2:
0x2c: {  	(pc) =	sbr.rel @p0 .LBB2_2-.Ltmp2, $4  }
0x2d: {  	_ = 	snop  }
0x2e: {  	s6 =	sand.u32 $0xFE00, s6  }
0x2f: {  	s7 =	sand.u32 $0x70, s25;
	s6 =	sshrl.u32 s6, $0x2  }
0x30: {  	s6 =	sor.u32 s7, s6  }
0x31: {  	[tilespmem:s6+$0x1D700] =	vst v0  }
0x32: {  	[spmem:s5] =	stream.linear.scatter [tilespmem:s18], [sflag:$0x4], $0x2400, $0x38;
	[tilespmem:$0x1FB00] =	vst v63  }
0x33: {  	s4 =	rddreg [dreg:$0x4]  }
0x34: {  	[spmem:s4] =	stream.linear.scatter [tilespmem:s18], [sflag:$0x4], $0x2400, $0x38;
	[tilespmem:$0x1FB00] =	vst v63  }
0x35: {  	s25 =	rddreg [dreg:$0x5]  }
0x36: {  	[spmem:s25] =	stream.linear.scatter [tilespmem:s18], [sflag:$0x4], $0x2400, $0x38;
	[tilespmem:$0x1FB00] =	vst v63  }
0x37: {  	_ = 	snop  }
0x38: {  	[spmem:s8] =	stream.linear.scatter [tilespmem:s18], [sflag:$0x4], $0x2400, $0x38;
	[tilespmem:$0x1FB00] =	vst v63  }
0x39: {  	_ = 	snop  }
0x3a: {  	[spmem:s9] =	stream.linear.scatter [tilespmem:s18], [sflag:$0x4], $0x2400, $0x38;
	[tilespmem:$0x1FB00] =	vst v63  }
0x3b: {  	_ = 	snop  }
0x3c: {  	[spmem:s10] =	stream.linear.scatter [tilespmem:s18], [sflag:$0x4], $0x2400, $0x38;
	[tilespmem:$0x1FB00] =	vst v63  }
0x3d: {  	_ = 	snop  }
0x3e: {  	[spmem:s11] =	stream.linear.scatter [tilespmem:s18], [sflag:$0x4], $0x2400, $0x38;
	[tilespmem:$0x1FB00] =	vst v63  }
0x3f: {  	_ = 	snop  }
0x40: {  	[spmem:s12] =	stream.linear.scatter [tilespmem:s18], [sflag:$0x4], $0x2400, $0x38;
	[tilespmem:$0x1FB00] =	vst v63  }
0x41: {  	_ = 	snop  }
0x42: {  	[spmem:s13] =	stream.linear.scatter [tilespmem:s18], [sflag:$0x4], $0x2000, $0x38;
	[tilespmem:$0x1FB00] =	vst v63  }
0x43: {  	s25 =	simm.s32 $0x0  }
0x44: {  	[tilespmem:s19], [sflag:$0x7] =	stream.linear.gather [hbm4b:s14+s25], $0x2718, $0x38;
	[tilespmem:$0x1FB00] =	vst v63  }
0x45: {  	_ =	swait.ge [sflag:s20], $0x2718  }
0x46: {  	[sflag:s20] =	ssyncset.done $0x0  }
0x47: {  	[sflag:s20] =	ssyncadd.s32 $0xFFFFD8E8  }
0x48: {  	[tilespmem:s21], [sflag:$0x7] =	stream.linear.gather [hbm4b:s15+s25], $0x2718, $0x38;
	[tilespmem:$0x1FB00] =	vst v63  }
0x49: {  	_ =	swait.ge [sflag:s20], $0x2718  }
0x4a: {  	[sflag:s20] =	ssyncset.done $0x0  }
0x4b: {  	[sflag:s20] =	ssyncadd.s32 $0xFFFFD8E8  }
0x4c: {  	_ =	swait.ge [sflag:s22], $0x2400  }
0x4d: {  	[sflag:s22] =	ssyncset.done $0x0  }
0x4e: {  	[sflag:s22] =	ssyncadd.s32 $0xFFFFDC00  }
0x4f: {  	_ =	swait.ge [sflag:s22], $0x2400  }
0x50: {  	[sflag:s22] =	ssyncset.done $0x0  }
0x51: {  	[sflag:s22] =	ssyncadd.s32 $0xFFFFDC00  }
0x52: {  	_ =	swait.ge [sflag:s22], $0x2400  }
0x53: {  	[sflag:s22] =	ssyncset.done $0x0  }
0x54: {  	[sflag:s22] =	ssyncadd.s32 $0xFFFFDC00  }
0x55: {  	_ =	swait.ge [sflag:s22], $0x2400  }
0x56: {  	[sflag:s22] =	ssyncset.done $0x0  }
0x57: {  	[sflag:s22] =	ssyncadd.s32 $0xFFFFDC00  }
0x58: {  	_ =	swait.ge [sflag:s22], $0x2400  }
0x59: {  	[sflag:s22] =	ssyncset.done $0x0  }
0x5a: {  	[sflag:s22] =	ssyncadd.s32 $0xFFFFDC00  }
0x5b: {  	_ =	swait.ge [sflag:s22], $0x2400  }
0x5c: {  	[sflag:s22] =	ssyncset.done $0x0  }
0x5d: {  	[sflag:s22] =	ssyncadd.s32 $0xFFFFDC00  }
0x5e: {  	_ =	swait.ge [sflag:s22], $0x2400  }
0x5f: {  	[sflag:s22] =	ssyncset.done $0x0  }
0x60: {  	[sflag:s22] =	ssyncadd.s32 $0xFFFFDC00  }
0x61: {  	_ =	swait.ge [sflag:s22], $0x2400  }
0x62: {  	[sflag:s22] =	ssyncset.done $0x0  }
0x63: {  	[sflag:s22] =	ssyncadd.s32 $0xFFFFDC00  }
0x64: {  	_ =	swait.ge [sflag:s22], $0x2000  }
0x65: {  	[sflag:s22] =	ssyncset.done $0x0  }
0x66: {  	[sflag:s22] =	ssyncadd.s32 $0xFFFFE000  }
0x67: {  	[bflag:$0x0] =	sbarrier.arrive $0xFFFF  }
0x68: {  	[tilespmem:s24], [sflag:$0x1] =	stream.indirect.gather [hbm4b:s1+s23], $0x80, s19, s23, $0xb8;
	[tilespmem:$0x1FB00] =	vst v63  }
0x69: {  	s6 =	simm.s32 $0x14048  }
0x6a: {  	[tilespmem:s26], [sflag:$0x2] =	stream.indirect.gather [hbm4b:s1+s23], $0x80, s6, s23, $0xb8;
	[tilespmem:$0x1FB00] =	vst v63  }
0x6b: {  	_ =	swait.ge [sflag:s28], $0x2400  }
0x6c: {  	[sflag:s28] =	ssyncset.done $0x0  }
0x6d: {  	[sflag:s28] =	ssyncadd.s32 $0xFFFFDC00  }
0x6e: {  	[spmem:s3] =	stream.indirect.scatter.add.f32 [tilespmem:s24], [sflag:$0x4], $0x80, s21, s23, $0xb8;
	[tilespmem:$0x1FB00] =	vst v63  }
0x6f: {  	s7 =	simm.s32 $0x14090  }
0x70: {  	[tilespmem:s18], [sflag:$0x3] =	stream.indirect.gather [hbm4b:s1+s23], $0x80, s7, s23, $0xb8;
	[tilespmem:$0x1FB00] =	vst v63  }
0x71: {  	_ =	swait.ge [sflag:s30], $0x2400  }
0x72: {  	[sflag:s30] =	ssyncset.done $0x0  }
0x73: {  	s6 =	simm.s32 $0x167C8;
	[sflag:s30] =	ssyncadd.s32 $0xFFFFDC00  }
0x74: {  	[spmem:s3] =	stream.indirect.scatter.add.f32 [tilespmem:s26], [sflag:$0x5], $0x80, s6, s23, $0xb8;
	[tilespmem:$0x1FB00] =	vst v63  }
0x75: {  	_ =	swait.ge [sflag:s22], $0x2400  }
0x76: {  	[sflag:s22] =	ssyncset.done $0x0  }
0x77: {  	s7 =	simm.s32 $0x140D8;
	[sflag:s22] =	ssyncadd.s32 $0xFFFFDC00  }
0x78: {  	[tilespmem:s24], [sflag:$0x1] =	stream.indirect.gather [hbm4b:s1+s23], $0x80, s7, s23, $0xb8;
	[tilespmem:$0x1FB00] =	vst v63  }
0x79: {  	_ =	swait.ge [sflag:s0], $0x2400  }
0x7a: {  	[sflag:s0] =	ssyncset.done $0x0  }
0x7b: {  	s6 =	simm.s32 $0x16810;
	[sflag:s0] =	ssyncadd.s32 $0xFFFFDC00  }
0x7c: {  	[spmem:s3] =	stream.indirect.scatter.add.f32 [tilespmem:s18], [sflag:$0x6], $0x80, s6, s23, $0xb8;
	[tilespmem:$0x1FB00] =	vst v63  }
0x7d: {  	_ =	swait.ge [sflag:s29], $0x2400  }
0x7e: {  	[sflag:s29] =	ssyncset.done $0x0  }
0x7f: {  	s7 =	simm.s32 $0x14120;
	[sflag:s29] =	ssyncadd.s32 $0xFFFFDC00  }
0x80: {  	[tilespmem:s26], [sflag:$0x2] =	stream.indirect.gather [hbm4b:s1+s23], $0x80, s7, s23, $0xb8;
	[tilespmem:$0x1FB00] =	vst v63  }
.LBB2_4:
0x81: {  	_ =	swait.ge [sflag:s28], $0x2400  }
0x82: {  	s4 =	sshra.s32 s25, $0x2;
	[sflag:s28] =	ssyncset.done $0x0  }
0x83: {  	s6 =	sadd.s32 $0x16858, s4;
	[sflag:s28] =	ssyncadd.s32 $0xFFFFDC00  }
0x84: {  	[spmem:s3] =	stream.indirect.scatter.add.f32 [tilespmem:s24], [sflag:$0x4], $0x80, s6, s23, $0xb8;
	[tilespmem:$0x1FB00] =	vst v63  }
0x85: {  	_ =	swait.ge [sflag:s2], $0x2400  }
0x86: {  	[sflag:s2] =	ssyncset.done $0x0  }
0x87: {  	s7 =	sadd.s32 $0x14168, s4;
	[sflag:s2] =	ssyncadd.s32 $0xFFFFDC00  }
0x88: {  	[tilespmem:s18], [sflag:$0x3] =	stream.indirect.gather [hbm4b:s1+s23], $0x80, s7, s23, $0xb8;
	[tilespmem:$0x1FB00] =	vst v63  }
0x89: {  	_ =	swait.ge [sflag:s30], $0x2400  }
0x8a: {  	[sflag:s30] =	ssyncset.done $0x0  }
0x8b: {  	s7 =	sadd.s32 $0x168A0, s4;
	[sflag:s30] =	ssyncadd.s32 $0xFFFFDC00  }
0x8c: {  	[spmem:s3] =	stream.indirect.scatter.add.f32 [tilespmem:s26], [sflag:$0x5], $0x80, s7, s23, $0xb8;
	[tilespmem:$0x1FB00] =	vst v63  }
0x8d: {  	_ =	swait.ge [sflag:s22], $0x2400  }
0x8e: {  	[sflag:s22] =	ssyncset.done $0x0  }
0x8f: {  	p0 =	seq.s32 s25, $0x9480;
	s7 =	sadd.s32 $0x141B0, s4;
	[sflag:s22] =	ssyncadd.s32 $0xFFFFDC00  }
0x90: {  	[tilespmem:s24], [sflag:$0x1] =	stream.indirect.gather [hbm4b:s1+s23], $0x80, s7, s23, $0xb8;
	[tilespmem:$0x1FB00] =	vst v63  }
.Ltmp3:
0x91: {  	_ = 	snop;
	(pc) =	sbr.rel @p0 .LBB2_6-.Ltmp3, $4  }
0x92: {  	_ =	swait.ge [sflag:s0], $0x2400  }
0x93: {  	[sflag:s0] =	ssyncset.done $0x0  }
0x94: {  	s7 =	sadd.s32 $0x168E8, s4;
	[sflag:s0] =	ssyncadd.s32 $0xFFFFDC00  }
0x95: {  	[spmem:s3] =	stream.indirect.scatter.add.f32 [tilespmem:s18], [sflag:$0x6], $0x80, s7, s23, $0xb8;
	[tilespmem:$0x1FB00] =	vst v63  }
.Ltmp4:
0x96: {  	(pc) =	sbr.rel .LBB2_4-.Ltmp4, $4  }
0x97: {  	_ =	swait.ge [sflag:s29], $0x2400  }
0x98: {  	[sflag:s29] =	ssyncset.done $0x0  }
0x99: {  	s4 =	sadd.s32 $0x141F8, s4;
	s25 =	sadd.s32 $0x360, s25;
	[sflag:s29] =	ssyncadd.s32 $0xFFFFDC00  }
0x9a: {  	[tilespmem:s26], [sflag:$0x2] =	stream.indirect.gather [hbm4b:s1+s23], $0x80, s4, s23, $0xb8;
	[tilespmem:$0x1FB00] =	vst v63  }
.LBB2_7:
0x9b: {  	_ =	sfence.sel $0x180000  }
0x9c: {  	[bflag:$0x0] =	sbarrier.arrive $0xFFFF  }
0x9d: {  	_ =	strace $0x9000004D  }
0x9e: {  	s0 =	stileid.u32;
	[bflag:$0x2] =	sbarrier.arrive $0xFFFF  }
0x9f: {  	p0 =	sne.s32 s0, $0x0;
	s0 =	rddreg [dreg:$0x3]  }
0xa0: {  	s0 =	sadd.s32 @!p0 $0x100000, s0  }
0xa1: {  	[sflag:s0] =	ssyncadd.tile.s32 @!p0 $0x1;
	_ =	shalt  }
.Lfunc_end2:
_tile_overlayer_lowered:
.L_overlay_start_2:
0xa2: {  	(tag) =	ssettag $0x2  }
0xa3: {  	s0 =	rddreg [dreg:$0x0];
	s2 =	stileid.u32  }
0xa4: {  	s1 =	rddreg [dreg:$0x1];
	p0 =	sne.s32 s2, $0x0  }
0xa5: {  	s3 =	rddreg [dreg:$0x2];
	[bflag:$0x3] =	sbarrier.arrive $0xFFFF;
	s2 =	simm.s32 @!p0 $0x1C07  }
0xa6: {  	[timem:s3], [sflag:s2] =	dma.local @!p0 [hbm:s0], s1  }
0xa7: {  	s0 =	simm.s32 @!p0 $0x7  }
0xa8: {  	_ =	swait.ge @!p0 [sflag:s0], s1  }
0xa9: {  	s1 =	ssub.s32 @!p0 $0x0, s1;
	[sflag:s0] =	ssyncset.done @!p0 $0x0  }
0xaa: {  	[sflag:s0] =	ssyncadd.s32 @!p0 s1  }
0xab: {  	[bflag:$0x3] =	sbarrier.arrive $0xFFFF  }
0xac: {  	_ =	shalt  }

// kernel: kernel.15.cloned.1.call-start
scs
__scs_entry_jumppad:
0x0: {  	(pc) =	sbr.rel $0x88, $3  }
0x1: {  	(tag) =	ssettag $0x0;
	lr =	simm.s32 $0x1  }
0x2: {  	[smem:$0x3F9E] =	sst lr;
	_ =	strace $0xD0000000  }
0x3: {  	_ = 	snop  }
0x4: {  	_ = 	snop  }
0x5: {  	_ = 	snop  }
0x6: {  	_ = 	snop  }
0x7: {  	_ = 	snop  }
__scs_overlays_trampoline_lowered:
0x8: {  	[smem:$0x3FAD] =	sst s0  }
0x9: {  	[smem:$0x3FAE] =	sst s1  }
0xa: {  	[smem:$0x3FAF] =	sst s2  }
0xb: {  	[smem:$0x3FB0] =	sst s3  }
0xc: {  	[smem:$0x3FB1] =	sst s4  }
0xd: {  	[smem:$0x3FB2] =	sst s5  }
0xe: {  	[smem:$0x3FB3] =	sst s6  }
0xf: {  	[smem:$0x3FB4] =	sst s7  }
0x10: {  	[smem:$0x3FB5] =	sst s8  }
0x11: {  	[smem:$0x3FB6] =	sst s9;
	s0 =	simm.s32 @!p0 $0x0  }
0x12: {  	s1 =	sld [smem:$0x3F9C];
	s0 =	simm.s32 @p0 $0x1  }
0x13: {  	[smem:$0x3FB7] =	sst s0;
	s0 =	simm.s32 @!p1 $0x0  }
0x14: {  	s2 =	sld [smem:$0x3F9B];
	s0 =	simm.s32 @p1 $0x1  }
0x15: {  	[smem:$0x3FB8] =	sst s0;
	s0 =	simm.s32 @!p2 $0x0  }
0x16: {  	s3 =	sld [smem:$0x3FDB];
	s0 =	simm.s32 @p2 $0x1  }
0x17: {  	s4 =	simm.s32 $0x1BF5;
	[smem:$0x3FBA] =	sst s0  }
0x18: {  	s0 =	sld [smem:$0x3F9D];
	_ =	swait.ge [sflag:s4], $0x0  }
0x19: {  	s7 =	sld [smem:$0x3F9E]  }
0x1a: {  	s8 =	sadd.s32 $0xFFFFE003, lr  }
0x1b: {  	s9 =	sadd.s32 $0xFFFFFEF7, lr;
	s5 =	simm.s32 $0xFFFFFFFF;
	p2 =	slt.u32 s8, $0xFFFFF086  }
0x1c: {  	p1 =	slt.u32 s9, $0xF7A;
	s5 =	simm.s32 @!p2 $0x0  }
0x1d: {  	s5 =	simm.s32 @p1 $0x1;
	p0 =	seq.s32 s7, s2  }
0x1e: {  	s7 =	smul.u32 @!p0 $0xF7A, s2;
	p2 =	seq.s32 @!p0 s5, $0x0  }
0x1f: {  	s9 =	smul.u32 $0xF7A, s1;
	s8 =	simm.s32 @!p0 $0x1BF5;
	p2 =	por !p2, p0  }
0x20: {  	[sflag:s8] =	ssyncset.s32 @!p0 $0xFFFFF086;
	s6 =	sadd.s32 @!p0 s3, s7;
	s7 =	simm.s32 @!p0 $0x108  }
0x21: {  	s3 =	sadd.s32 s3, s9;
	s6 =	sadd.s32 @!p0 $0x88, s6;
	s7 =	simm.s32 @p2 $0x1082  }
0x22: {  	[simem:s7], [sflag:s8] =	dma.local @!p0 [hbm:s6], $0xF7A  }
0x23: {  	s9 =	sor.u32 $0xD0000000, s2;
	s6 =	simm.s32 $0x108;
	_ =	swait.ge @!p0 [sflag:s8], $0x0  }
0x24: {  	s3 =	sadd.s32 $0x88, s3;
	s6 =	simm.s32 @!p1 $0x1082;
	[sflag:s4] =	ssyncset.s32 $0xFFFFF086  }
0x25: {  	[simem:s6], [sflag:s4] =	dma.local [hbm:s3], $0xF7A  }
0x26: {  	[smem:$0x3F9E] =	sst s1;
	(tag) =	ssettag s2;
	_ =	strace s9  }
0x27: {  	s1 =	sld [smem:$0x3FAE]  }
0x28: {  	s2 =	sld [smem:$0x3FAF]  }
0x29: {  	s4 =	sld [smem:$0x3FB1]  }
0x2a: {  	p0 =	seq.s32 s5, $0x0;
	s5 =	sld [smem:$0x3FB2]  }
0x2b: {  	s6 =	sld [smem:$0x3FB3]  }
0x2c: {  	s7 =	sld [smem:$0x3FB4]  }
0x2d: {  	s3 =	simm.s32 $0x108;
	s8 =	sld [smem:$0x3FB5]  }
0x2e: {  	s3 =	simm.s32 @!p0 $0x1082;
	s9 =	sld [smem:$0x3FB6]  }
0x2f: {  	lr =	sadd.s32 s0, s3;
	s0 =	sld [smem:$0x3FAD]  }
0x30: {  	s3 =	sld [smem:$0x3FB0]  }
0x31: {  	[smem:$0x3FB9] =	sst s10  }
0x32: {  	s10 =	sld [smem:$0x3FB7];
	_ =	sdelay $0x3  }
0x33: {  	p0 =	seq.s32 s10, $0x1;
	s10 =	sld [smem:$0x3FB9];
	_ =	sdelay $0x3  }
0x34: {  	[smem:$0x3FB9] =	sst s10  }
0x35: {  	s10 =	sld [smem:$0x3FB8];
	_ =	sdelay $0x3  }
0x36: {  	p1 =	seq.s32 s10, $0x1;
	s10 =	sld [smem:$0x3FB9];
	_ =	sdelay $0x3  }
0x37: {  	[smem:$0x3FB9] =	sst s10  }
0x38: {  	s10 =	sld [smem:$0x3FBA]  }
0x39: {  	_ = 	snop;
	(pc) =	sbr.ind lr, $3  }
0x3a: {  	_ = 	snop  }
0x3b: {  	_ = 	snop  }
0x3c: {  	p2 =	seq.s32 s10, $0x1;
	s10 =	sld [smem:$0x3FB9]  }
0x3d: {  	_ =	shalt  }
0x3e: {  	_ =	shalt  }
0x3f: {  	_ =	shalt  }
0x40: {  	_ =	shalt  }
0x41: {  	_ =	shalt  }
0x42: {  	_ =	shalt  }
0x43: {  	_ =	shalt  }
0x44: {  	_ =	shalt  }
0x45: {  	_ =	shalt  }
0x46: {  	_ =	shalt  }
0x47: {  	_ =	shalt  }
0x48: {  	_ =	shalt  }
0x49: {  	_ =	shalt  }
0x4a: {  	_ =	shalt  }
0x4b: {  	_ =	shalt  }
0x4c: {  	_ =	shalt  }
0x4d: {  	_ =	shalt  }
0x4e: {  	_ =	shalt  }
0x4f: {  	_ =	shalt  }
0x50: {  	_ =	shalt  }
0x51: {  	_ =	shalt  }
0x52: {  	_ =	shalt  }
0x53: {  	_ =	shalt  }
0x54: {  	_ =	shalt  }
0x55: {  	_ =	shalt  }
0x56: {  	_ =	shalt  }
0x57: {  	_ =	shalt  }
0x58: {  	_ =	shalt  }
0x59: {  	_ =	shalt  }
0x5a: {  	_ =	shalt  }
0x5b: {  	_ =	shalt  }
0x5c: {  	_ =	shalt  }
0x5d: {  	_ =	shalt  }
0x5e: {  	_ =	shalt  }
0x5f: {  	_ =	shalt  }
0x60: {  	_ =	shalt  }
0x61: {  	_ =	shalt  }
0x62: {  	_ =	shalt  }
0x63: {  	_ =	shalt  }
0x64: {  	_ =	shalt  }
0x65: {  	_ =	shalt  }
0x66: {  	_ =	shalt  }
0x67: {  	_ =	shalt  }
0x68: {  	_ =	shalt  }
0x69: {  	_ =	shalt  }
0x6a: {  	_ =	shalt  }
0x6b: {  	_ =	shalt  }
0x6c: {  	_ =	shalt  }
0x6d: {  	_ =	shalt  }
0x6e: {  	_ =	shalt  }
0x6f: {  	_ =	shalt  }
0x70: {  	_ =	shalt  }
0x71: {  	_ =	shalt  }
0x72: {  	_ =	shalt  }
0x73: {  	_ =	shalt  }
0x74: {  	_ =	shalt  }
0x75: {  	_ =	shalt  }
0x76: {  	_ =	shalt  }
0x77: {  	_ =	shalt  }
0x78: {  	_ =	shalt  }
0x79: {  	_ =	shalt  }
0x7a: {  	_ =	shalt  }
0x7b: {  	_ =	shalt  }
0x7c: {  	_ =	shalt  }
0x7d: {  	_ =	shalt  }
0x7e: {  	_ =	shalt  }
0x7f: {  	_ =	shalt  }
0x80: {  	_ =	shalt  }
0x81: {  	_ =	shalt  }
0x82: {  	_ =	shalt  }
0x83: {  	_ =	shalt  }
0x84: {  	_ =	shalt  }
0x85: {  	_ =	shalt  }
0x86: {  	_ =	shalt  }
0x87: {  	_ =	shalt  }
.Lfunc_end0:
.L_simem_size_0:
called_computation.3_lowered:
.L_overlay_start_0:
0x88: {  	s2 =	sld [smem:$0x3FD9]  }
0x89: {  	s3 =	sld [smem:$0x3FFE];
	_ =	sdelay $0x1  }
0x8a: {  	s1 =	srdreg.scid  }
0x8b: {  	s0 =	sand.u32 $0x1, s1  }
0x8c: {  	s17 =	sshll.u32 s0, $0xA;
	s2 =	sadd.s32 s3, s2  }
0x8d: {  	s2 =	sadd.s32 s2, s17  }
0x8e: {  	[smem:$0x3FC5] =	sst s2  }
0x8f: {  	_ = 	snop  }
0x90: {  	s2 =	sld [smem:$0x3FD0];
	(tm) =	ssettm $0x1  }
0x91: {  	s18 =	sld [smem:$0x3FFB];
	_ =	sdelay $0x3  }
0x92: {  	_ =	strace s18  }
0x93: {  	s3 =	sld [smem:$0x3FFC];
	_ =	sdelay $0x3  }
0x94: {  	_ =	strace s3  }
0x95: {  	s3 =	sld [smem:$0x3FFD];
	_ =	sdelay $0x3  }
0x96: {  	_ =	strace s3  }
0x97: {  	_ =	strace $0x8FFFFFFF  }
0x98: {  	s19 =	sld [smem:$0x3FDB];
	_ =	sdelay $0x1  }
0x99: {  	s4 =	simm.s32 $_scs_section_size  }
0x9a: {  	s5 =	simm.s32 $_size__tile_overlayer_lowered;
	s6 =	simm.s32 $_tile_overlayer_lowered  }
0x9b: {  	s22 =	simm.s32 $0x1BFF;
	s21 =	sshll.u32 s6, $0x1;
	s3 =	sadd.s32 s4, s19  }
0x9c: {  	s7 =	simm.s32 $0x0;
	s20 =	sshll.u32 s5, $0x1;
	s5 =	sadd.s32 s21, s3  }
0x9d: {  	[timem:s7], [sflag:s22] =	dma.local [hbm:s5], s20  }
0x9e: {  	_ =	swait.ge [sflag:s22], s20  }
0x9f: {  	s4 =	ssub.s32 $0x0, s20;
	[sflag:s22] =	ssyncset.done $0x0  }
0xa0: {  	[sflag:s22] =	ssyncadd.s32 s4;
	_ =	sdelay $0x1  }
0xa1: {  	s23 =	simm.s32 $0x1B8B  }
0xa2: {  	_ =	swait.ge [sflag:s23], $0x1  }
0xa3: {  	[sflag:s23] =	ssyncset.done $0x0  }
0xa4: {  	s25 =	simm.s32 $0x1B8E;
	s24 =	sld [smem:$0x3FFE];
	[sflag:s23] =	ssyncadd.s32 $0xFFFFFFFF  }
0xa5: {  	s26 =	simm.s32 $execute0_lowered;
	[smem:$0x3FD2] =	sst s25  }
0xa6: {  	s5 =	sshll.u32 s26, $0x1;
	_ =	strace $0x8000004F;
	[dreg:$0x1] =	wrdreg $0xFFFFFFFF  }
0xa7: {  	s28 =	simm.s32 $_size_execute0_lowered;
	s3 =	sadd.s32 s3, s5;
	[dreg:$0x0] =	wrdreg $0x0  }
0xa8: {  	s5 =	sshll.u32 s28, $0x1;
	[dreg:$0x2] =	wrdreg s3  }
0xa9: {  	[dreg:$0x3] =	wrdreg s5  }
0xaa: {  	[dreg:$0x4] =	wrdreg $0xC0  }
0xab: {  	_ =	task [dreg:s7], $0x5FFFF  }
0xac: {  	[dreg:$0x1] =	wrdreg $0xFFFFFFFF  }
0xad: {  	[dreg:$0x0] =	wrdreg $0x60  }
0xae: {  	[dreg:$0x2] =	wrdreg s24  }
0xaf: {  	[dreg:$0x3] =	wrdreg s2  }
0xb0: {  	[dreg:$0x4] =	wrdreg $0x0  }
0xb1: {  	[dreg:$0x5] =	wrdreg $0x9  }
0xb2: {  	_ =	task.clear_ibuf [dreg:s7], $0x6FFFF;
	_ =	strace $0x9000004F  }
0xb3: {  	s29 =	simm.s32 $0x9;
	_ =	strace $0x80000051  }
0xb4: {  	_ =	swait.ge [sflag:s29], $0x1  }
0xb5: {  	[sflag:s29] =	ssyncadd.s32 $0xFFFFFFFF  }
0xb6: {  	_ =	strace $0x90000051  }
0xb7: {  	_ =	sfence  }
0xb8: {  	s30 =	sld [smem:$0x0];
	_ =	sdelay $0x2  }
0xb9: {  	s31 =	sshll.u32 s1, $0xD;
	s1 =	sshrl.u32 s1, $0x2  }
0xba: {  	s3 =	sand.u32 $0x4000, s31;
	s1 =	sadd.s32 s1, s30  }
0xbb: {  	s0 =	sor.u32 s3, s0;
	s1 =	sshll.u32 s1, $0x11  }
0xbc: {  	s0 =	sor.u32 s1, s0  }
0xbd: {  	s0 =	sadd.s32 $0x8F2B, s0  }
0xbe: {  	[sflag:s0] =	ssyncadd.remote.s32 $0x1  }
0xbf: {  	_ =	sfence.sel $0xFFFF  }
0xc0: {  	[dreg:$0x0] =	wrdreg $0xFFFFFFFF;
	(pc) =	sbr.abs _section_cstart, $3  }
0xc1: {  	[dreg:$0x1] =	wrdreg $0xFFFFFFFF  }
0xc2: {  	_ =	task.clear_ibuf [dreg:s7], $0x2FFFF;
	_ =	strace $0x9FFFFFFF  }
0xc3: {  	(tm) =	ssettm $0x7FFFFFFF  }
tec
execute0_lowered:
.L_overlay_start_1:
0x0: {  	(tag) =	ssettag $0x1  }
0x1: {  	s0 =	rddreg [dreg:$0x0]  }
0x2: {  	s1 =	srdreg.scid;
	s3 =	rddreg [dreg:$0x1]  }
0x3: {  	s8 =	stileid.u32;
	s2 =	rddreg [dreg:$0x2]  }
0x4: {  	s6 =	simm.s32 $0x0;
	s18 =	simm.s32 $0x1D700;
	s19 =	simm.s32 $0x14000  }
0x5: {  	s20 =	simm.s32 $0x7;
	s21 =	simm.s32 $0x16780;
	s22 =	simm.s32 $0x4  }
0x6: {  	s28 =	simm.s32 $0x1;
	s30 =	simm.s32 $0x2;
	s29 =	simm.s32 $0x5  }
0x7: {  	s31 =	simm.s32 $0x0;
	s1 =	sand.u32 $0x1, s1;
	s23 =	smul.u32 $0x50000, s8  }
0x8: {  	s4 =	sshll.u32 s8, $0x1;
	[smem:$0x7FF] =	sst s6;
	s26 =	smul.u32 $0x14000, s8  }
0x9: {  	s4 =	sor.u32 s1, s4;
	s7 =	ssub.s32 $0x2, s1;
	s1 =	smul.u32 $0x140000, s1  }
0xa: {  	_ =	strace $0x80000050;
	s5 =	smul.u32 $0x4E3, s4;
	s4 =	sadd.s32 $0x8D800, s0  }
0xb: {  	s24 =	sshrl.u32 s7, $0x1;
	s6 =	sshrl.u32 s23, $0x2;
	s23 =	simm.s32 $0x48  }
0xc: {  	s17 =	ssub.s32 s7, s24;
	s1 =	sadd.s32 s26, s1;
	s24 =	simm.s32 $0x18F00  }
0xd: {  	s26 =	simm.s32 $0x1B300;
	s0 =	sadd.s32 s5, s0;
	s5 =	sadd.s32 s6, s2  }
0xe: {  	s1 =	sshrl.u32 s1, $0x3;
	s17 =	smax.u32 s17, $0x1;
	s6 =	sadd.s32 $0x2400, s5  }
.Ltmp0:
0xf: {  	s25 =	sadd.s32 $0x4800, s5;
	s8 =	sadd.s32 $0x6C00, s5;
	(pc) =	sbr.rel .LBB2_1-.Ltmp0, $4  }
0x10: {  	s9 =	sadd.s32 $0x9000, s5;
	s10 =	sadd.s32 $0xB400, s5;
	s11 =	sadd.s32 $0xD800, s5  }
0x11: {  	s12 =	sadd.s32 $0xFC00, s5;
	s13 =	sadd.s32 $0x12000, s5;
	s14 =	sadd.s32 $0xBC00, s0  }
0x12: {  	s15 =	sadd.s32 $0x1E00, s0;
	s16 =	sadd.s32 s3, s1;
	[dreg:$0x4] =	wrdreg s6  }
0x13: {  	v0 =	vimm.f32 $0.0e+00;
	s0 =	simm.s32 $0x3;
	s1 =	simm.s32 $0x6;
	[dreg:$0x5] =	wrdreg s25  }
.LBB2_6:
0x14: {  	_ =	swait.ge [sflag:s28], $0x2400  }
0x15: {  	[sflag:s28] =	ssyncset.done $0x0  }
0x16: {  	s3 =	simm.s32 $0x18E50;
	[sflag:s28] =	ssyncadd.s32 $0xFFFFDC00  }
0x17: {  	[spmem:s2] =	stream.indirect.scatter.add.f32 [tilespmem:s24], [sflag:$0x4], $0x80, s3, s23, $0xb8;
	[tilespmem:$0x1FB00] =	vst v63  }
0x18: {  	_ =	swait.ge [sflag:s22], $0x2400  }
0x19: {  	[sflag:s22] =	ssyncset.done $0x0  }
0x1a: {  	[sflag:s22] =	ssyncadd.s32 $0xFFFFDC00  }
0x1b: {  	_ =	swait.ge [sflag:s29], $0x2400  }
0x1c: {  	[sflag:s29] =	ssyncset.done $0x0  }
0x1d: {  	[sflag:s29] =	ssyncadd.s32 $0xFFFFDC00  }
0x1e: {  	s25 =	stileid.u32;
	_ =	swait.ge [sflag:s1], $0x2400  }
0x1f: {  	s6 =	sshrl.u32 s5, $0x3;
	s31 =	sadd.s32 $0x1, s31;
	[sflag:s1] =	ssyncset.done $0x0  }
0x20: {  	p0 =	sne.s32 s31, s17;
	s3 =	sshll.u32 s25, $0x6;
	[sflag:s1] =	ssyncadd.s32 $0xFFFFDC00  }
.Ltmp1:
0x21: {  	s3 =	sor.u32 $0x1C07, s3;
	[bflag:$0x0] =	sbarrier.arrive $0xFFFF;
	(pc) =	sbr.rel @!p0 .LBB2_7-.Ltmp1, $4  }
0x22: {  	[hbm:s16], [sflag:s3] =	dma.local [spmem:s6], $0x2800  }
0x23: {  	_ =	swait.ge [sflag:s20], $0x2800  }
0x24: {  	[sflag:s20] =	ssyncset.done $0x0  }
0x25: {  	[sflag:s20] =	ssyncadd.s32 $0xFFFFD800  }
.LBB2_1:
0x26: {  	s6 =	simm.s32 $0x0  }
0x27: {  	s3 =	sand.u32 $0xFE00, s6  }
0x28: {  	s6 =	sand.u32 $0x70, s6;
	s25 =	sshrl.u32 s3, $0x2  }
0x29: {  	s3 =	simm.s32 $0x40;
	s6 =	sor.u32 s6, s25;
	s25 =	simm.s32 $0x0  }
.LBB2_2:
0x2a: {  	p0 =	sne.s32 s3, $0x8FC0  }
0x2b: {  	[tilespmem:s6+$0x1D700] =	vst v0;
	s25 =	sadd.s32 $0x10, s25;
	s6 =	smov.u32 s3;
	s3 =	sadd.s32 $0x40, s3  }
.Ltmp2:
0x2c: {  	(pc) =	sbr.rel @p0 .LBB2_2-.Ltmp2, $4  }
0x2d: {  	_ = 	snop  }
0x2e: {  	s6 =	sand.u32 $0xFE00, s6  }
0x2f: {  	s7 =	sand.u32 $0x70, s25;
	s6 =	sshrl.u32 s6, $0x2  }
0x30: {  	s6 =	sor.u32 s7, s6  }
0x31: {  	[tilespmem:s6+$0x1D700] =	vst v0  }
0x32: {  	[spmem:s5] =	stream.linear.scatter [tilespmem:s18], [sflag:$0x4], $0x2400, $0x38;
	[tilespmem:$0x1FB00] =	vst v63  }
0x33: {  	s3 =	rddreg [dreg:$0x4]  }
0x34: {  	[spmem:s3] =	stream.linear.scatter [tilespmem:s18], [sflag:$0x4], $0x2400, $0x38;
	[tilespmem:$0x1FB00] =	vst v63  }
0x35: {  	s25 =	rddreg [dreg:$0x5]  }
0x36: {  	[spmem:s25] =	stream.linear.scatter [tilespmem:s18], [sflag:$0x4], $0x2400, $0x38;
	[tilespmem:$0x1FB00] =	vst v63  }
0x37: {  	_ = 	snop  }
0x38: {  	[spmem:s8] =	stream.linear.scatter [tilespmem:s18], [sflag:$0x4], $0x2400, $0x38;
	[tilespmem:$0x1FB00] =	vst v63  }
0x39: {  	_ = 	snop  }
0x3a: {  	[spmem:s9] =	stream.linear.scatter [tilespmem:s18], [sflag:$0x4], $0x2400, $0x38;
	[tilespmem:$0x1FB00] =	vst v63  }
0x3b: {  	_ = 	snop  }
0x3c: {  	[spmem:s10] =	stream.linear.scatter [tilespmem:s18], [sflag:$0x4], $0x2400, $0x38;
	[tilespmem:$0x1FB00] =	vst v63  }
0x3d: {  	_ = 	snop  }
0x3e: {  	[spmem:s11] =	stream.linear.scatter [tilespmem:s18], [sflag:$0x4], $0x2400, $0x38;
	[tilespmem:$0x1FB00] =	vst v63  }
0x3f: {  	_ = 	snop  }
0x40: {  	[spmem:s12] =	stream.linear.scatter [tilespmem:s18], [sflag:$0x4], $0x2400, $0x38;
	[tilespmem:$0x1FB00] =	vst v63  }
0x41: {  	_ = 	snop  }
0x42: {  	[spmem:s13] =	stream.linear.scatter [tilespmem:s18], [sflag:$0x4], $0x2000, $0x38;
	[tilespmem:$0x1FB00] =	vst v63  }
0x43: {  	s25 =	simm.s32 $0x0  }
0x44: {  	[tilespmem:s19], [sflag:$0x7] =	stream.linear.gather [hbm4b:s14+s25], $0x2718, $0x38;
	[tilespmem:$0x1FB00] =	vst v63  }
0x45: {  	_ =	swait.ge [sflag:s20], $0x2718  }
0x46: {  	[sflag:s20] =	ssyncset.done $0x0  }
0x47: {  	[sflag:s20] =	ssyncadd.s32 $0xFFFFD8E8  }
0x48: {  	[tilespmem:s21], [sflag:$0x7] =	stream.linear.gather [hbm4b:s15+s25], $0x2718, $0x38;
	[tilespmem:$0x1FB00] =	vst v63  }
0x49: {  	_ =	swait.ge [sflag:s20], $0x2718  }
0x4a: {  	[sflag:s20] =	ssyncset.done $0x0  }
0x4b: {  	[sflag:s20] =	ssyncadd.s32 $0xFFFFD8E8  }
0x4c: {  	_ =	swait.ge [sflag:s22], $0x2400  }
0x4d: {  	[sflag:s22] =	ssyncset.done $0x0  }
0x4e: {  	[sflag:s22] =	ssyncadd.s32 $0xFFFFDC00  }
0x4f: {  	_ =	swait.ge [sflag:s22], $0x2400  }
0x50: {  	[sflag:s22] =	ssyncset.done $0x0  }
0x51: {  	[sflag:s22] =	ssyncadd.s32 $0xFFFFDC00  }
0x52: {  	_ =	swait.ge [sflag:s22], $0x2400  }
0x53: {  	[sflag:s22] =	ssyncset.done $0x0  }
0x54: {  	[sflag:s22] =	ssyncadd.s32 $0xFFFFDC00  }
0x55: {  	_ =	swait.ge [sflag:s22], $0x2400  }
0x56: {  	[sflag:s22] =	ssyncset.done $0x0  }
0x57: {  	[sflag:s22] =	ssyncadd.s32 $0xFFFFDC00  }
0x58: {  	_ =	swait.ge [sflag:s22], $0x2400  }
0x59: {  	[sflag:s22] =	ssyncset.done $0x0  }
0x5a: {  	[sflag:s22] =	ssyncadd.s32 $0xFFFFDC00  }
0x5b: {  	_ =	swait.ge [sflag:s22], $0x2400  }
0x5c: {  	[sflag:s22] =	ssyncset.done $0x0  }
0x5d: {  	[sflag:s22] =	ssyncadd.s32 $0xFFFFDC00  }
0x5e: {  	_ =	swait.ge [sflag:s22], $0x2400  }
0x5f: {  	[sflag:s22] =	ssyncset.done $0x0  }
0x60: {  	[sflag:s22] =	ssyncadd.s32 $0xFFFFDC00  }
0x61: {  	_ =	swait.ge [sflag:s22], $0x2400  }
0x62: {  	[sflag:s22] =	ssyncset.done $0x0  }
0x63: {  	[sflag:s22] =	ssyncadd.s32 $0xFFFFDC00  }
0x64: {  	_ =	swait.ge [sflag:s22], $0x2000  }
0x65: {  	[sflag:s22] =	ssyncset.done $0x0  }
0x66: {  	[sflag:s22] =	ssyncadd.s32 $0xFFFFE000  }
0x67: {  	[bflag:$0x0] =	sbarrier.arrive $0xFFFF  }
0x68: {  	[tilespmem:s24], [sflag:$0x1] =	stream.indirect.gather [hbm4b:s4+s23], $0x80, s19, s23, $0xb8;
	[tilespmem:$0x1FB00] =	vst v63  }
0x69: {  	s6 =	simm.s32 $0x14048  }
0x6a: {  	[tilespmem:s26], [sflag:$0x2] =	stream.indirect.gather [hbm4b:s4+s23], $0x80, s6, s23, $0xb8;
	[tilespmem:$0x1FB00] =	vst v63  }
0x6b: {  	_ =	swait.ge [sflag:s28], $0x2400  }
0x6c: {  	[sflag:s28] =	ssyncset.done $0x0  }
0x6d: {  	[sflag:s28] =	ssyncadd.s32 $0xFFFFDC00  }
0x6e: {  	[spmem:s2] =	stream.indirect.scatter.add.f32 [tilespmem:s24], [sflag:$0x4], $0x80, s21, s23, $0xb8;
	[tilespmem:$0x1FB00] =	vst v63  }
0x6f: {  	s7 =	simm.s32 $0x14090  }
0x70: {  	[tilespmem:s18], [sflag:$0x3] =	stream.indirect.gather [hbm4b:s4+s23], $0x80, s7, s23, $0xb8;
	[tilespmem:$0x1FB00] =	vst v63  }
0x71: {  	_ =	swait.ge [sflag:s30], $0x2400  }
0x72: {  	[sflag:s30] =	ssyncset.done $0x0  }
0x73: {  	s6 =	simm.s32 $0x167C8;
	[sflag:s30] =	ssyncadd.s32 $0xFFFFDC00  }
0x74: {  	[spmem:s2] =	stream.indirect.scatter.add.f32 [tilespmem:s26], [sflag:$0x5], $0x80, s6, s23, $0xb8;
	[tilespmem:$0x1FB00] =	vst v63  }
0x75: {  	_ =	swait.ge [sflag:s22], $0x2400  }
0x76: {  	[sflag:s22] =	ssyncset.done $0x0  }
0x77: {  	s7 =	simm.s32 $0x140D8;
	[sflag:s22] =	ssyncadd.s32 $0xFFFFDC00  }
0x78: {  	[tilespmem:s24], [sflag:$0x1] =	stream.indirect.gather [hbm4b:s4+s23], $0x80, s7, s23, $0xb8;
	[tilespmem:$0x1FB00] =	vst v63  }
0x79: {  	_ =	swait.ge [sflag:s0], $0x2400  }
0x7a: {  	[sflag:s0] =	ssyncset.done $0x0  }
0x7b: {  	s6 =	simm.s32 $0x16810;
	[sflag:s0] =	ssyncadd.s32 $0xFFFFDC00  }
0x7c: {  	[spmem:s2] =	stream.indirect.scatter.add.f32 [tilespmem:s18], [sflag:$0x6], $0x80, s6, s23, $0xb8;
	[tilespmem:$0x1FB00] =	vst v63  }
0x7d: {  	_ =	swait.ge [sflag:s29], $0x2400  }
0x7e: {  	[sflag:s29] =	ssyncset.done $0x0  }
0x7f: {  	s7 =	simm.s32 $0x14120;
	[sflag:s29] =	ssyncadd.s32 $0xFFFFDC00  }
0x80: {  	[tilespmem:s26], [sflag:$0x2] =	stream.indirect.gather [hbm4b:s4+s23], $0x80, s7, s23, $0xb8;
	[tilespmem:$0x1FB00] =	vst v63  }
.LBB2_4:
0x81: {  	_ =	swait.ge [sflag:s28], $0x2400  }
0x82: {  	s3 =	sshra.s32 s25, $0x2;
	[sflag:s28] =	ssyncset.done $0x0  }
0x83: {  	s6 =	sadd.s32 $0x16858, s3;
	[sflag:s28] =	ssyncadd.s32 $0xFFFFDC00  }
0x84: {  	[spmem:s2] =	stream.indirect.scatter.add.f32 [tilespmem:s24], [sflag:$0x4], $0x80, s6, s23, $0xb8;
	[tilespmem:$0x1FB00] =	vst v63  }
0x85: {  	_ =	swait.ge [sflag:s1], $0x2400  }
0x86: {  	[sflag:s1] =	ssyncset.done $0x0  }
0x87: {  	s7 =	sadd.s32 $0x14168, s3;
	[sflag:s1] =	ssyncadd.s32 $0xFFFFDC00  }
0x88: {  	[tilespmem:s18], [sflag:$0x3] =	stream.indirect.gather [hbm4b:s4+s23], $0x80, s7, s23, $0xb8;
	[tilespmem:$0x1FB00] =	vst v63  }
0x89: {  	_ =	swait.ge [sflag:s30], $0x2400  }
0x8a: {  	[sflag:s30] =	ssyncset.done $0x0  }
0x8b: {  	s7 =	sadd.s32 $0x168A0, s3;
	[sflag:s30] =	ssyncadd.s32 $0xFFFFDC00  }
0x8c: {  	[spmem:s2] =	stream.indirect.scatter.add.f32 [tilespmem:s26], [sflag:$0x5], $0x80, s7, s23, $0xb8;
	[tilespmem:$0x1FB00] =	vst v63  }
0x8d: {  	_ =	swait.ge [sflag:s22], $0x2400  }
0x8e: {  	[sflag:s22] =	ssyncset.done $0x0  }
0x8f: {  	p0 =	seq.s32 s25, $0x9480;
	s7 =	sadd.s32 $0x141B0, s3;
	[sflag:s22] =	ssyncadd.s32 $0xFFFFDC00  }
0x90: {  	[tilespmem:s24], [sflag:$0x1] =	stream.indirect.gather [hbm4b:s4+s23], $0x80, s7, s23, $0xb8;
	[tilespmem:$0x1FB00] =	vst v63  }
.Ltmp3:
0x91: {  	_ = 	snop;
	(pc) =	sbr.rel @p0 .LBB2_6-.Ltmp3, $4  }
0x92: {  	_ =	swait.ge [sflag:s0], $0x2400  }
0x93: {  	[sflag:s0] =	ssyncset.done $0x0  }
0x94: {  	s7 =	sadd.s32 $0x168E8, s3;
	[sflag:s0] =	ssyncadd.s32 $0xFFFFDC00  }
0x95: {  	[spmem:s2] =	stream.indirect.scatter.add.f32 [tilespmem:s18], [sflag:$0x6], $0x80, s7, s23, $0xb8;
	[tilespmem:$0x1FB00] =	vst v63  }
.Ltmp4:
0x96: {  	(pc) =	sbr.rel .LBB2_4-.Ltmp4, $4  }
0x97: {  	_ =	swait.ge [sflag:s29], $0x2400  }
0x98: {  	[sflag:s29] =	ssyncset.done $0x0  }
0x99: {  	s3 =	sadd.s32 $0x141F8, s3;
	s25 =	sadd.s32 $0x360, s25;
	[sflag:s29] =	ssyncadd.s32 $0xFFFFDC00  }
0x9a: {  	[tilespmem:s26], [sflag:$0x2] =	stream.indirect.gather [hbm4b:s4+s23], $0x80, s3, s23, $0xb8;
	[tilespmem:$0x1FB00] =	vst v63  }
.LBB2_7:
0x9b: {  	_ =	sfence.sel $0x180000  }
0x9c: {  	[bflag:$0x0] =	sbarrier.arrive $0xFFFF  }
0x9d: {  	_ =	strace $0x90000050  }
0x9e: {  	s0 =	stileid.u32;
	[bflag:$0x2] =	sbarrier.arrive $0xFFFF  }
0x9f: {  	p0 =	sne.s32 s0, $0x0;
	s0 =	rddreg [dreg:$0x3]  }
0xa0: {  	s0 =	sadd.s32 @!p0 $0x100000, s0  }
0xa1: {  	[sflag:s0] =	ssyncadd.tile.s32 @!p0 $0x1;
	_ =	shalt  }
.Lfunc_end2:
_tile_overlayer_lowered:
.L_overlay_start_2:
0xa2: {  	(tag) =	ssettag $0x2  }
0xa3: {  	s0 =	rddreg [dreg:$0x0];
	s2 =	stileid.u32  }
0xa4: {  	s1 =	rddreg [dreg:$0x1];
	p0 =	sne.s32 s2, $0x0  }
0xa5: {  	s3 =	rddreg [dreg:$0x2];
	[bflag:$0x3] =	sbarrier.arrive $0xFFFF;
	s2 =	simm.s32 @!p0 $0x1C07  }
0xa6: {  	[timem:s3], [sflag:s2] =	dma.local @!p0 [hbm:s0], s1  }
0xa7: {  	s0 =	simm.s32 @!p0 $0x7  }
0xa8: {  	_ =	swait.ge @!p0 [sflag:s0], s1  }
0xa9: {  	s1 =	ssub.s32 @!p0 $0x0, s1;
	[sflag:s0] =	ssyncset.done @!p0 $0x0  }
0xaa: {  	[sflag:s0] =	ssyncadd.s32 @!p0 s1  }
0xab: {  	[bflag:$0x3] =	sbarrier.arrive $0xFFFF  }
0xac: {  	_ =	shalt  }

// kernel: kernel.6.cloned.1.call-start
scs
__scs_entry_jumppad:
0x0: {  	(pc) =	sbr.rel $0x88, $3  }
0x1: {  	(tag) =	ssettag $0x0;
	lr =	simm.s32 $0x1  }
0x2: {  	[smem:$0x3F9E] =	sst lr;
	_ =	strace $0xD0000000  }
0x3: {  	_ = 	snop  }
0x4: {  	_ = 	snop  }
0x5: {  	_ = 	snop  }
0x6: {  	_ = 	snop  }
0x7: {  	_ = 	snop  }
__scs_overlays_trampoline_lowered:
0x8: {  	[smem:$0x3FAD] =	sst s0  }
0x9: {  	[smem:$0x3FAE] =	sst s1  }
0xa: {  	[smem:$0x3FAF] =	sst s2  }
0xb: {  	[smem:$0x3FB0] =	sst s3  }
0xc: {  	[smem:$0x3FB1] =	sst s4  }
0xd: {  	[smem:$0x3FB2] =	sst s5  }
0xe: {  	[smem:$0x3FB3] =	sst s6  }
0xf: {  	[smem:$0x3FB4] =	sst s7  }
0x10: {  	[smem:$0x3FB5] =	sst s8  }
0x11: {  	[smem:$0x3FB6] =	sst s9;
	s0 =	simm.s32 @!p0 $0x0  }
0x12: {  	s1 =	sld [smem:$0x3F9C];
	s0 =	simm.s32 @p0 $0x1  }
0x13: {  	[smem:$0x3FB7] =	sst s0;
	s0 =	simm.s32 @!p1 $0x0  }
0x14: {  	s2 =	sld [smem:$0x3F9B];
	s0 =	simm.s32 @p1 $0x1  }
0x15: {  	[smem:$0x3FB8] =	sst s0;
	s0 =	simm.s32 @!p2 $0x0  }
0x16: {  	s3 =	sld [smem:$0x3FDB];
	s0 =	simm.s32 @p2 $0x1  }
0x17: {  	s4 =	simm.s32 $0x1BF5;
	[smem:$0x3FBA] =	sst s0  }
0x18: {  	s0 =	sld [smem:$0x3F9D];
	_ =	swait.ge [sflag:s4], $0x0  }
0x19: {  	s7 =	sld [smem:$0x3F9E]  }
0x1a: {  	s8 =	sadd.s32 $0xFFFFE003, lr  }
0x1b: {  	s9 =	sadd.s32 $0xFFFFFEF7, lr;
	s5 =	simm.s32 $0xFFFFFFFF;
	p2 =	slt.u32 s8, $0xFFFFF086  }
0x1c: {  	p1 =	slt.u32 s9, $0xF7A;
	s5 =	simm.s32 @!p2 $0x0  }
0x1d: {  	s5 =	simm.s32 @p1 $0x1;
	p0 =	seq.s32 s7, s2  }
0x1e: {  	s7 =	smul.u32 @!p0 $0xF7A, s2;
	p2 =	seq.s32 @!p0 s5, $0x0  }
0x1f: {  	s9 =	smul.u32 $0xF7A, s1;
	s8 =	simm.s32 @!p0 $0x1BF5;
	p2 =	por !p2, p0  }
0x20: {  	[sflag:s8] =	ssyncset.s32 @!p0 $0xFFFFF086;
	s6 =	sadd.s32 @!p0 s3, s7;
	s7 =	simm.s32 @!p0 $0x108  }
0x21: {  	s3 =	sadd.s32 s3, s9;
	s6 =	sadd.s32 @!p0 $0x88, s6;
	s7 =	simm.s32 @p2 $0x1082  }
0x22: {  	[simem:s7], [sflag:s8] =	dma.local @!p0 [hbm:s6], $0xF7A  }
0x23: {  	s9 =	sor.u32 $0xD0000000, s2;
	s6 =	simm.s32 $0x108;
	_ =	swait.ge @!p0 [sflag:s8], $0x0  }
0x24: {  	s3 =	sadd.s32 $0x88, s3;
	s6 =	simm.s32 @!p1 $0x1082;
	[sflag:s4] =	ssyncset.s32 $0xFFFFF086  }
0x25: {  	[simem:s6], [sflag:s4] =	dma.local [hbm:s3], $0xF7A  }
0x26: {  	[smem:$0x3F9E] =	sst s1;
	(tag) =	ssettag s2;
	_ =	strace s9  }
0x27: {  	s1 =	sld [smem:$0x3FAE]  }
0x28: {  	s2 =	sld [smem:$0x3FAF]  }
0x29: {  	s4 =	sld [smem:$0x3FB1]  }
0x2a: {  	p0 =	seq.s32 s5, $0x0;
	s5 =	sld [smem:$0x3FB2]  }
0x2b: {  	s6 =	sld [smem:$0x3FB3]  }
0x2c: {  	s7 =	sld [smem:$0x3FB4]  }
0x2d: {  	s3 =	simm.s32 $0x108;
	s8 =	sld [smem:$0x3FB5]  }
0x2e: {  	s3 =	simm.s32 @!p0 $0x1082;
	s9 =	sld [smem:$0x3FB6]  }
0x2f: {  	lr =	sadd.s32 s0, s3;
	s0 =	sld [smem:$0x3FAD]  }
0x30: {  	s3 =	sld [smem:$0x3FB0]  }
0x31: {  	[smem:$0x3FB9] =	sst s10  }
0x32: {  	s10 =	sld [smem:$0x3FB7];
	_ =	sdelay $0x3  }
0x33: {  	p0 =	seq.s32 s10, $0x1;
	s10 =	sld [smem:$0x3FB9];
	_ =	sdelay $0x3  }
0x34: {  	[smem:$0x3FB9] =	sst s10  }
0x35: {  	s10 =	sld [smem:$0x3FB8];
	_ =	sdelay $0x3  }
0x36: {  	p1 =	seq.s32 s10, $0x1;
	s10 =	sld [smem:$0x3FB9];
	_ =	sdelay $0x3  }
0x37: {  	[smem:$0x3FB9] =	sst s10  }
0x38: {  	s10 =	sld [smem:$0x3FBA]  }
0x39: {  	_ = 	snop;
	(pc) =	sbr.ind lr, $3  }
0x3a: {  	_ = 	snop  }
0x3b: {  	_ = 	snop  }
0x3c: {  	p2 =	seq.s32 s10, $0x1;
	s10 =	sld [smem:$0x3FB9]  }
0x3d: {  	_ =	shalt  }
0x3e: {  	_ =	shalt  }
0x3f: {  	_ =	shalt  }
0x40: {  	_ =	shalt  }
0x41: {  	_ =	shalt  }
0x42: {  	_ =	shalt  }
0x43: {  	_ =	shalt  }
0x44: {  	_ =	shalt  }
0x45: {  	_ =	shalt  }
0x46: {  	_ =	shalt  }
0x47: {  	_ =	shalt  }
0x48: {  	_ =	shalt  }
0x49: {  	_ =	shalt  }
0x4a: {  	_ =	shalt  }
0x4b: {  	_ =	shalt  }
0x4c: {  	_ =	shalt  }
0x4d: {  	_ =	shalt  }
0x4e: {  	_ =	shalt  }
0x4f: {  	_ =	shalt  }
0x50: {  	_ =	shalt  }
0x51: {  	_ =	shalt  }
0x52: {  	_ =	shalt  }
0x53: {  	_ =	shalt  }
0x54: {  	_ =	shalt  }
0x55: {  	_ =	shalt  }
0x56: {  	_ =	shalt  }
0x57: {  	_ =	shalt  }
0x58: {  	_ =	shalt  }
0x59: {  	_ =	shalt  }
0x5a: {  	_ =	shalt  }
0x5b: {  	_ =	shalt  }
0x5c: {  	_ =	shalt  }
0x5d: {  	_ =	shalt  }
0x5e: {  	_ =	shalt  }
0x5f: {  	_ =	shalt  }
0x60: {  	_ =	shalt  }
0x61: {  	_ =	shalt  }
0x62: {  	_ =	shalt  }
0x63: {  	_ =	shalt  }
0x64: {  	_ =	shalt  }
0x65: {  	_ =	shalt  }
0x66: {  	_ =	shalt  }
0x67: {  	_ =	shalt  }
0x68: {  	_ =	shalt  }
0x69: {  	_ =	shalt  }
0x6a: {  	_ =	shalt  }
0x6b: {  	_ =	shalt  }
0x6c: {  	_ =	shalt  }
0x6d: {  	_ =	shalt  }
0x6e: {  	_ =	shalt  }
0x6f: {  	_ =	shalt  }
0x70: {  	_ =	shalt  }
0x71: {  	_ =	shalt  }
0x72: {  	_ =	shalt  }
0x73: {  	_ =	shalt  }
0x74: {  	_ =	shalt  }
0x75: {  	_ =	shalt  }
0x76: {  	_ =	shalt  }
0x77: {  	_ =	shalt  }
0x78: {  	_ =	shalt  }
0x79: {  	_ =	shalt  }
0x7a: {  	_ =	shalt  }
0x7b: {  	_ =	shalt  }
0x7c: {  	_ =	shalt  }
0x7d: {  	_ =	shalt  }
0x7e: {  	_ =	shalt  }
0x7f: {  	_ =	shalt  }
0x80: {  	_ =	shalt  }
0x81: {  	_ =	shalt  }
0x82: {  	_ =	shalt  }
0x83: {  	_ =	shalt  }
0x84: {  	_ =	shalt  }
0x85: {  	_ =	shalt  }
0x86: {  	_ =	shalt  }
0x87: {  	_ =	shalt  }
.Lfunc_end0:
.L_simem_size_0:
called_computation_lowered:
.L_overlay_start_0:
0x88: {  	s2 =	sld [smem:$0x3FD9]  }
0x89: {  	s3 =	sld [smem:$0x3FFE];
	_ =	sdelay $0x1  }
0x8a: {  	s1 =	srdreg.scid  }
0x8b: {  	s0 =	sand.u32 $0x1, s1  }
0x8c: {  	s17 =	sshll.u32 s0, $0xA;
	s2 =	sadd.s32 s3, s2  }
0x8d: {  	s2 =	sadd.s32 s2, s17  }
0x8e: {  	[smem:$0x3FC5] =	sst s2  }
0x8f: {  	_ = 	snop  }
0x90: {  	s2 =	sld [smem:$0x3FD0];
	(tm) =	ssettm $0x1  }
0x91: {  	s18 =	sld [smem:$0x3FFB];
	_ =	sdelay $0x3  }
0x92: {  	_ =	strace s18  }
0x93: {  	s3 =	sld [smem:$0x3FFC];
	_ =	sdelay $0x3  }
0x94: {  	_ =	strace s3  }
0x95: {  	s3 =	sld [smem:$0x3FFD];
	_ =	sdelay $0x3  }
0x96: {  	_ =	strace s3  }
0x97: {  	_ =	strace $0x8FFFFFFF  }
0x98: {  	s19 =	sld [smem:$0x3FDB];
	_ =	sdelay $0x1  }
0x99: {  	s4 =	simm.s32 $_scs_section_size  }
0x9a: {  	s5 =	simm.s32 $_size__tile_overlayer_lowered;
	s6 =	simm.s32 $_tile_overlayer_lowered  }
0x9b: {  	s22 =	simm.s32 $0x1BFF;
	s21 =	sshll.u32 s6, $0x1;
	s3 =	sadd.s32 s4, s19  }
0x9c: {  	s7 =	simm.s32 $0x0;
	s20 =	sshll.u32 s5, $0x1;
	s5 =	sadd.s32 s21, s3  }
0x9d: {  	[timem:s7], [sflag:s22] =	dma.local [hbm:s5], s20  }
0x9e: {  	_ =	swait.ge [sflag:s22], s20  }
0x9f: {  	s4 =	ssub.s32 $0x0, s20;
	[sflag:s22] =	ssyncset.done $0x0  }
0xa0: {  	[sflag:s22] =	ssyncadd.s32 s4;
	_ =	sdelay $0x1  }
0xa1: {  	s23 =	simm.s32 $0x1B8B  }
0xa2: {  	_ =	swait.ge [sflag:s23], $0x1  }
0xa3: {  	[sflag:s23] =	ssyncset.done $0x0  }
0xa4: {  	s25 =	simm.s32 $0x1B8E;
	s24 =	sld [smem:$0x3FFE];
	[sflag:s23] =	ssyncadd.s32 $0xFFFFFFFF  }
0xa5: {  	s26 =	simm.s32 $execute0_lowered;
	[smem:$0x3FD2] =	sst s25  }
0xa6: {  	s5 =	sshll.u32 s26, $0x1;
	_ =	strace $0x80000046;
	[dreg:$0x1] =	wrdreg $0xFFFFFFFF  }
0xa7: {  	s28 =	simm.s32 $_size_execute0_lowered;
	s3 =	sadd.s32 s3, s5;
	[dreg:$0x0] =	wrdreg $0x0  }
0xa8: {  	s5 =	sshll.u32 s28, $0x1;
	[dreg:$0x2] =	wrdreg s3  }
0xa9: {  	[dreg:$0x3] =	wrdreg s5  }
0xaa: {  	[dreg:$0x4] =	wrdreg $0xC0  }
0xab: {  	_ =	task [dreg:s7], $0x5FFFF  }
0xac: {  	[dreg:$0x1] =	wrdreg $0xFFFFFFFF  }
0xad: {  	[dreg:$0x0] =	wrdreg $0x60  }
0xae: {  	[dreg:$0x2] =	wrdreg s24  }
0xaf: {  	[dreg:$0x3] =	wrdreg s2  }
0xb0: {  	[dreg:$0x4] =	wrdreg $0x0  }
0xb1: {  	[dreg:$0x5] =	wrdreg $0x9  }
0xb2: {  	_ =	task.clear_ibuf [dreg:s7], $0x6FFFF;
	_ =	strace $0x90000046  }
0xb3: {  	s29 =	simm.s32 $0x9;
	_ =	strace $0x80000048  }
0xb4: {  	_ =	swait.ge [sflag:s29], $0x1  }
0xb5: {  	[sflag:s29] =	ssyncadd.s32 $0xFFFFFFFF  }
0xb6: {  	_ =	strace $0x90000048  }
0xb7: {  	_ =	sfence  }
0xb8: {  	s30 =	sld [smem:$0x0];
	_ =	sdelay $0x2  }
0xb9: {  	s31 =	sshll.u32 s1, $0xD;
	s1 =	sshrl.u32 s1, $0x2  }
0xba: {  	s3 =	sand.u32 $0x4000, s31;
	s1 =	sadd.s32 s1, s30  }
0xbb: {  	s0 =	sor.u32 s3, s0;
	s1 =	sshll.u32 s1, $0x11  }
0xbc: {  	s0 =	sor.u32 s1, s0  }
0xbd: {  	s0 =	sadd.s32 $0x8F2B, s0  }
0xbe: {  	[sflag:s0] =	ssyncadd.remote.s32 $0x1  }
0xbf: {  	_ =	sfence.sel $0xFFFF  }
0xc0: {  	[dreg:$0x0] =	wrdreg $0xFFFFFFFF;
	(pc) =	sbr.abs _section_cstart, $3  }
0xc1: {  	[dreg:$0x1] =	wrdreg $0xFFFFFFFF  }
0xc2: {  	_ =	task.clear_ibuf [dreg:s7], $0x2FFFF;
	_ =	strace $0x9FFFFFFF  }
0xc3: {  	(tm) =	ssettm $0x7FFFFFFF  }
tec
execute0_lowered:
.L_overlay_start_1:
0x0: {  	(tag) =	ssettag $0x1  }
0x1: {  	s4 =	rddreg [dreg:$0x0];
	s1 =	srdreg.scid  }
0x2: {  	s0 =	stileid.u32;
	s10 =	rddreg [dreg:$0x1]  }
0x3: {  	s2 =	rddreg [dreg:$0x2];
	s3 =	simm.s32 $0x0;
	s13 =	simm.s32 $0x2  }
0x4: {  	s14 =	simm.s32 $0x2A80;
	s15 =	simm.s32 $0x48;
	s16 =	simm.s32 $0x2A00  }
0x5: {  	s17 =	simm.s32 $0x2C8;
	s18 =	simm.s32 $0x310;
	s19 =	simm.s32 $0x358  }
0x6: {  	s20 =	simm.s32 $0x1;
	s23 =	simm.s32 $0x20;
	s24 =	simm.s32 $0x10  }
0x7: {  	s25 =	simm.s32 $0x0;
	s5 =	sand.u32 $0x1, s1;
	s1 =	rddreg [dreg:$0x3]  }
0x8: {  	s29 =	sshll.u32 s0, $0x1;
	[smem:$0x7FF] =	sst s3;
	s7 =	smul.u32 $0xA00, s0  }
0x9: {  	s9 =	smul.u32 $0x500, s0;
	s21 =	sshll.u32 s0, $0x6;
	s6 =	sor.u32 s5, s29  }
0xa: {  	_ =	strace $0x80000047;
	s30 =	ssub.s32 $0x2, s5;
	s31 =	sshll.u32 s5, $0x7  }
0xb: {  	s21 =	sor.u32 $0x1C02, s21;
	s6 =	smul.u32 $0x4E3, s6;
	s8 =	sshrl.u32 s30, $0x1  }
0xc: {  	s7 =	sshrl.u32 s7, $0x2;
	s9 =	sor.u32 s31, s9;
	s11 =	ssub.s32 s30, s8  }
0xd: {  	s12 =	sshrl.u32 s9, $0x3;
	s6 =	sadd.s32 s6, s4;
	s4 =	sadd.s32 s7, s2  }
0xe: {  	s10 =	sadd.s32 s10, s12;
	s11 =	smax.u32 s11, $0x1;
	s12 =	simm.s32 $0x280  }
0xf: {  	s5 =	sadd.s32 $0x1E00, s6;
	s6 =	sadd.s32 $0x80, s4;
	s7 =	sadd.s32 $0x100, s4  }
0x10: {  	v0 =	vimm.f32 $0.0e+00;
	v1 =	vimm.f32 $1.000000000e+00;
	s8 =	sadd.s32 $0x180, s4;
	s9 =	sadd.s32 $0x200, s4;
	s22 =	sshrl.u32 s4, $0x3  }
.LBB2_1:
0x11: {  	[tilespmem:s12], [sflag:$0x2] =	stream.linear.gather [hbm4b:s5+s3], $0x2718, $0x38;
	[tilespmem:$0x2B00] =	vst v63  }
0x12: {  	_ =	swait.ge [sflag:s13], $0x2718  }
0x13: {  	[sflag:s13] =	ssyncset.done $0x0  }
0x14: {  	[sflag:s13] =	ssyncadd.s32 $0xFFFFD8E8  }
0x15: {  	[tilespmem:$0x2A80] =	vst v0  }
0x16: {  	[tilespmem:$0x2A90] =	vst v0  }
0x17: {  	[tilespmem:$0x2AA0] =	vst v0  }
0x18: {  	[tilespmem:$0x2AB0] =	vst v0  }
0x19: {  	[tilespmem:$0x2AC0] =	vst v0  }
0x1a: {  	[tilespmem:$0x2AD0] =	vst v0  }
0x1b: {  	[tilespmem:$0x2AE0] =	vst v0  }
0x1c: {  	[tilespmem:$0x2AF0] =	vst v0  }
0x1d: {  	[tilespmem:$0x2A00] =	vst v1  }
0x1e: {  	[tilespmem:$0x2A10] =	vst v1  }
0x1f: {  	[tilespmem:$0x2A20] =	vst v1  }
0x20: {  	[tilespmem:$0x2A30] =	vst v1  }
0x21: {  	[tilespmem:$0x2A40] =	vst v1  }
0x22: {  	[spmem:s4] =	stream.linear.scatter [tilespmem:s14], [sflag:$0x2], $0x80, $0x38;
	[tilespmem:$0x2B00] =	vst v63  }
0x23: {  	_ =	swait.ge [sflag:s13], $0x80  }
0x24: {  	[sflag:s13] =	ssyncset.done $0x0  }
0x25: {  	[sflag:s13] =	ssyncadd.s32 $0xFFFFFF80  }
0x26: {  	[spmem:s6] =	stream.linear.scatter [tilespmem:s14], [sflag:$0x2], $0x80, $0x38;
	[tilespmem:$0x2B00] =	vst v63  }
0x27: {  	_ =	swait.ge [sflag:s13], $0x80  }
0x28: {  	[sflag:s13] =	ssyncset.done $0x0  }
0x29: {  	[sflag:s13] =	ssyncadd.s32 $0xFFFFFF80  }
0x2a: {  	[spmem:s7] =	stream.linear.scatter [tilespmem:s14], [sflag:$0x2], $0x80, $0x38;
	[tilespmem:$0x2B00] =	vst v63  }
0x2b: {  	_ =	swait.ge [sflag:s13], $0x80  }
0x2c: {  	[sflag:s13] =	ssyncset.done $0x0  }
0x2d: {  	[sflag:s13] =	ssyncadd.s32 $0xFFFFFF80  }
0x2e: {  	[spmem:s8] =	stream.linear.scatter [tilespmem:s14], [sflag:$0x2], $0x80, $0x38;
	[tilespmem:$0x2B00] =	vst v63  }
0x2f: {  	_ =	swait.ge [sflag:s13], $0x80  }
0x30: {  	[sflag:s13] =	ssyncset.done $0x0  }
0x31: {  	[sflag:s13] =	ssyncadd.s32 $0xFFFFFF80  }
0x32: {  	[spmem:s9] =	stream.linear.scatter [tilespmem:s14], [sflag:$0x2], $0x80, $0x38;
	[tilespmem:$0x2B00] =	vst v63  }
0x33: {  	_ =	swait.ge [sflag:s13], $0x80  }
0x34: {  	[sflag:s13] =	ssyncset.done $0x0  }
0x35: {  	[sflag:s13] =	ssyncadd.s32 $0xFFFFFF80  }
0x36: {  	[bflag:$0x0] =	sbarrier.arrive $0xFFFF  }
0x37: {  	[spmem:s2] =	stream.indirect.scatter.add.f32 [tilespmem:s16], [sflag:$0x1], $0x1, s12, s15, $0xb8;
	[tilespmem:$0x2B00] =	vst v63  }
0x38: {  	_ = 	snop  }
0x39: {  	[spmem:s2] =	stream.indirect.scatter.add.f32 [tilespmem:s16], [sflag:$0x1], $0x1, s17, s15, $0xb8;
	[tilespmem:$0x2B00] =	vst v63  }
0x3a: {  	_ = 	snop  }
0x3b: {  	[spmem:s2] =	stream.indirect.scatter.add.f32 [tilespmem:s16], [sflag:$0x1], $0x1, s18, s15, $0xb8;
	[tilespmem:$0x2B00] =	vst v63  }
0x3c: {  	_ = 	snop  }
0x3d: {  	[spmem:s2] =	stream.indirect.scatter.add.f32 [tilespmem:s16], [sflag:$0x1], $0x1, s19, s15, $0xb8;
	[tilespmem:$0x2B00] =	vst v63  }
0x3e: {  	s26 =	simm.s32 $0x3A0  }
0x3f: {  	[spmem:s2] =	stream.indirect.scatter.add.f32 [tilespmem:s16], [sflag:$0x1], $0x1, s26, s15, $0xb8;
	[tilespmem:$0x2B00] =	vst v63  }
0x40: {  	s26 =	simm.s32 $0x5A0;
	_ =	swait.ge [sflag:s20], $0x48  }
.LBB2_2:
0x41: {  	s28 =	sshra.s32 s26, $0x2;
	[sflag:s20] =	ssyncset.done $0x0;
	p0 =	sne.s32 s26, $0x9B40  }
.Ltmp0:
0x42: {  	s28 =	sadd.s32 $0x280, s28;
	[sflag:s20] =	ssyncadd.s32 $0xFFFFFFB8;
	(pc) =	sbr.rel @p0 .LBB2_2-.Ltmp0, $3  }
0x43: {  	[spmem:s2] =	stream.indirect.scatter.add.f32 [tilespmem:s16], [sflag:$0x1], $0x1, s28, s15, $0xb8;
	[tilespmem:$0x2B00] =	vst v63  }
0x44: {  	s26 =	sadd.s32 $0x120, s26;
	_ =	sdelay $0x1  }
0x45: {  	_ =	swait.ge [sflag:s20], $0x48  }
0x46: {  	[sflag:s20] =	ssyncset.done $0x0  }
0x47: {  	[sflag:s20] =	ssyncadd.s32 $0xFFFFFFB8  }
0x48: {  	_ =	swait.ge [sflag:s20], $0x48  }
0x49: {  	[sflag:s20] =	ssyncset.done $0x0  }
0x4a: {  	[sflag:s20] =	ssyncadd.s32 $0xFFFFFFB8  }
0x4b: {  	_ =	swait.ge [sflag:s20], $0x48  }
0x4c: {  	[sflag:s20] =	ssyncset.done $0x0  }
0x4d: {  	[sflag:s20] =	ssyncadd.s32 $0xFFFFFFB8  }
0x4e: {  	_ =	swait.ge [sflag:s20], $0x48  }
0x4f: {  	[sflag:s20] =	ssyncset.done $0x0  }
0x50: {  	[sflag:s20] =	ssyncadd.s32 $0xFFFFFFB8  }
0x51: {  	_ =	swait.ge [sflag:s20], $0x48  }
0x52: {  	s25 =	sadd.s32 $0x1, s25;
	[sflag:s20] =	ssyncset.done $0x0  }
0x53: {  	p0 =	sne.s32 s25, s11;
	[sflag:s20] =	ssyncadd.s32 $0xFFFFFFB8  }
.Ltmp1:
0x54: {  	[bflag:$0x0] =	sbarrier.arrive $0xFFFF;
	(pc) =	sbr.rel @p0 .LBB2_1-.Ltmp1, $4  }
0x55: {  	[hbm:s10@s23], [sflag:s21] =	dma.strided [spmem:s22@s24], $0x50, s20, $0x10   }
0x56: {  	_ =	swait.ge [sflag:s13], $0x50  }
0x57: {  	[sflag:s13] =	ssyncset.done $0x0  }
0x58: {  	[sflag:s13] =	ssyncadd.s32 $0xFFFFFFB0  }
0x59: {  	_ =	sfence.sel $0x180000  }
0x5a: {  	[bflag:$0x0] =	sbarrier.arrive $0xFFFF  }
0x5b: {  	p0 =	sne.s32 s0, $0x0;
	_ =	strace $0x90000047  }
0x5c: {  	s0 =	sadd.s32 @!p0 $0x100000, s1;
	[bflag:$0x2] =	sbarrier.arrive $0xFFFF  }
0x5d: {  	[sflag:s0] =	ssyncadd.tile.s32 @!p0 $0x1;
	_ =	shalt  }
.Lfunc_end2:
_tile_overlayer_lowered:
.L_overlay_start_2:
0x5e: {  	(tag) =	ssettag $0x2  }
0x5f: {  	s0 =	rddreg [dreg:$0x0];
	s2 =	stileid.u32  }
0x60: {  	s1 =	rddreg [dreg:$0x1];
	p0 =	sne.s32 s2, $0x0  }
0x61: {  	s3 =	rddreg [dreg:$0x2];
	[bflag:$0x3] =	sbarrier.arrive $0xFFFF;
	s2 =	simm.s32 @!p0 $0x1C02  }
0x62: {  	[timem:s3], [sflag:s2] =	dma.local @!p0 [hbm:s0], s1  }
0x63: {  	s0 =	simm.s32 @!p0 $0x2  }
0x64: {  	_ =	swait.ge @!p0 [sflag:s0], s1  }
0x65: {  	s1 =	ssub.s32 @!p0 $0x0, s1;
	[sflag:s0] =	ssyncset.done @!p0 $0x0  }
0x66: {  	[sflag:s0] =	ssyncadd.s32 @!p0 s1  }
0x67: {  	[bflag:$0x3] =	sbarrier.arrive $0xFFFF  }
0x68: {  	_ =	shalt  }

// kernel: kernel.9.cloned.1.call-start
scs
__scs_entry_jumppad:
0x0: {  	(pc) =	sbr.rel $0x88, $3  }
0x1: {  	(tag) =	ssettag $0x0;
	lr =	simm.s32 $0x1  }
0x2: {  	[smem:$0x3F9E] =	sst lr;
	_ =	strace $0xD0000000  }
0x3: {  	_ = 	snop  }
0x4: {  	_ = 	snop  }
0x5: {  	_ = 	snop  }
0x6: {  	_ = 	snop  }
0x7: {  	_ = 	snop  }
__scs_overlays_trampoline_lowered:
0x8: {  	[smem:$0x3FAD] =	sst s0  }
0x9: {  	[smem:$0x3FAE] =	sst s1  }
0xa: {  	[smem:$0x3FAF] =	sst s2  }
0xb: {  	[smem:$0x3FB0] =	sst s3  }
0xc: {  	[smem:$0x3FB1] =	sst s4  }
0xd: {  	[smem:$0x3FB2] =	sst s5  }
0xe: {  	[smem:$0x3FB3] =	sst s6  }
0xf: {  	[smem:$0x3FB4] =	sst s7  }
0x10: {  	[smem:$0x3FB5] =	sst s8  }
0x11: {  	[smem:$0x3FB6] =	sst s9;
	s0 =	simm.s32 @!p0 $0x0  }
0x12: {  	s1 =	sld [smem:$0x3F9C];
	s0 =	simm.s32 @p0 $0x1  }
0x13: {  	[smem:$0x3FB7] =	sst s0;
	s0 =	simm.s32 @!p1 $0x0  }
0x14: {  	s2 =	sld [smem:$0x3F9B];
	s0 =	simm.s32 @p1 $0x1  }
0x15: {  	[smem:$0x3FB8] =	sst s0;
	s0 =	simm.s32 @!p2 $0x0  }
0x16: {  	s3 =	sld [smem:$0x3FDB];
	s0 =	simm.s32 @p2 $0x1  }
0x17: {  	s4 =	simm.s32 $0x1BF5;
	[smem:$0x3FBA] =	sst s0  }
0x18: {  	s0 =	sld [smem:$0x3F9D];
	_ =	swait.ge [sflag:s4], $0x0  }
0x19: {  	s7 =	sld [smem:$0x3F9E]  }
0x1a: {  	s8 =	sadd.s32 $0xFFFFE003, lr  }
0x1b: {  	s9 =	sadd.s32 $0xFFFFFEF7, lr;
	s5 =	simm.s32 $0xFFFFFFFF;
	p2 =	slt.u32 s8, $0xFFFFF086  }
0x1c: {  	p1 =	slt.u32 s9, $0xF7A;
	s5 =	simm.s32 @!p2 $0x0  }
0x1d: {  	s5 =	simm.s32 @p1 $0x1;
	p0 =	seq.s32 s7, s2  }
0x1e: {  	s7 =	smul.u32 @!p0 $0xF7A, s2;
	p2 =	seq.s32 @!p0 s5, $0x0  }
0x1f: {  	s9 =	smul.u32 $0xF7A, s1;
	s8 =	simm.s32 @!p0 $0x1BF5;
	p2 =	por !p2, p0  }
0x20: {  	[sflag:s8] =	ssyncset.s32 @!p0 $0xFFFFF086;
	s6 =	sadd.s32 @!p0 s3, s7;
	s7 =	simm.s32 @!p0 $0x108  }
0x21: {  	s3 =	sadd.s32 s3, s9;
	s6 =	sadd.s32 @!p0 $0x88, s6;
	s7 =	simm.s32 @p2 $0x1082  }
0x22: {  	[simem:s7], [sflag:s8] =	dma.local @!p0 [hbm:s6], $0xF7A  }
0x23: {  	s9 =	sor.u32 $0xD0000000, s2;
	s6 =	simm.s32 $0x108;
	_ =	swait.ge @!p0 [sflag:s8], $0x0  }
0x24: {  	s3 =	sadd.s32 $0x88, s3;
	s6 =	simm.s32 @!p1 $0x1082;
	[sflag:s4] =	ssyncset.s32 $0xFFFFF086  }
0x25: {  	[simem:s6], [sflag:s4] =	dma.local [hbm:s3], $0xF7A  }
0x26: {  	[smem:$0x3F9E] =	sst s1;
	(tag) =	ssettag s2;
	_ =	strace s9  }
0x27: {  	s1 =	sld [smem:$0x3FAE]  }
0x28: {  	s2 =	sld [smem:$0x3FAF]  }
0x29: {  	s4 =	sld [smem:$0x3FB1]  }
0x2a: {  	p0 =	seq.s32 s5, $0x0;
	s5 =	sld [smem:$0x3FB2]  }
0x2b: {  	s6 =	sld [smem:$0x3FB3]  }
0x2c: {  	s7 =	sld [smem:$0x3FB4]  }
0x2d: {  	s3 =	simm.s32 $0x108;
	s8 =	sld [smem:$0x3FB5]  }
0x2e: {  	s3 =	simm.s32 @!p0 $0x1082;
	s9 =	sld [smem:$0x3FB6]  }
0x2f: {  	lr =	sadd.s32 s0, s3;
	s0 =	sld [smem:$0x3FAD]  }
0x30: {  	s3 =	sld [smem:$0x3FB0]  }
0x31: {  	[smem:$0x3FB9] =	sst s10  }
0x32: {  	s10 =	sld [smem:$0x3FB7];
	_ =	sdelay $0x3  }
0x33: {  	p0 =	seq.s32 s10, $0x1;
	s10 =	sld [smem:$0x3FB9];
	_ =	sdelay $0x3  }
0x34: {  	[smem:$0x3FB9] =	sst s10  }
0x35: {  	s10 =	sld [smem:$0x3FB8];
	_ =	sdelay $0x3  }
0x36: {  	p1 =	seq.s32 s10, $0x1;
	s10 =	sld [smem:$0x3FB9];
	_ =	sdelay $0x3  }
0x37: {  	[smem:$0x3FB9] =	sst s10  }
0x38: {  	s10 =	sld [smem:$0x3FBA]  }
0x39: {  	_ = 	snop;
	(pc) =	sbr.ind lr, $3  }
0x3a: {  	_ = 	snop  }
0x3b: {  	_ = 	snop  }
0x3c: {  	p2 =	seq.s32 s10, $0x1;
	s10 =	sld [smem:$0x3FB9]  }
0x3d: {  	_ =	shalt  }
0x3e: {  	_ =	shalt  }
0x3f: {  	_ =	shalt  }
0x40: {  	_ =	shalt  }
0x41: {  	_ =	shalt  }
0x42: {  	_ =	shalt  }
0x43: {  	_ =	shalt  }
0x44: {  	_ =	shalt  }
0x45: {  	_ =	shalt  }
0x46: {  	_ =	shalt  }
0x47: {  	_ =	shalt  }
0x48: {  	_ =	shalt  }
0x49: {  	_ =	shalt  }
0x4a: {  	_ =	shalt  }
0x4b: {  	_ =	shalt  }
0x4c: {  	_ =	shalt  }
0x4d: {  	_ =	shalt  }
0x4e: {  	_ =	shalt  }
0x4f: {  	_ =	shalt  }
0x50: {  	_ =	shalt  }
0x51: {  	_ =	shalt  }
0x52: {  	_ =	shalt  }
0x53: {  	_ =	shalt  }
0x54: {  	_ =	shalt  }
0x55: {  	_ =	shalt  }
0x56: {  	_ =	shalt  }
0x57: {  	_ =	shalt  }
0x58: {  	_ =	shalt  }
0x59: {  	_ =	shalt  }
0x5a: {  	_ =	shalt  }
0x5b: {  	_ =	shalt  }
0x5c: {  	_ =	shalt  }
0x5d: {  	_ =	shalt  }
0x5e: {  	_ =	shalt  }
0x5f: {  	_ =	shalt  }
0x60: {  	_ =	shalt  }
0x61: {  	_ =	shalt  }
0x62: {  	_ =	shalt  }
0x63: {  	_ =	shalt  }
0x64: {  	_ =	shalt  }
0x65: {  	_ =	shalt  }
0x66: {  	_ =	shalt  }
0x67: {  	_ =	shalt  }
0x68: {  	_ =	shalt  }
0x69: {  	_ =	shalt  }
0x6a: {  	_ =	shalt  }
0x6b: {  	_ =	shalt  }
0x6c: {  	_ =	shalt  }
0x6d: {  	_ =	shalt  }
0x6e: {  	_ =	shalt  }
0x6f: {  	_ =	shalt  }
0x70: {  	_ =	shalt  }
0x71: {  	_ =	shalt  }
0x72: {  	_ =	shalt  }
0x73: {  	_ =	shalt  }
0x74: {  	_ =	shalt  }
0x75: {  	_ =	shalt  }
0x76: {  	_ =	shalt  }
0x77: {  	_ =	shalt  }
0x78: {  	_ =	shalt  }
0x79: {  	_ =	shalt  }
0x7a: {  	_ =	shalt  }
0x7b: {  	_ =	shalt  }
0x7c: {  	_ =	shalt  }
0x7d: {  	_ =	shalt  }
0x7e: {  	_ =	shalt  }
0x7f: {  	_ =	shalt  }
0x80: {  	_ =	shalt  }
0x81: {  	_ =	shalt  }
0x82: {  	_ =	shalt  }
0x83: {  	_ =	shalt  }
0x84: {  	_ =	shalt  }
0x85: {  	_ =	shalt  }
0x86: {  	_ =	shalt  }
0x87: {  	_ =	shalt  }
.Lfunc_end0:
.L_simem_size_0:
called_computation.1_lowered:
.L_overlay_start_0:
0x88: {  	s2 =	sld [smem:$0x3FD9]  }
0x89: {  	s3 =	sld [smem:$0x3FFE];
	_ =	sdelay $0x1  }
0x8a: {  	s1 =	srdreg.scid  }
0x8b: {  	s0 =	sand.u32 $0x1, s1  }
0x8c: {  	s17 =	sshll.u32 s0, $0xA;
	s2 =	sadd.s32 s3, s2  }
0x8d: {  	s2 =	sadd.s32 s2, s17  }
0x8e: {  	[smem:$0x3FC5] =	sst s2  }
0x8f: {  	_ = 	snop  }
0x90: {  	s2 =	sld [smem:$0x3FD0];
	(tm) =	ssettm $0x1  }
0x91: {  	s18 =	sld [smem:$0x3FFB];
	_ =	sdelay $0x3  }
0x92: {  	_ =	strace s18  }
0x93: {  	s3 =	sld [smem:$0x3FFC];
	_ =	sdelay $0x3  }
0x94: {  	_ =	strace s3  }
0x95: {  	s3 =	sld [smem:$0x3FFD];
	_ =	sdelay $0x3  }
0x96: {  	_ =	strace s3  }
0x97: {  	_ =	strace $0x8FFFFFFF  }
0x98: {  	s19 =	sld [smem:$0x3FDB];
	_ =	sdelay $0x1  }
0x99: {  	s4 =	simm.s32 $_scs_section_size  }
0x9a: {  	s5 =	simm.s32 $_size__tile_overlayer_lowered;
	s6 =	simm.s32 $_tile_overlayer_lowered  }
0x9b: {  	s22 =	simm.s32 $0x1BFF;
	s21 =	sshll.u32 s6, $0x1;
	s3 =	sadd.s32 s4, s19  }
0x9c: {  	s7 =	simm.s32 $0x0;
	s20 =	sshll.u32 s5, $0x1;
	s5 =	sadd.s32 s21, s3  }
0x9d: {  	[timem:s7], [sflag:s22] =	dma.local [hbm:s5], s20  }
0x9e: {  	_ =	swait.ge [sflag:s22], s20  }
0x9f: {  	s4 =	ssub.s32 $0x0, s20;
	[sflag:s22] =	ssyncset.done $0x0  }
0xa0: {  	[sflag:s22] =	ssyncadd.s32 s4;
	_ =	sdelay $0x1  }
0xa1: {  	s23 =	simm.s32 $0x1B8B  }
0xa2: {  	_ =	swait.ge [sflag:s23], $0x1  }
0xa3: {  	[sflag:s23] =	ssyncset.done $0x0  }
0xa4: {  	s25 =	simm.s32 $0x1B8E;
	s24 =	sld [smem:$0x3FFE];
	[sflag:s23] =	ssyncadd.s32 $0xFFFFFFFF  }
0xa5: {  	s26 =	simm.s32 $execute0_lowered;
	[smem:$0x3FD2] =	sst s25  }
0xa6: {  	s5 =	sshll.u32 s26, $0x1;
	_ =	strace $0x80000049;
	[dreg:$0x1] =	wrdreg $0xFFFFFFFF  }
0xa7: {  	s28 =	simm.s32 $_size_execute0_lowered;
	s3 =	sadd.s32 s3, s5;
	[dreg:$0x0] =	wrdreg $0x0  }
0xa8: {  	s5 =	sshll.u32 s28, $0x1;
	[dreg:$0x2] =	wrdreg s3  }
0xa9: {  	[dreg:$0x3] =	wrdreg s5  }
0xaa: {  	[dreg:$0x4] =	wrdreg $0xC0  }
0xab: {  	_ =	task [dreg:s7], $0x5FFFF  }
0xac: {  	[dreg:$0x1] =	wrdreg $0xFFFFFFFF  }
0xad: {  	[dreg:$0x0] =	wrdreg $0x60  }
0xae: {  	[dreg:$0x2] =	wrdreg s24  }
0xaf: {  	[dreg:$0x3] =	wrdreg s2  }
0xb0: {  	[dreg:$0x4] =	wrdreg $0x0  }
0xb1: {  	[dreg:$0x5] =	wrdreg $0x9  }
0xb2: {  	_ =	task.clear_ibuf [dreg:s7], $0x6FFFF;
	_ =	strace $0x90000049  }
0xb3: {  	s29 =	simm.s32 $0x9;
	_ =	strace $0x8000004B  }
0xb4: {  	_ =	swait.ge [sflag:s29], $0x1  }
0xb5: {  	[sflag:s29] =	ssyncadd.s32 $0xFFFFFFFF  }
0xb6: {  	_ =	strace $0x9000004B  }
0xb7: {  	_ =	sfence  }
0xb8: {  	s30 =	sld [smem:$0x0];
	_ =	sdelay $0x2  }
0xb9: {  	s31 =	sshll.u32 s1, $0xD;
	s1 =	sshrl.u32 s1, $0x2  }
0xba: {  	s3 =	sand.u32 $0x4000, s31;
	s1 =	sadd.s32 s1, s30  }
0xbb: {  	s0 =	sor.u32 s3, s0;
	s1 =	sshll.u32 s1, $0x11  }
0xbc: {  	s0 =	sor.u32 s1, s0  }
0xbd: {  	s0 =	sadd.s32 $0x8F2B, s0  }
0xbe: {  	[sflag:s0] =	ssyncadd.remote.s32 $0x1  }
0xbf: {  	_ =	sfence.sel $0xFFFF  }
0xc0: {  	[dreg:$0x0] =	wrdreg $0xFFFFFFFF;
	(pc) =	sbr.abs _section_cstart, $3  }
0xc1: {  	[dreg:$0x1] =	wrdreg $0xFFFFFFFF  }
0xc2: {  	_ =	task.clear_ibuf [dreg:s7], $0x2FFFF;
	_ =	strace $0x9FFFFFFF  }
0xc3: {  	(tm) =	ssettm $0x7FFFFFFF  }
tec
execute0_lowered:
.L_overlay_start_1:
0x0: {  	(tag) =	ssettag $0x1  }
0x1: {  	s0 =	rddreg [dreg:$0x0]  }
0x2: {  	s1 =	srdreg.scid;
	s3 =	rddreg [dreg:$0x1]  }
0x3: {  	s8 =	stileid.u32;
	s2 =	rddreg [dreg:$0x2]  }
0x4: {  	s6 =	simm.s32 $0x0;
	s18 =	simm.s32 $0x1D700;
	s19 =	simm.s32 $0x14000  }
0x5: {  	s20 =	simm.s32 $0x7;
	s21 =	simm.s32 $0x16780;
	s22 =	simm.s32 $0x4  }
0x6: {  	s28 =	simm.s32 $0x1;
	s30 =	simm.s32 $0x2;
	s29 =	simm.s32 $0x5  }
0x7: {  	s31 =	simm.s32 $0x0;
	s1 =	sand.u32 $0x1, s1;
	s23 =	smul.u32 $0x50000, s8  }
0x8: {  	s4 =	sshll.u32 s8, $0x1;
	[smem:$0x7FF] =	sst s6;
	s26 =	smul.u32 $0x14000, s8  }
0x9: {  	s4 =	sor.u32 s1, s4;
	s7 =	ssub.s32 $0x2, s1;
	s1 =	smul.u32 $0x140000, s1  }
0xa: {  	_ =	strace $0x8000004A;
	s5 =	smul.u32 $0x4E3, s4;
	s4 =	sadd.s32 $0x15A00, s0  }
0xb: {  	s24 =	sshrl.u32 s7, $0x1;
	s6 =	sshrl.u32 s23, $0x2;
	s23 =	simm.s32 $0x48  }
0xc: {  	s17 =	ssub.s32 s7, s24;
	s1 =	sadd.s32 s26, s1;
	s24 =	simm.s32 $0x18F00  }
0xd: {  	s26 =	simm.s32 $0x1B300;
	s0 =	sadd.s32 s5, s0;
	s5 =	sadd.s32 s6, s2  }
0xe: {  	s1 =	sshrl.u32 s1, $0x3;
	s17 =	smax.u32 s17, $0x1;
	s6 =	sadd.s32 $0x2400, s5  }
.Ltmp0:
0xf: {  	s25 =	sadd.s32 $0x4800, s5;
	s8 =	sadd.s32 $0x6C00, s5;
	(pc) =	sbr.rel .LBB2_1-.Ltmp0, $4  }
0x10: {  	s9 =	sadd.s32 $0x9000, s5;
	s10 =	sadd.s32 $0xB400, s5;
	s11 =	sadd.s32 $0xD800, s5  }
0x11: {  	s12 =	sadd.s32 $0xFC00, s5;
	s13 =	sadd.s32 $0x12000, s5;
	s14 =	sadd.s32 $0xBC00, s0  }
0x12: {  	s15 =	sadd.s32 $0x1E00, s0;
	s16 =	sadd.s32 s3, s1;
	[dreg:$0x4] =	wrdreg s6  }
0x13: {  	v0 =	vimm.f32 $0.0e+00;
	s0 =	simm.s32 $0x3;
	s1 =	simm.s32 $0x6;
	[dreg:$0x5] =	wrdreg s25  }
.LBB2_6:
0x14: {  	_ =	swait.ge [sflag:s28], $0x2400  }
0x15: {  	[sflag:s28] =	ssyncset.done $0x0  }
0x16: {  	s3 =	simm.s32 $0x18E50;
	[sflag:s28] =	ssyncadd.s32 $0xFFFFDC00  }
0x17: {  	[spmem:s2] =	stream.indirect.scatter.add.f32 [tilespmem:s24], [sflag:$0x4], $0x80, s3, s23, $0xb8;
	[tilespmem:$0x1FB00] =	vst v63  }
0x18: {  	_ =	swait.ge [sflag:s22], $0x2400  }
0x19: {  	[sflag:s22] =	ssyncset.done $0x0  }
0x1a: {  	[sflag:s22] =	ssyncadd.s32 $0xFFFFDC00  }
0x1b: {  	_ =	swait.ge [sflag:s29], $0x2400  }
0x1c: {  	[sflag:s29] =	ssyncset.done $0x0  }
0x1d: {  	[sflag:s29] =	ssyncadd.s32 $0xFFFFDC00  }
0x1e: {  	s25 =	stileid.u32;
	_ =	swait.ge [sflag:s1], $0x2400  }
0x1f: {  	s6 =	sshrl.u32 s5, $0x3;
	s31 =	sadd.s32 $0x1, s31;
	[sflag:s1] =	ssyncset.done $0x0  }
0x20: {  	p0 =	sne.s32 s31, s17;
	s3 =	sshll.u32 s25, $0x6;
	[sflag:s1] =	ssyncadd.s32 $0xFFFFDC00  }
.Ltmp1:
0x21: {  	s3 =	sor.u32 $0x1C07, s3;
	[bflag:$0x0] =	sbarrier.arrive $0xFFFF;
	(pc) =	sbr.rel @!p0 .LBB2_7-.Ltmp1, $4  }
0x22: {  	[hbm:s16], [sflag:s3] =	dma.local [spmem:s6], $0x2800  }
0x23: {  	_ =	swait.ge [sflag:s20], $0x2800  }
0x24: {  	[sflag:s20] =	ssyncset.done $0x0  }
0x25: {  	[sflag:s20] =	ssyncadd.s32 $0xFFFFD800  }
.LBB2_1:
0x26: {  	s6 =	simm.s32 $0x0  }
0x27: {  	s3 =	sand.u32 $0xFE00, s6  }
0x28: {  	s6 =	sand.u32 $0x70, s6;
	s25 =	sshrl.u32 s3, $0x2  }
0x29: {  	s3 =	simm.s32 $0x40;
	s6 =	sor.u32 s6, s25;
	s25 =	simm.s32 $0x0  }
.LBB2_2:
0x2a: {  	p0 =	sne.s32 s3, $0x8FC0  }
0x2b: {  	[tilespmem:s6+$0x1D700] =	vst v0;
	s25 =	sadd.s32 $0x10, s25;
	s6 =	smov.u32 s3;
	s3 =	sadd.s32 $0x40, s3  }
.Ltmp2:
0x2c: {  	(pc) =	sbr.rel @p0 .LBB2_2-.Ltmp2, $4  }
0x2d: {  	_ = 	snop  }
0x2e: {  	s6 =	sand.u32 $0xFE00, s6  }
0x2f: {  	s7 =	sand.u32 $0x70, s25;
	s6 =	sshrl.u32 s6, $0x2  }
0x30: {  	s6 =	sor.u32 s7, s6  }
0x31: {  	[tilespmem:s6+$0x1D700] =	vst v0  }
0x32: {  	[spmem:s5] =	stream.linear.scatter [tilespmem:s18], [sflag:$0x4], $0x2400, $0x38;
	[tilespmem:$0x1FB00] =	vst v63  }
0x33: {  	s3 =	rddreg [dreg:$0x4]  }
0x34: {  	[spmem:s3] =	stream.linear.scatter [tilespmem:s18], [sflag:$0x4], $0x2400, $0x38;
	[tilespmem:$0x1FB00] =	vst v63  }
0x35: {  	s25 =	rddreg [dreg:$0x5]  }
0x36: {  	[spmem:s25] =	stream.linear.scatter [tilespmem:s18], [sflag:$0x4], $0x2400, $0x38;
	[tilespmem:$0x1FB00] =	vst v63  }
0x37: {  	_ = 	snop  }
0x38: {  	[spmem:s8] =	stream.linear.scatter [tilespmem:s18], [sflag:$0x4], $0x2400, $0x38;
	[tilespmem:$0x1FB00] =	vst v63  }
0x39: {  	_ = 	snop  }
0x3a: {  	[spmem:s9] =	stream.linear.scatter [tilespmem:s18], [sflag:$0x4], $0x2400, $0x38;
	[tilespmem:$0x1FB00] =	vst v63  }
0x3b: {  	_ = 	snop  }
0x3c: {  	[spmem:s10] =	stream.linear.scatter [tilespmem:s18], [sflag:$0x4], $0x2400, $0x38;
	[tilespmem:$0x1FB00] =	vst v63  }
0x3d: {  	_ = 	snop  }
0x3e: {  	[spmem:s11] =	stream.linear.scatter [tilespmem:s18], [sflag:$0x4], $0x2400, $0x38;
	[tilespmem:$0x1FB00] =	vst v63  }
0x3f: {  	_ = 	snop  }
0x40: {  	[spmem:s12] =	stream.linear.scatter [tilespmem:s18], [sflag:$0x4], $0x2400, $0x38;
	[tilespmem:$0x1FB00] =	vst v63  }
0x41: {  	_ = 	snop  }
0x42: {  	[spmem:s13] =	stream.linear.scatter [tilespmem:s18], [sflag:$0x4], $0x2000, $0x38;
	[tilespmem:$0x1FB00] =	vst v63  }
0x43: {  	s25 =	simm.s32 $0x0  }
0x44: {  	[tilespmem:s19], [sflag:$0x7] =	stream.linear.gather [hbm4b:s14+s25], $0x2718, $0x38;
	[tilespmem:$0x1FB00] =	vst v63  }
0x45: {  	_ =	swait.ge [sflag:s20], $0x2718  }
0x46: {  	[sflag:s20] =	ssyncset.done $0x0  }
0x47: {  	[sflag:s20] =	ssyncadd.s32 $0xFFFFD8E8  }
0x48: {  	[tilespmem:s21], [sflag:$0x7] =	stream.linear.gather [hbm4b:s15+s25], $0x2718, $0x38;
	[tilespmem:$0x1FB00] =	vst v63  }
0x49: {  	_ =	swait.ge [sflag:s20], $0x2718  }
0x4a: {  	[sflag:s20] =	ssyncset.done $0x0  }
0x4b: {  	[sflag:s20] =	ssyncadd.s32 $0xFFFFD8E8  }
0x4c: {  	_ =	swait.ge [sflag:s22], $0x2400  }
0x4d: {  	[sflag:s22] =	ssyncset.done $0x0  }
0x4e: {  	[sflag:s22] =	ssyncadd.s32 $0xFFFFDC00  }
0x4f: {  	_ =	swait.ge [sflag:s22], $0x2400  }
0x50: {  	[sflag:s22] =	ssyncset.done $0x0  }
0x51: {  	[sflag:s22] =	ssyncadd.s32 $0xFFFFDC00  }
0x52: {  	_ =	swait.ge [sflag:s22], $0x2400  }
0x53: {  	[sflag:s22] =	ssyncset.done $0x0  }
0x54: {  	[sflag:s22] =	ssyncadd.s32 $0xFFFFDC00  }
0x55: {  	_ =	swait.ge [sflag:s22], $0x2400  }
0x56: {  	[sflag:s22] =	ssyncset.done $0x0  }
0x57: {  	[sflag:s22] =	ssyncadd.s32 $0xFFFFDC00  }
0x58: {  	_ =	swait.ge [sflag:s22], $0x2400  }
0x59: {  	[sflag:s22] =	ssyncset.done $0x0  }
0x5a: {  	[sflag:s22] =	ssyncadd.s32 $0xFFFFDC00  }
0x5b: {  	_ =	swait.ge [sflag:s22], $0x2400  }
0x5c: {  	[sflag:s22] =	ssyncset.done $0x0  }
0x5d: {  	[sflag:s22] =	ssyncadd.s32 $0xFFFFDC00  }
0x5e: {  	_ =	swait.ge [sflag:s22], $0x2400  }
0x5f: {  	[sflag:s22] =	ssyncset.done $0x0  }
0x60: {  	[sflag:s22] =	ssyncadd.s32 $0xFFFFDC00  }
0x61: {  	_ =	swait.ge [sflag:s22], $0x2400  }
0x62: {  	[sflag:s22] =	ssyncset.done $0x0  }
0x63: {  	[sflag:s22] =	ssyncadd.s32 $0xFFFFDC00  }
0x64: {  	_ =	swait.ge [sflag:s22], $0x2000  }
0x65: {  	[sflag:s22] =	ssyncset.done $0x0  }
0x66: {  	[sflag:s22] =	ssyncadd.s32 $0xFFFFE000  }
0x67: {  	[bflag:$0x0] =	sbarrier.arrive $0xFFFF  }
0x68: {  	[tilespmem:s24], [sflag:$0x1] =	stream.indirect.gather [hbm4b:s4+s23], $0x80, s19, s23, $0xb8;
	[tilespmem:$0x1FB00] =	vst v63  }
0x69: {  	s6 =	simm.s32 $0x14048  }
0x6a: {  	[tilespmem:s26], [sflag:$0x2] =	stream.indirect.gather [hbm4b:s4+s23], $0x80, s6, s23, $0xb8;
	[tilespmem:$0x1FB00] =	vst v63  }
0x6b: {  	_ =	swait.ge [sflag:s28], $0x2400  }
0x6c: {  	[sflag:s28] =	ssyncset.done $0x0  }
0x6d: {  	[sflag:s28] =	ssyncadd.s32 $0xFFFFDC00  }
0x6e: {  	[spmem:s2] =	stream.indirect.scatter.add.f32 [tilespmem:s24], [sflag:$0x4], $0x80, s21, s23, $0xb8;
	[tilespmem:$0x1FB00] =	vst v63  }
0x6f: {  	s7 =	simm.s32 $0x14090  }
0x70: {  	[tilespmem:s18], [sflag:$0x3] =	stream.indirect.gather [hbm4b:s4+s23], $0x80, s7, s23, $0xb8;
	[tilespmem:$0x1FB00] =	vst v63  }
0x71: {  	_ =	swait.ge [sflag:s30], $0x2400  }
0x72: {  	[sflag:s30] =	ssyncset.done $0x0  }
0x73: {  	s6 =	simm.s32 $0x167C8;
	[sflag:s30] =	ssyncadd.s32 $0xFFFFDC00  }
0x74: {  	[spmem:s2] =	stream.indirect.scatter.add.f32 [tilespmem:s26], [sflag:$0x5], $0x80, s6, s23, $0xb8;
	[tilespmem:$0x1FB00] =	vst v63  }
0x75: {  	_ =	swait.ge [sflag:s22], $0x2400  }
0x76: {  	[sflag:s22] =	ssyncset.done $0x0  }
0x77: {  	s7 =	simm.s32 $0x140D8;
	[sflag:s22] =	ssyncadd.s32 $0xFFFFDC00  }
0x78: {  	[tilespmem:s24], [sflag:$0x1] =	stream.indirect.gather [hbm4b:s4+s23], $0x80, s7, s23, $0xb8;
	[tilespmem:$0x1FB00] =	vst v63  }
0x79: {  	_ =	swait.ge [sflag:s0], $0x2400  }
0x7a: {  	[sflag:s0] =	ssyncset.done $0x0  }
0x7b: {  	s6 =	simm.s32 $0x16810;
	[sflag:s0] =	ssyncadd.s32 $0xFFFFDC00  }
0x7c: {  	[spmem:s2] =	stream.indirect.scatter.add.f32 [tilespmem:s18], [sflag:$0x6], $0x80, s6, s23, $0xb8;
	[tilespmem:$0x1FB00] =	vst v63  }
0x7d: {  	_ =	swait.ge [sflag:s29], $0x2400  }
0x7e: {  	[sflag:s29] =	ssyncset.done $0x0  }
0x7f: {  	s7 =	simm.s32 $0x14120;
	[sflag:s29] =	ssyncadd.s32 $0xFFFFDC00  }
0x80: {  	[tilespmem:s26], [sflag:$0x2] =	stream.indirect.gather [hbm4b:s4+s23], $0x80, s7, s23, $0xb8;
	[tilespmem:$0x1FB00] =	vst v63  }
.LBB2_4:
0x81: {  	_ =	swait.ge [sflag:s28], $0x2400  }
0x82: {  	s3 =	sshra.s32 s25, $0x2;
	[sflag:s28] =	ssyncset.done $0x0  }
0x83: {  	s6 =	sadd.s32 $0x16858, s3;
	[sflag:s28] =	ssyncadd.s32 $0xFFFFDC00  }
0x84: {  	[spmem:s2] =	stream.indirect.scatter.add.f32 [tilespmem:s24], [sflag:$0x4], $0x80, s6, s23, $0xb8;
	[tilespmem:$0x1FB00] =	vst v63  }
0x85: {  	_ =	swait.ge [sflag:s1], $0x2400  }
0x86: {  	[sflag:s1] =	ssyncset.done $0x0  }
0x87: {  	s7 =	sadd.s32 $0x14168, s3;
	[sflag:s1] =	ssyncadd.s32 $0xFFFFDC00  }
0x88: {  	[tilespmem:s18], [sflag:$0x3] =	stream.indirect.gather [hbm4b:s4+s23], $0x80, s7, s23, $0xb8;
	[tilespmem:$0x1FB00] =	vst v63  }
0x89: {  	_ =	swait.ge [sflag:s30], $0x2400  }
0x8a: {  	[sflag:s30] =	ssyncset.done $0x0  }
0x8b: {  	s7 =	sadd.s32 $0x168A0, s3;
	[sflag:s30] =	ssyncadd.s32 $0xFFFFDC00  }
0x8c: {  	[spmem:s2] =	stream.indirect.scatter.add.f32 [tilespmem:s26], [sflag:$0x5], $0x80, s7, s23, $0xb8;
	[tilespmem:$0x1FB00] =	vst v63  }
0x8d: {  	_ =	swait.ge [sflag:s22], $0x2400  }
0x8e: {  	[sflag:s22] =	ssyncset.done $0x0  }
0x8f: {  	p0 =	seq.s32 s25, $0x9480;
	s7 =	sadd.s32 $0x141B0, s3;
	[sflag:s22] =	ssyncadd.s32 $0xFFFFDC00  }
0x90: {  	[tilespmem:s24], [sflag:$0x1] =	stream.indirect.gather [hbm4b:s4+s23], $0x80, s7, s23, $0xb8;
	[tilespmem:$0x1FB00] =	vst v63  }
.Ltmp3:
0x91: {  	_ = 	snop;
	(pc) =	sbr.rel @p0 .LBB2_6-.Ltmp3, $4  }
0x92: {  	_ =	swait.ge [sflag:s0], $0x2400  }
0x93: {  	[sflag:s0] =	ssyncset.done $0x0  }
0x94: {  	s7 =	sadd.s32 $0x168E8, s3;
	[sflag:s0] =	ssyncadd.s32 $0xFFFFDC00  }
0x95: {  	[spmem:s2] =	stream.indirect.scatter.add.f32 [tilespmem:s18], [sflag:$0x6], $0x80, s7, s23, $0xb8;
	[tilespmem:$0x1FB00] =	vst v63  }
.Ltmp4:
0x96: {  	(pc) =	sbr.rel .LBB2_4-.Ltmp4, $4  }
0x97: {  	_ =	swait.ge [sflag:s29], $0x2400  }
0x98: {  	[sflag:s29] =	ssyncset.done $0x0  }
0x99: {  	s3 =	sadd.s32 $0x141F8, s3;
	s25 =	sadd.s32 $0x360, s25;
	[sflag:s29] =	ssyncadd.s32 $0xFFFFDC00  }
0x9a: {  	[tilespmem:s26], [sflag:$0x2] =	stream.indirect.gather [hbm4b:s4+s23], $0x80, s3, s23, $0xb8;
	[tilespmem:$0x1FB00] =	vst v63  }
.LBB2_7:
0x9b: {  	_ =	sfence.sel $0x180000  }
0x9c: {  	[bflag:$0x0] =	sbarrier.arrive $0xFFFF  }
0x9d: {  	_ =	strace $0x9000004A  }
0x9e: {  	s0 =	stileid.u32;
	[bflag:$0x2] =	sbarrier.arrive $0xFFFF  }
0x9f: {  	p0 =	sne.s32 s0, $0x0;
	s0 =	rddreg [dreg:$0x3]  }
0xa0: {  	s0 =	sadd.s32 @!p0 $0x100000, s0  }
0xa1: {  	[sflag:s0] =	ssyncadd.tile.s32 @!p0 $0x1;
	_ =	shalt  }
.Lfunc_end2:
_tile_overlayer_lowered:
.L_overlay_start_2:
0xa2: {  	(tag) =	ssettag $0x2  }
0xa3: {  	s0 =	rddreg [dreg:$0x0];
	s2 =	stileid.u32  }
0xa4: {  	s1 =	rddreg [dreg:$0x1];
	p0 =	sne.s32 s2, $0x0  }
0xa5: {  	s3 =	rddreg [dreg:$0x2];
	[bflag:$0x3] =	sbarrier.arrive $0xFFFF;
	s2 =	simm.s32 @!p0 $0x1C07  }
0xa6: {  	[timem:s3], [sflag:s2] =	dma.local @!p0 [hbm:s0], s1  }
0xa7: {  	s0 =	simm.s32 @!p0 $0x7  }
0xa8: {  	_ =	swait.ge @!p0 [sflag:s0], s1  }
0xa9: {  	s1 =	ssub.s32 @!p0 $0x0, s1;
	[sflag:s0] =	ssyncset.done @!p0 $0x0  }
0xaa: {  	[sflag:s0] =	ssyncadd.s32 @!p0 s1  }
0xab: {  	[bflag:$0x3] =	sbarrier.arrive $0xFFFF  }
0xac: {  	_ =	shalt  }

</sc_bundles>
